<compile_context>
chip_gen: v7x
topology: tpu7x:2x2x1
jax: 0.10.2.dev20260603
libtpu: 0.0.44.dev20260713+nightly
codegen_flags: <defaults>
</compile_context>

<pallas_src>
import functools

import jax
import jax.numpy as jnp
from jax import lax
from jax.experimental import pallas as pl
from jax.experimental.pallas import tpu as pltpu
from jax.experimental.pallas import tpu_sc as plsc

B = 16384
D = 64
NC = 2
NS = 16
NW = NC * NS
BPW = B // NW
NPASS = 2
CROWS = BPW // NPASS
NGROUP = CROWS // 16


def _fire_row_gathers(tab_hbm, idx_v, buf, sem, chunk_base):

    def group(g, carry):
        idxv = idx_v[pl.ds(chunk_base + g * 16, 16)]
        for j in range(16):
            r = idxv[j]
            pltpu.async_copy(
                tab_hbm.at[pl.ds(r, 1), :],
                buf.at[pl.ds(g * 16 + j, 1), :],
                sem,
            )
        return carry

    lax.fori_loop(0, NGROUP, group, jnp.int32(0))


def _drain(tab_hbm, buf, sem):
    pltpu.make_async_copy(tab_hbm.at[pl.ds(0, CROWS), :], buf, sem).wait()


def _l2_normalize_rows(rows_ref):

    def body(r, carry):
        vs = []
        sq = jnp.zeros((16,), jnp.float32)
        for j in range(D // 16):
            v = rows_ref[r, pl.ds(j * 16, 16)]
            vs.append(v)
            sq = sq + v * v
        s = jnp.sum(sq)
        i = lax.bitcast_convert_type(s, jnp.int32)
        i = jnp.int32(0x5F3759DF) - lax.shift_right_logical(i, 1)
        y = lax.bitcast_convert_type(i, jnp.float32)
        for _ in range(3):
            y = y * (jnp.float32(1.5) - jnp.float32(0.5) * s * y * y)
        norm = s * y
        inv = jnp.where(norm > jnp.float32(1e-12), y, jnp.float32(1e12))
        for j in range(D // 16):
            rows_ref[r, pl.ds(j * 16, 16)] = vs[j] * inv
        return carry

    lax.fori_loop(0, CROWS, body, jnp.int32(0))


_mesh = plsc.VectorSubcoreMesh(core_axis_name="c", subcore_axis_name="s")


@functools.partial(
    pl.kernel,
    mesh=_mesh,
    out_type=[
        jax.ShapeDtypeStruct((B, D), jnp.float32),
        jax.ShapeDtypeStruct((B, D), jnp.float32),
    ],
    scratch_types=[
        pltpu.VMEM((BPW,), jnp.int32),
        pltpu.VMEM((BPW,), jnp.int32),
        pltpu.VMEM((CROWS, D), jnp.float32),
        pltpu.VMEM((CROWS, D), jnp.float32),
        pltpu.SemaphoreType.DMA,
        pltpu.SemaphoreType.DMA,
        pltpu.SemaphoreType.DMA,
        pltpu.SemaphoreType.DMA,
    ],
    compiler_params=pltpu.CompilerParams(needs_layout_passes=False),
)
def _embed_kernel(uids_hbm, iids_hbm, utab_hbm, itab_hbm, uout_hbm, iout_hbm,
                  uidx_v, iidx_v, ubuf, ibuf, sem_gu, sem_gi, sem_su, sem_si):
    wid = lax.axis_index("s") * NC + lax.axis_index("c")
    base = wid * BPW

    pltpu.sync_copy(uids_hbm.at[pl.ds(base, BPW)], uidx_v)
    pltpu.sync_copy(iids_hbm.at[pl.ds(base, BPW)], iidx_v)

    u_store = i_store = None
    for p in range(NPASS):
        if p:
            u_store.wait()
            i_store.wait()
        _fire_row_gathers(utab_hbm, uidx_v, ubuf, sem_gu, p * CROWS)
        _fire_row_gathers(itab_hbm, iidx_v, ibuf, sem_gi, p * CROWS)
        _drain(utab_hbm, ubuf, sem_gu)
        _l2_normalize_rows(ubuf)
        u_store = pltpu.async_copy(
            ubuf, uout_hbm.at[pl.ds(base + p * CROWS, CROWS)], sem_su)
        _drain(itab_hbm, ibuf, sem_gi)
        _l2_normalize_rows(ibuf)
        i_store = pltpu.async_copy(
            ibuf, iout_hbm.at[pl.ds(base + p * CROWS, CROWS)], sem_si)
    u_store.wait()
    i_store.wait()


def kernel(user_ids, item_ids, user_table, item_table):
    u, it = _embed_kernel(user_ids.astype(jnp.int32), item_ids.astype(jnp.int32),
                          user_table, item_table)
    return (u, it)

# --- scband reference (transcript-rebuilt; emitter-appended) ---
"""Pipeline reference for scband-trainable-embeddings-29858612641813 (READ-ONLY COPY).

The authoritative reference and input builder live on the scoring server;
editing this copy changes nothing except your own understanding.
"""

import jax, jax.numpy as jnp
import numpy as np

NB_USERS = 1000000
NB_ITEMS = 1000000
EMBED_DIM = 64
BATCH = 16384


def _l2_normalize(x, eps=1e-12):
    # matches torch.nn.functional.normalize(x, p=2, dim=-1): x / max(||x||_2, eps)
    n = jnp.linalg.norm(x, ord=2, axis=-1, keepdims=True)
    return x / jnp.maximum(n, eps)


def setup_inputs(seed: int = 0) -> dict:
    key = jax.random.key(seed)
    k1, k2, k3, k4 = jax.random.split(key, 4)
    user_ids = jax.random.randint(k1, (BATCH,), 0, NB_USERS, dtype=jnp.int64 if jax.config.jax_enable_x64 else jnp.int32)
    item_ids = jax.random.randint(k2, (BATCH,), 0, NB_ITEMS, dtype=jnp.int64 if jax.config.jax_enable_x64 else jnp.int32)
    user_table = jax.random.normal(k3, (NB_USERS, EMBED_DIM), dtype=jnp.float32)
    item_table = jax.random.normal(k4, (NB_ITEMS, EMBED_DIM), dtype=jnp.float32)
    return {"user_ids": user_ids, "item_ids": item_ids, "user_table": user_table, "item_table": item_table}


def reference(user_ids, item_ids, user_table, item_table):
    # TrainableEmbeddings.forward with both user_ids and item_ids, normalize=True
    user_embeddings = jnp.take(user_table, user_ids, axis=0)
    item_embeddings = jnp.take(item_table, item_ids, axis=0)
    return (_l2_normalize(user_embeddings), _l2_normalize(item_embeddings))

if __name__ == "__main__":
    import jax
    _d = setup_inputs()
    print(jax.jit(kernel)(*tuple(_d.values())))

</pallas_src>

<mosaic_0001>
#map = affine_map<(d0, d1) -> (0)>
#map1 = affine_map<(d0, d1) -> (0, 0)>
module attributes {stable_mosaic.version = 14 : i64} {
  func.func @_embed_kernel(%arg0: i32, %arg1: i32, %arg2: memref<16384xi32, #tpu.memory_space<hbm>>, %arg3: memref<16384xi32, #tpu.memory_space<hbm>>, %arg4: memref<1000000x64xf32, #tpu.memory_space<hbm>>, %arg5: memref<1000000x64xf32, #tpu.memory_space<hbm>>, %arg6: memref<16384x64xf32, #tpu.memory_space<hbm>>, %arg7: memref<16384x64xf32, #tpu.memory_space<hbm>>, %arg8: memref<512xi32, #tpu.memory_space<vmem>>, %arg9: memref<512xi32, #tpu.memory_space<vmem>>, %arg10: memref<256x64xf32, #tpu.memory_space<vmem>>, %arg11: memref<256x64xf32, #tpu.memory_space<vmem>>, %arg12: memref<!tpu.dma_semaphore, #tpu.memory_space<semaphore_mem>>, %arg13: memref<!tpu.dma_semaphore, #tpu.memory_space<semaphore_mem>>, %arg14: memref<!tpu.dma_semaphore, #tpu.memory_space<semaphore_mem>>, %arg15: memref<!tpu.dma_semaphore, #tpu.memory_space<semaphore_mem>>) attributes {dimension_semantics = [#tpu.dimension_semantics<core_parallel>, #tpu.dimension_semantics<subcore_parallel>], iteration_bounds = array<i64: 2, 16>, scalar_prefetch = 0 : i64, scratch_operands = 8 : i64, tpu.core_type = #tpu.core_type<sc_vector_subcore>, window_params = [{transform_indices = #map}, {transform_indices = #map}, {transform_indices = #map1}, {transform_indices = #map1}, {transform_indices = #map1}, {transform_indices = #map1}]} {
    %mul3A = arith.constant 2 : i32
    %mul3A_0 = arith.muli %arg1, %mul3A : i32
    %add3A = arith.addi %mul3A_0, %arg0 : i32
    %mul3A_1 = arith.constant 512 : i32
    %mul3A_2 = arith.muli %add3A, %mul3A_1 : i32
    "tpu.region"() ({
      %run_scoped3A = tpu.sem_alloc : memref<!tpu.dma_semaphore, #tpu.memory_space<semaphore_mem>>
      %dma_start3A_112 = tpu.memref_slice %arg2[%mul3A_2] : memref<16384xi32, #tpu.memory_space<hbm>> -> memref<512xi32, #tpu.memory_space<hbm>>
      %dma_start3A_113 = tpu.memref_slice %arg2[%mul3A_2] : memref<16384xi32, #tpu.memory_space<hbm>> -> memref<512xi32, #tpu.memory_space<hbm>>
      tpu.enqueue_dma source(%dma_start3A_113 : memref<512xi32, #tpu.memory_space<hbm>>) target(%arg8 : memref<512xi32, #tpu.memory_space<vmem>>) target_semaphore(%run_scoped3A : memref<!tpu.dma_semaphore, #tpu.memory_space<semaphore_mem>>)
      %dma_wait3A_114 = tpu.memref_slice %arg2[%mul3A_2] : memref<16384xi32, #tpu.memory_space<hbm>> -> memref<512xi32, #tpu.memory_space<hbm>>
      %dma_wait3A_115 = tpu.memref_slice %arg2[%mul3A_2] : memref<16384xi32, #tpu.memory_space<hbm>> -> memref<512xi32, #tpu.memory_space<hbm>>
      tpu.wait_dma2 semaphore(%run_scoped3A : memref<!tpu.dma_semaphore, #tpu.memory_space<semaphore_mem>>) src(%dma_wait3A_115 : memref<512xi32, #tpu.memory_space<hbm>>) dst(%arg8 : memref<512xi32, #tpu.memory_space<vmem>>)
      tpu.yield
    }) : () -> ()
    "tpu.region"() ({
      %run_scoped3A = tpu.sem_alloc : memref<!tpu.dma_semaphore, #tpu.memory_space<semaphore_mem>>
      %dma_start3A_112 = tpu.memref_slice %arg3[%mul3A_2] : memref<16384xi32, #tpu.memory_space<hbm>> -> memref<512xi32, #tpu.memory_space<hbm>>
      %dma_start3A_113 = tpu.memref_slice %arg3[%mul3A_2] : memref<16384xi32, #tpu.memory_space<hbm>> -> memref<512xi32, #tpu.memory_space<hbm>>
      tpu.enqueue_dma source(%dma_start3A_113 : memref<512xi32, #tpu.memory_space<hbm>>) target(%arg9 : memref<512xi32, #tpu.memory_space<vmem>>) target_semaphore(%run_scoped3A : memref<!tpu.dma_semaphore, #tpu.memory_space<semaphore_mem>>)
      %dma_wait3A_114 = tpu.memref_slice %arg3[%mul3A_2] : memref<16384xi32, #tpu.memory_space<hbm>> -> memref<512xi32, #tpu.memory_space<hbm>>
      %dma_wait3A_115 = tpu.memref_slice %arg3[%mul3A_2] : memref<16384xi32, #tpu.memory_space<hbm>> -> memref<512xi32, #tpu.memory_space<hbm>>
      tpu.wait_dma2 semaphore(%run_scoped3A : memref<!tpu.dma_semaphore, #tpu.memory_space<semaphore_mem>>) src(%dma_wait3A_115 : memref<512xi32, #tpu.memory_space<hbm>>) dst(%arg9 : memref<512xi32, #tpu.memory_space<vmem>>)
      tpu.yield
    }) : () -> ()
    %scan3A = arith.constant 0 : i32
    %scan3A_3 = arith.constant 0 : i32
    %scan3A_4 = arith.constant 16 : i32
    %scan3A_5 = arith.addi %scan3A_3, %scan3A_4 : i32
    %scan3A_6 = arith.constant 1 : i32
    scf.for %scan3A_112 = %scan3A_3 to %scan3A_5 step %scan3A_6  : i32 {
      %mul3A_113 = arith.constant 16 : i32
      %mul3A_114 = arith.muli %scan3A_112, %mul3A_113 : i32
      %add3A_115 = arith.constant 0 : i32
      %add3A_116 = arith.addi %add3A_115, %mul3A_114 : i32
      %get3A = arith.index_cast %add3A_116 : i32 to index
      %get3A_117 = tpu.vector_load %arg8[%get3A] {strides = array<i32>} : memref<512xi32, #tpu.memory_space<vmem>>, vector<16xi32>,
      %slice3A = vector.extract_strided_slice %get3A_117 {offsets = [0], sizes = [1], strides = [1]} : vector<16xi32> to vector<1xi32>
      %squeeze3A = vector.extract %slice3A[0] : i32 from vector<1xi32>
      %mul3A_118 = arith.constant 16 : i32
      %mul3A_119 = arith.muli %scan3A_112, %mul3A_118 : i32
      %add3A_120 = arith.constant 0 : i32
      %add3A_121 = arith.addi %mul3A_119, %add3A_120 : i32
      %dma_start3A_122 = arith.constant 0 : i32
      %dma_start3A_123 = tpu.memref_slice %arg10[%add3A_121, %dma_start3A_122] : memref<256x64xf32, #tpu.memory_space<vmem>> -> memref<1x64xf32, #tpu.memory_space<vmem>>
      %dma_start3A_124 = arith.constant 0 : i32
      %dma_start3A_125 = tpu.memref_slice %arg4[%squeeze3A, %dma_start3A_124] : memref<1000000x64xf32, #tpu.memory_space<hbm>> -> memref<1x64xf32, #tpu.memory_space<hbm>>
      %dma_start3A_126 = arith.constant 0 : i32
      %dma_start3A_127 = tpu.memref_slice %arg10[%add3A_121, %dma_start3A_126] : memref<256x64xf32, #tpu.memory_space<vmem>> -> memref<1x64xf32, #tpu.memory_space<vmem>>
      %dma_start3A_128 = arith.constant 0 : i32
      %dma_start3A_129 = tpu.memref_slice %arg4[%squeeze3A, %dma_start3A_128] : memref<1000000x64xf32, #tpu.memory_space<hbm>> -> memref<1x64xf32, #tpu.memory_space<hbm>>
      tpu.enqueue_dma source(%dma_start3A_129 : memref<1x64xf32, #tpu.memory_space<hbm>>) target(%dma_start3A_127 : memref<1x64xf32, #tpu.memory_space<vmem>>) target_semaphore(%arg12 : memref<!tpu.dma_semaphore, #tpu.memory_space<semaphore_mem>>)
      %slice3A_130 = vector.extract_strided_slice %get3A_117 {offsets = [1], sizes = [1], strides = [1]} : vector<16xi32> to vector<1xi32>
      %squeeze3A_131 = vector.extract %slice3A_130[0] : i32 from vector<1xi32>
      %mul3A_132 = arith.constant 16 : i32
      %mul3A_133 = arith.muli %scan3A_112, %mul3A_132 : i32
      %add3A_134 = arith.constant 1 : i32
      %add3A_135 = arith.addi %mul3A_133, %add3A_134 : i32
      %dma_start3A_136 = arith.constant 0 : i32
      %dma_start3A_137 = tpu.memref_slice %arg10[%add3A_135, %dma_start3A_136] : memref<256x64xf32, #tpu.memory_space<vmem>> -> memref<1x64xf32, #tpu.memory_space<vmem>>
      %dma_start3A_138 = arith.constant 0 : i32
      %dma_start3A_139 = tpu.memref_slice %arg4[%squeeze3A_131, %dma_start3A_138] : memref<1000000x64xf32, #tpu.memory_space<hbm>> -> memref<1x64xf32, #tpu.memory_space<hbm>>
      %dma_start3A_140 = arith.constant 0 : i32
      %dma_start3A_141 = tpu.memref_slice %arg10[%add3A_135, %dma_start3A_140] : memref<256x64xf32, #tpu.memory_space<vmem>> -> memref<1x64xf32, #tpu.memory_space<vmem>>
      %dma_start3A_142 = arith.constant 0 : i32
      %dma_start3A_143 = tpu.memref_slice %arg4[%squeeze3A_131, %dma_start3A_142] : memref<1000000x64xf32, #tpu.memory_space<hbm>> -> memref<1x64xf32, #tpu.memory_space<hbm>>
      tpu.enqueue_dma source(%dma_start3A_143 : memref<1x64xf32, #tpu.memory_space<hbm>>) target(%dma_start3A_141 : memref<1x64xf32, #tpu.memory_space<vmem>>) target_semaphore(%arg12 : memref<!tpu.dma_semaphore, #tpu.memory_space<semaphore_mem>>)
      %slice3A_144 = vector.extract_strided_slice %get3A_117 {offsets = [2], sizes = [1], strides = [1]} : vector<16xi32> to vector<1xi32>
      %squeeze3A_145 = vector.extract %slice3A_144[0] : i32 from vector<1xi32>
      %mul3A_146 = arith.constant 16 : i32
      %mul3A_147 = arith.muli %scan3A_112, %mul3A_146 : i32
      %add3A_148 = arith.constant 2 : i32
      %add3A_149 = arith.addi %mul3A_147, %add3A_148 : i32
      %dma_start3A_150 = arith.constant 0 : i32
      %dma_start3A_151 = tpu.memref_slice %arg10[%add3A_149, %dma_start3A_150] : memref<256x64xf32, #tpu.memory_space<vmem>> -> memref<1x64xf32, #tpu.memory_space<vmem>>
      %dma_start3A_152 = arith.constant 0 : i32
      %dma_start3A_153 = tpu.memref_slice %arg4[%squeeze3A_145, %dma_start3A_152] : memref<1000000x64xf32, #tpu.memory_space<hbm>> -> memref<1x64xf32, #tpu.memory_space<hbm>>
      %dma_start3A_154 = arith.constant 0 : i32
      %dma_start3A_155 = tpu.memref_slice %arg10[%add3A_149, %dma_start3A_154] : memref<256x64xf32, #tpu.memory_space<vmem>> -> memref<1x64xf32, #tpu.memory_space<vmem>>
      %dma_start3A_156 = arith.constant 0 : i32
      %dma_start3A_157 = tpu.memref_slice %arg4[%squeeze3A_145, %dma_start3A_156] : memref<1000000x64xf32, #tpu.memory_space<hbm>> -> memref<1x64xf32, #tpu.memory_space<hbm>>
      tpu.enqueue_dma source(%dma_start3A_157 : memref<1x64xf32, #tpu.memory_space<hbm>>) target(%dma_start3A_155 : memref<1x64xf32, #tpu.memory_space<vmem>>) target_semaphore(%arg12 : memref<!tpu.dma_semaphore, #tpu.memory_space<semaphore_mem>>)
      %slice3A_158 = vector.extract_strided_slice %get3A_117 {offsets = [3], sizes = [1], strides = [1]} : vector<16xi32> to vector<1xi32>
      %squeeze3A_159 = vector.extract %slice3A_158[0] : i32 from vector<1xi32>
      %mul3A_160 = arith.constant 16 : i32
      %mul3A_161 = arith.muli %scan3A_112, %mul3A_160 : i32
      %add3A_162 = arith.constant 3 : i32
      %add3A_163 = arith.addi %mul3A_161, %add3A_162 : i32
      %dma_start3A_164 = arith.constant 0 : i32
      %dma_start3A_165 = tpu.memref_slice %arg10[%add3A_163, %dma_start3A_164] : memref<256x64xf32, #tpu.memory_space<vmem>> -> memref<1x64xf32, #tpu.memory_space<vmem>>
      %dma_start3A_166 = arith.constant 0 : i32
      %dma_start3A_167 = tpu.memref_slice %arg4[%squeeze3A_159, %dma_start3A_166] : memref<1000000x64xf32, #tpu.memory_space<hbm>> -> memref<1x64xf32, #tpu.memory_space<hbm>>
      %dma_start3A_168 = arith.constant 0 : i32
      %dma_start3A_169 = tpu.memref_slice %arg10[%add3A_163, %dma_start3A_168] : memref<256x64xf32, #tpu.memory_space<vmem>> -> memref<1x64xf32, #tpu.memory_space<vmem>>
      %dma_start3A_170 = arith.constant 0 : i32
      %dma_start3A_171 = tpu.memref_slice %arg4[%squeeze3A_159, %dma_start3A_170] : memref<1000000x64xf32, #tpu.memory_space<hbm>> -> memref<1x64xf32, #tpu.memory_space<hbm>>
      tpu.enqueue_dma source(%dma_start3A_171 : memref<1x64xf32, #tpu.memory_space<hbm>>) target(%dma_start3A_169 : memref<1x64xf32, #tpu.memory_space<vmem>>) target_semaphore(%arg12 : memref<!tpu.dma_semaphore, #tpu.memory_space<semaphore_mem>>)
      %slice3A_172 = vector.extract_strided_slice %get3A_117 {offsets = [4], sizes = [1], strides = [1]} : vector<16xi32> to vector<1xi32>
      %squeeze3A_173 = vector.extract %slice3A_172[0] : i32 from vector<1xi32>
      %mul3A_174 = arith.constant 16 : i32
      %mul3A_175 = arith.muli %scan3A_112, %mul3A_174 : i32
      %add3A_176 = arith.constant 4 : i32
      %add3A_177 = arith.addi %mul3A_175, %add3A_176 : i32
      %dma_start3A_178 = arith.constant 0 : i32
      %dma_start3A_179 = tpu.memref_slice %arg10[%add3A_177, %dma_start3A_178] : memref<256x64xf32, #tpu.memory_space<vmem>> -> memref<1x64xf32, #tpu.memory_space<vmem>>
      %dma_start3A_180 = arith.constant 0 : i32
      %dma_start3A_181 = tpu.memref_slice %arg4[%squeeze3A_173, %dma_start3A_180] : memref<1000000x64xf32, #tpu.memory_space<hbm>> -> memref<1x64xf32, #tpu.memory_space<hbm>>
      %dma_start3A_182 = arith.constant 0 : i32
      %dma_start3A_183 = tpu.memref_slice %arg10[%add3A_177, %dma_start3A_182] : memref<256x64xf32, #tpu.memory_space<vmem>> -> memref<1x64xf32, #tpu.memory_space<vmem>>
      %dma_start3A_184 = arith.constant 0 : i32
      %dma_start3A_185 = tpu.memref_slice %arg4[%squeeze3A_173, %dma_start3A_184] : memref<1000000x64xf32, #tpu.memory_space<hbm>> -> memref<1x64xf32, #tpu.memory_space<hbm>>
      tpu.enqueue_dma source(%dma_start3A_185 : memref<1x64xf32, #tpu.memory_space<hbm>>) target(%dma_start3A_183 : memref<1x64xf32, #tpu.memory_space<vmem>>) target_semaphore(%arg12 : memref<!tpu.dma_semaphore, #tpu.memory_space<semaphore_mem>>)
      %slice3A_186 = vector.extract_strided_slice %get3A_117 {offsets = [5], sizes = [1], strides = [1]} : vector<16xi32> to vector<1xi32>
      %squeeze3A_187 = vector.extract %slice3A_186[0] : i32 from vector<1xi32>
      %mul3A_188 = arith.constant 16 : i32
      %mul3A_189 = arith.muli %scan3A_112, %mul3A_188 : i32
      %add3A_190 = arith.constant 5 : i32
      %add3A_191 = arith.addi %mul3A_189, %add3A_190 : i32
      %dma_start3A_192 = arith.constant 0 : i32
      %dma_start3A_193 = tpu.memref_slice %arg10[%add3A_191, %dma_start3A_192] : memref<256x64xf32, #tpu.memory_space<vmem>> -> memref<1x64xf32, #tpu.memory_space<vmem>>
      %dma_start3A_194 = arith.constant 0 : i32
      %dma_start3A_195 = tpu.memref_slice %arg4[%squeeze3A_187, %dma_start3A_194] : memref<1000000x64xf32, #tpu.memory_space<hbm>> -> memref<1x64xf32, #tpu.memory_space<hbm>>
      %dma_start3A_196 = arith.constant 0 : i32
      %dma_start3A_197 = tpu.memref_slice %arg10[%add3A_191, %dma_start3A_196] : memref<256x64xf32, #tpu.memory_space<vmem>> -> memref<1x64xf32, #tpu.memory_space<vmem>>
      %dma_start3A_198 = arith.constant 0 : i32
      %dma_start3A_199 = tpu.memref_slice %arg4[%squeeze3A_187, %dma_start3A_198] : memref<1000000x64xf32, #tpu.memory_space<hbm>> -> memref<1x64xf32, #tpu.memory_space<hbm>>
      tpu.enqueue_dma source(%dma_start3A_199 : memref<1x64xf32, #tpu.memory_space<hbm>>) target(%dma_start3A_197 : memref<1x64xf32, #tpu.memory_space<vmem>>) target_semaphore(%arg12 : memref<!tpu.dma_semaphore, #tpu.memory_space<semaphore_mem>>)
      %slice3A_200 = vector.extract_strided_slice %get3A_117 {offsets = [6], sizes = [1], strides = [1]} : vector<16xi32> to vector<1xi32>
      %squeeze3A_201 = vector.extract %slice3A_200[0] : i32 from vector<1xi32>
      %mul3A_202 = arith.constant 16 : i32
      %mul3A_203 = arith.muli %scan3A_112, %mul3A_202 : i32
      %add3A_204 = arith.constant 6 : i32
      %add3A_205 = arith.addi %mul3A_203, %add3A_204 : i32
      %dma_start3A_206 = arith.constant 0 : i32
      %dma_start3A_207 = tpu.memref_slice %arg10[%add3A_205, %dma_start3A_206] : memref<256x64xf32, #tpu.memory_space<vmem>> -> memref<1x64xf32, #tpu.memory_space<vmem>>
      %dma_start3A_208 = arith.constant 0 : i32
      %dma_start3A_209 = tpu.memref_slice %arg4[%squeeze3A_201, %dma_start3A_208] : memref<1000000x64xf32, #tpu.memory_space<hbm>> -> memref<1x64xf32, #tpu.memory_space<hbm>>
      %dma_start3A_210 = arith.constant 0 : i32
      %dma_start3A_211 = tpu.memref_slice %arg10[%add3A_205, %dma_start3A_210] : memref<256x64xf32, #tpu.memory_space<vmem>> -> memref<1x64xf32, #tpu.memory_space<vmem>>
      %dma_start3A_212 = arith.constant 0 : i32
      %dma_start3A_213 = tpu.memref_slice %arg4[%squeeze3A_201, %dma_start3A_212] : memref<1000000x64xf32, #tpu.memory_space<hbm>> -> memref<1x64xf32, #tpu.memory_space<hbm>>
      tpu.enqueue_dma source(%dma_start3A_213 : memref<1x64xf32, #tpu.memory_space<hbm>>) target(%dma_start3A_211 : memref<1x64xf32, #tpu.memory_space<vmem>>) target_semaphore(%arg12 : memref<!tpu.dma_semaphore, #tpu.memory_space<semaphore_mem>>)
      %slice3A_214 = vector.extract_strided_slice %get3A_117 {offsets = [7], sizes = [1], strides = [1]} : vector<16xi32> to vector<1xi32>
      %squeeze3A_215 = vector.extract %slice3A_214[0] : i32 from vector<1xi32>
      %mul3A_216 = arith.constant 16 : i32
      %mul3A_217 = arith.muli %scan3A_112, %mul3A_216 : i32
      %add3A_218 = arith.constant 7 : i32
      %add3A_219 = arith.addi %mul3A_217, %add3A_218 : i32
      %dma_start3A_220 = arith.constant 0 : i32
      %dma_start3A_221 = tpu.memref_slice %arg10[%add3A_219, %dma_start3A_220] : memref<256x64xf32, #tpu.memory_space<vmem>> -> memref<1x64xf32, #tpu.memory_space<vmem>>
      %dma_start3A_222 = arith.constant 0 : i32
      %dma_start3A_223 = tpu.memref_slice %arg4[%squeeze3A_215, %dma_start3A_222] : memref<1000000x64xf32, #tpu.memory_space<hbm>> -> memref<1x64xf32, #tpu.memory_space<hbm>>
      %dma_start3A_224 = arith.constant 0 : i32
      %dma_start3A_225 = tpu.memref_slice %arg10[%add3A_219, %dma_start3A_224] : memref<256x64xf32, #tpu.memory_space<vmem>> -> memref<1x64xf32, #tpu.memory_space<vmem>>
      %dma_start3A_226 = arith.constant 0 : i32
      %dma_start3A_227 = tpu.memref_slice %arg4[%squeeze3A_215, %dma_start3A_226] : memref<1000000x64xf32, #tpu.memory_space<hbm>> -> memref<1x64xf32, #tpu.memory_space<hbm>>
      tpu.enqueue_dma source(%dma_start3A_227 : memref<1x64xf32, #tpu.memory_space<hbm>>) target(%dma_start3A_225 : memref<1x64xf32, #tpu.memory_space<vmem>>) target_semaphore(%arg12 : memref<!tpu.dma_semaphore, #tpu.memory_space<semaphore_mem>>)
      %slice3A_228 = vector.extract_strided_slice %get3A_117 {offsets = [8], sizes = [1], strides = [1]} : vector<16xi32> to vector<1xi32>
      %squeeze3A_229 = vector.extract %slice3A_228[0] : i32 from vector<1xi32>
      %mul3A_230 = arith.constant 16 : i32
      %mul3A_231 = arith.muli %scan3A_112, %mul3A_230 : i32
      %add3A_232 = arith.constant 8 : i32
      %add3A_233 = arith.addi %mul3A_231, %add3A_232 : i32
      %dma_start3A_234 = arith.constant 0 : i32
      %dma_start3A_235 = tpu.memref_slice %arg10[%add3A_233, %dma_start3A_234] : memref<256x64xf32, #tpu.memory_space<vmem>> -> memref<1x64xf32, #tpu.memory_space<vmem>>
      %dma_start3A_236 = arith.constant 0 : i32
      %dma_start3A_237 = tpu.memref_slice %arg4[%squeeze3A_229, %dma_start3A_236] : memref<1000000x64xf32, #tpu.memory_space<hbm>> -> memref<1x64xf32, #tpu.memory_space<hbm>>
      %dma_start3A_238 = arith.constant 0 : i32
      %dma_start3A_239 = tpu.memref_slice %arg10[%add3A_233, %dma_start3A_238] : memref<256x64xf32, #tpu.memory_space<vmem>> -> memref<1x64xf32, #tpu.memory_space<vmem>>
      %dma_start3A_240 = arith.constant 0 : i32
      %dma_start3A_241 = tpu.memref_slice %arg4[%squeeze3A_229, %dma_start3A_240] : memref<1000000x64xf32, #tpu.memory_space<hbm>> -> memref<1x64xf32, #tpu.memory_space<hbm>>
      tpu.enqueue_dma source(%dma_start3A_241 : memref<1x64xf32, #tpu.memory_space<hbm>>) target(%dma_start3A_239 : memref<1x64xf32, #tpu.memory_space<vmem>>) target_semaphore(%arg12 : memref<!tpu.dma_semaphore, #tpu.memory_space<semaphore_mem>>)
      %slice3A_242 = vector.extract_strided_slice %get3A_117 {offsets = [9], sizes = [1], strides = [1]} : vector<16xi32> to vector<1xi32>
      %squeeze3A_243 = vector.extract %slice3A_242[0] : i32 from vector<1xi32>
      %mul3A_244 = arith.constant 16 : i32
      %mul3A_245 = arith.muli %scan3A_112, %mul3A_244 : i32
      %add3A_246 = arith.constant 9 : i32
      %add3A_247 = arith.addi %mul3A_245, %add3A_246 : i32
      %dma_start3A_248 = arith.constant 0 : i32
      %dma_start3A_249 = tpu.memref_slice %arg10[%add3A_247, %dma_start3A_248] : memref<256x64xf32, #tpu.memory_space<vmem>> -> memref<1x64xf32, #tpu.memory_space<vmem>>
      %dma_start3A_250 = arith.constant 0 : i32
      %dma_start3A_251 = tpu.memref_slice %arg4[%squeeze3A_243, %dma_start3A_250] : memref<1000000x64xf32, #tpu.memory_space<hbm>> -> memref<1x64xf32, #tpu.memory_space<hbm>>
      %dma_start3A_252 = arith.constant 0 : i32
      %dma_start3A_253 = tpu.memref_slice %arg10[%add3A_247, %dma_start3A_252] : memref<256x64xf32, #tpu.memory_space<vmem>> -> memref<1x64xf32, #tpu.memory_space<vmem>>
      %dma_start3A_254 = arith.constant 0 : i32
      %dma_start3A_255 = tpu.memref_slice %arg4[%squeeze3A_243, %dma_start3A_254] : memref<1000000x64xf32, #tpu.memory_space<hbm>> -> memref<1x64xf32, #tpu.memory_space<hbm>>
      tpu.enqueue_dma source(%dma_start3A_255 : memref<1x64xf32, #tpu.memory_space<hbm>>) target(%dma_start3A_253 : memref<1x64xf32, #tpu.memory_space<vmem>>) target_semaphore(%arg12 : memref<!tpu.dma_semaphore, #tpu.memory_space<semaphore_mem>>)
      %slice3A_256 = vector.extract_strided_slice %get3A_117 {offsets = [10], sizes = [1], strides = [1]} : vector<16xi32> to vector<1xi32>
      %squeeze3A_257 = vector.extract %slice3A_256[0] : i32 from vector<1xi32>
      %mul3A_258 = arith.constant 16 : i32
      %mul3A_259 = arith.muli %scan3A_112, %mul3A_258 : i32
      %add3A_260 = arith.constant 10 : i32
      %add3A_261 = arith.addi %mul3A_259, %add3A_260 : i32
      %dma_start3A_262 = arith.constant 0 : i32
      %dma_start3A_263 = tpu.memref_slice %arg10[%add3A_261, %dma_start3A_262] : memref<256x64xf32, #tpu.memory_space<vmem>> -> memref<1x64xf32, #tpu.memory_space<vmem>>
      %dma_start3A_264 = arith.constant 0 : i32
      %dma_start3A_265 = tpu.memref_slice %arg4[%squeeze3A_257, %dma_start3A_264] : memref<1000000x64xf32, #tpu.memory_space<hbm>> -> memref<1x64xf32, #tpu.memory_space<hbm>>
      %dma_start3A_266 = arith.constant 0 : i32
      %dma_start3A_267 = tpu.memref_slice %arg10[%add3A_261, %dma_start3A_266] : memref<256x64xf32, #tpu.memory_space<vmem>> -> memref<1x64xf32, #tpu.memory_space<vmem>>
      %dma_start3A_268 = arith.constant 0 : i32
      %dma_start3A_269 = tpu.memref_slice %arg4[%squeeze3A_257, %dma_start3A_268] : memref<1000000x64xf32, #tpu.memory_space<hbm>> -> memref<1x64xf32, #tpu.memory_space<hbm>>
      tpu.enqueue_dma source(%dma_start3A_269 : memref<1x64xf32, #tpu.memory_space<hbm>>) target(%dma_start3A_267 : memref<1x64xf32, #tpu.memory_space<vmem>>) target_semaphore(%arg12 : memref<!tpu.dma_semaphore, #tpu.memory_space<semaphore_mem>>)
      %slice3A_270 = vector.extract_strided_slice %get3A_117 {offsets = [11], sizes = [1], strides = [1]} : vector<16xi32> to vector<1xi32>
      %squeeze3A_271 = vector.extract %slice3A_270[0] : i32 from vector<1xi32>
      %mul3A_272 = arith.constant 16 : i32
      %mul3A_273 = arith.muli %scan3A_112, %mul3A_272 : i32
      %add3A_274 = arith.constant 11 : i32
      %add3A_275 = arith.addi %mul3A_273, %add3A_274 : i32
      %dma_start3A_276 = arith.constant 0 : i32
      %dma_start3A_277 = tpu.memref_slice %arg10[%add3A_275, %dma_start3A_276] : memref<256x64xf32, #tpu.memory_space<vmem>> -> memref<1x64xf32, #tpu.memory_space<vmem>>
      %dma_start3A_278 = arith.constant 0 : i32
      %dma_start3A_279 = tpu.memref_slice %arg4[%squeeze3A_271, %dma_start3A_278] : memref<1000000x64xf32, #tpu.memory_space<hbm>> -> memref<1x64xf32, #tpu.memory_space<hbm>>
      %dma_start3A_280 = arith.constant 0 : i32
      %dma_start3A_281 = tpu.memref_slice %arg10[%add3A_275, %dma_start3A_280] : memref<256x64xf32, #tpu.memory_space<vmem>> -> memref<1x64xf32, #tpu.memory_space<vmem>>
      %dma_start3A_282 = arith.constant 0 : i32
      %dma_start3A_283 = tpu.memref_slice %arg4[%squeeze3A_271, %dma_start3A_282] : memref<1000000x64xf32, #tpu.memory_space<hbm>> -> memref<1x64xf32, #tpu.memory_space<hbm>>
      tpu.enqueue_dma source(%dma_start3A_283 : memref<1x64xf32, #tpu.memory_space<hbm>>) target(%dma_start3A_281 : memref<1x64xf32, #tpu.memory_space<vmem>>) target_semaphore(%arg12 : memref<!tpu.dma_semaphore, #tpu.memory_space<semaphore_mem>>)
      %slice3A_284 = vector.extract_strided_slice %get3A_117 {offsets = [12], sizes = [1], strides = [1]} : vector<16xi32> to vector<1xi32>
      %squeeze3A_285 = vector.extract %slice3A_284[0] : i32 from vector<1xi32>
      %mul3A_286 = arith.constant 16 : i32
      %mul3A_287 = arith.muli %scan3A_112, %mul3A_286 : i32
      %add3A_288 = arith.constant 12 : i32
      %add3A_289 = arith.addi %mul3A_287, %add3A_288 : i32
      %dma_start3A_290 = arith.constant 0 : i32
      %dma_start3A_291 = tpu.memref_slice %arg10[%add3A_289, %dma_start3A_290] : memref<256x64xf32, #tpu.memory_space<vmem>> -> memref<1x64xf32, #tpu.memory_space<vmem>>
      %dma_start3A_292 = arith.constant 0 : i32
      %dma_start3A_293 = tpu.memref_slice %arg4[%squeeze3A_285, %dma_start3A_292] : memref<1000000x64xf32, #tpu.memory_space<hbm>> -> memref<1x64xf32, #tpu.memory_space<hbm>>
      %dma_start3A_294 = arith.constant 0 : i32
      %dma_start3A_295 = tpu.memref_slice %arg10[%add3A_289, %dma_start3A_294] : memref<256x64xf32, #tpu.memory_space<vmem>> -> memref<1x64xf32, #tpu.memory_space<vmem>>
      %dma_start3A_296 = arith.constant 0 : i32
      %dma_start3A_297 = tpu.memref_slice %arg4[%squeeze3A_285, %dma_start3A_296] : memref<1000000x64xf32, #tpu.memory_space<hbm>> -> memref<1x64xf32, #tpu.memory_space<hbm>>
      tpu.enqueue_dma source(%dma_start3A_297 : memref<1x64xf32, #tpu.memory_space<hbm>>) target(%dma_start3A_295 : memref<1x64xf32, #tpu.memory_space<vmem>>) target_semaphore(%arg12 : memref<!tpu.dma_semaphore, #tpu.memory_space<semaphore_mem>>)
      %slice3A_298 = vector.extract_strided_slice %get3A_117 {offsets = [13], sizes = [1], strides = [1]} : vector<16xi32> to vector<1xi32>
      %squeeze3A_299 = vector.extract %slice3A_298[0] : i32 from vector<1xi32>
      %mul3A_300 = arith.constant 16 : i32
      %mul3A_301 = arith.muli %scan3A_112, %mul3A_300 : i32
      %add3A_302 = arith.constant 13 : i32
      %add3A_303 = arith.addi %mul3A_301, %add3A_302 : i32
      %dma_start3A_304 = arith.constant 0 : i32
      %dma_start3A_305 = tpu.memref_slice %arg10[%add3A_303, %dma_start3A_304] : memref<256x64xf32, #tpu.memory_space<vmem>> -> memref<1x64xf32, #tpu.memory_space<vmem>>
      %dma_start3A_306 = arith.constant 0 : i32
      %dma_start3A_307 = tpu.memref_slice %arg4[%squeeze3A_299, %dma_start3A_306] : memref<1000000x64xf32, #tpu.memory_space<hbm>> -> memref<1x64xf32, #tpu.memory_space<hbm>>
      %dma_start3A_308 = arith.constant 0 : i32
      %dma_start3A_309 = tpu.memref_slice %arg10[%add3A_303, %dma_start3A_308] : memref<256x64xf32, #tpu.memory_space<vmem>> -> memref<1x64xf32, #tpu.memory_space<vmem>>
      %dma_start3A_310 = arith.constant 0 : i32
      %dma_start3A_311 = tpu.memref_slice %arg4[%squeeze3A_299, %dma_start3A_310] : memref<1000000x64xf32, #tpu.memory_space<hbm>> -> memref<1x64xf32, #tpu.memory_space<hbm>>
      tpu.enqueue_dma source(%dma_start3A_311 : memref<1x64xf32, #tpu.memory_space<hbm>>) target(%dma_start3A_309 : memref<1x64xf32, #tpu.memory_space<vmem>>) target_semaphore(%arg12 : memref<!tpu.dma_semaphore, #tpu.memory_space<semaphore_mem>>)
      %slice3A_312 = vector.extract_strided_slice %get3A_117 {offsets = [14], sizes = [1], strides = [1]} : vector<16xi32> to vector<1xi32>
      %squeeze3A_313 = vector.extract %slice3A_312[0] : i32 from vector<1xi32>
      %mul3A_314 = arith.constant 16 : i32
      %mul3A_315 = arith.muli %scan3A_112, %mul3A_314 : i32
      %add3A_316 = arith.constant 14 : i32
      %add3A_317 = arith.addi %mul3A_315, %add3A_316 : i32
      %dma_start3A_318 = arith.constant 0 : i32
      %dma_start3A_319 = tpu.memref_slice %arg10[%add3A_317, %dma_start3A_318] : memref<256x64xf32, #tpu.memory_space<vmem>> -> memref<1x64xf32, #tpu.memory_space<vmem>>
      %dma_start3A_320 = arith.constant 0 : i32
      %dma_start3A_321 = tpu.memref_slice %arg4[%squeeze3A_313, %dma_start3A_320] : memref<1000000x64xf32, #tpu.memory_space<hbm>> -> memref<1x64xf32, #tpu.memory_space<hbm>>
      %dma_start3A_322 = arith.constant 0 : i32
      %dma_start3A_323 = tpu.memref_slice %arg10[%add3A_317, %dma_start3A_322] : memref<256x64xf32, #tpu.memory_space<vmem>> -> memref<1x64xf32, #tpu.memory_space<vmem>>
      %dma_start3A_324 = arith.constant 0 : i32
      %dma_start3A_325 = tpu.memref_slice %arg4[%squeeze3A_313, %dma_start3A_324] : memref<1000000x64xf32, #tpu.memory_space<hbm>> -> memref<1x64xf32, #tpu.memory_space<hbm>>
      tpu.enqueue_dma source(%dma_start3A_325 : memref<1x64xf32, #tpu.memory_space<hbm>>) target(%dma_start3A_323 : memref<1x64xf32, #tpu.memory_space<vmem>>) target_semaphore(%arg12 : memref<!tpu.dma_semaphore, #tpu.memory_space<semaphore_mem>>)
      %slice3A_326 = vector.extract_strided_slice %get3A_117 {offsets = [15], sizes = [1], strides = [1]} : vector<16xi32> to vector<1xi32>
      %squeeze3A_327 = vector.extract %slice3A_326[0] : i32 from vector<1xi32>
      %mul3A_328 = arith.constant 16 : i32
      %mul3A_329 = arith.muli %scan3A_112, %mul3A_328 : i32
      %add3A_330 = arith.constant 15 : i32
      %add3A_331 = arith.addi %mul3A_329, %add3A_330 : i32
      %dma_start3A_332 = arith.constant 0 : i32
      %dma_start3A_333 = tpu.memref_slice %arg10[%add3A_331, %dma_start3A_332] : memref<256x64xf32, #tpu.memory_space<vmem>> -> memref<1x64xf32, #tpu.memory_space<vmem>>
      %dma_start3A_334 = arith.constant 0 : i32
      %dma_start3A_335 = tpu.memref_slice %arg4[%squeeze3A_327, %dma_start3A_334] : memref<1000000x64xf32, #tpu.memory_space<hbm>> -> memref<1x64xf32, #tpu.memory_space<hbm>>
      %dma_start3A_336 = arith.constant 0 : i32
      %dma_start3A_337 = tpu.memref_slice %arg10[%add3A_331, %dma_start3A_336] : memref<256x64xf32, #tpu.memory_space<vmem>> -> memref<1x64xf32, #tpu.memory_space<vmem>>
      %dma_start3A_338 = arith.constant 0 : i32
      %dma_start3A_339 = tpu.memref_slice %arg4[%squeeze3A_327, %dma_start3A_338] : memref<1000000x64xf32, #tpu.memory_space<hbm>> -> memref<1x64xf32, #tpu.memory_space<hbm>>
      tpu.enqueue_dma source(%dma_start3A_339 : memref<1x64xf32, #tpu.memory_space<hbm>>) target(%dma_start3A_337 : memref<1x64xf32, #tpu.memory_space<vmem>>) target_semaphore(%arg12 : memref<!tpu.dma_semaphore, #tpu.memory_space<semaphore_mem>>)
    }
    %scan3A_7 = arith.constant 16 : i32
    %scan3A_8 = arith.constant 0 : i32
    %scan3A_9 = arith.constant 0 : i32
    %scan3A_10 = arith.constant 16 : i32
    %scan3A_11 = arith.addi %scan3A_9, %scan3A_10 : i32
    %scan3A_12 = arith.constant 1 : i32
    scf.for %scan3A_112 = %scan3A_9 to %scan3A_11 step %scan3A_12  : i32 {
      %mul3A_113 = arith.constant 16 : i32
      %mul3A_114 = arith.muli %scan3A_112, %mul3A_113 : i32
      %add3A_115 = arith.constant 0 : i32
      %add3A_116 = arith.addi %add3A_115, %mul3A_114 : i32
      %get3A = arith.index_cast %add3A_116 : i32 to index
      %get3A_117 = tpu.vector_load %arg9[%get3A] {strides = array<i32>} : memref<512xi32, #tpu.memory_space<vmem>>, vector<16xi32>,
      %slice3A = vector.extract_strided_slice %get3A_117 {offsets = [0], sizes = [1], strides = [1]} : vector<16xi32> to vector<1xi32>
      %squeeze3A = vector.extract %slice3A[0] : i32 from vector<1xi32>
      %mul3A_118 = arith.constant 16 : i32
      %mul3A_119 = arith.muli %scan3A_112, %mul3A_118 : i32
      %add3A_120 = arith.constant 0 : i32
      %add3A_121 = arith.addi %mul3A_119, %add3A_120 : i32
      %dma_start3A_122 = arith.constant 0 : i32
      %dma_start3A_123 = tpu.memref_slice %arg11[%add3A_121, %dma_start3A_122] : memref<256x64xf32, #tpu.memory_space<vmem>> -> memref<1x64xf32, #tpu.memory_space<vmem>>
      %dma_start3A_124 = arith.constant 0 : i32
      %dma_start3A_125 = tpu.memref_slice %arg5[%squeeze3A, %dma_start3A_124] : memref<1000000x64xf32, #tpu.memory_space<hbm>> -> memref<1x64xf32, #tpu.memory_space<hbm>>
      %dma_start3A_126 = arith.constant 0 : i32
      %dma_start3A_127 = tpu.memref_slice %arg11[%add3A_121, %dma_start3A_126] : memref<256x64xf32, #tpu.memory_space<vmem>> -> memref<1x64xf32, #tpu.memory_space<vmem>>
      %dma_start3A_128 = arith.constant 0 : i32
      %dma_start3A_129 = tpu.memref_slice %arg5[%squeeze3A, %dma_start3A_128] : memref<1000000x64xf32, #tpu.memory_space<hbm>> -> memref<1x64xf32, #tpu.memory_space<hbm>>
      tpu.enqueue_dma source(%dma_start3A_129 : memref<1x64xf32, #tpu.memory_space<hbm>>) target(%dma_start3A_127 : memref<1x64xf32, #tpu.memory_space<vmem>>) target_semaphore(%arg13 : memref<!tpu.dma_semaphore, #tpu.memory_space<semaphore_mem>>)
      %slice3A_130 = vector.extract_strided_slice %get3A_117 {offsets = [1], sizes = [1], strides = [1]} : vector<16xi32> to vector<1xi32>
      %squeeze3A_131 = vector.extract %slice3A_130[0] : i32 from vector<1xi32>
      %mul3A_132 = arith.constant 16 : i32
      %mul3A_133 = arith.muli %scan3A_112, %mul3A_132 : i32
      %add3A_134 = arith.constant 1 : i32
      %add3A_135 = arith.addi %mul3A_133, %add3A_134 : i32
      %dma_start3A_136 = arith.constant 0 : i32
      %dma_start3A_137 = tpu.memref_slice %arg11[%add3A_135, %dma_start3A_136] : memref<256x64xf32, #tpu.memory_space<vmem>> -> memref<1x64xf32, #tpu.memory_space<vmem>>
      %dma_start3A_138 = arith.constant 0 : i32
      %dma_start3A_139 = tpu.memref_slice %arg5[%squeeze3A_131, %dma_start3A_138] : memref<1000000x64xf32, #tpu.memory_space<hbm>> -> memref<1x64xf32, #tpu.memory_space<hbm>>
      %dma_start3A_140 = arith.constant 0 : i32
      %dma_start3A_141 = tpu.memref_slice %arg11[%add3A_135, %dma_start3A_140] : memref<256x64xf32, #tpu.memory_space<vmem>> -> memref<1x64xf32, #tpu.memory_space<vmem>>
      %dma_start3A_142 = arith.constant 0 : i32
      %dma_start3A_143 = tpu.memref_slice %arg5[%squeeze3A_131, %dma_start3A_142] : memref<1000000x64xf32, #tpu.memory_space<hbm>> -> memref<1x64xf32, #tpu.memory_space<hbm>>
      tpu.enqueue_dma source(%dma_start3A_143 : memref<1x64xf32, #tpu.memory_space<hbm>>) target(%dma_start3A_141 : memref<1x64xf32, #tpu.memory_space<vmem>>) target_semaphore(%arg13 : memref<!tpu.dma_semaphore, #tpu.memory_space<semaphore_mem>>)
      %slice3A_144 = vector.extract_strided_slice %get3A_117 {offsets = [2], sizes = [1], strides = [1]} : vector<16xi32> to vector<1xi32>
      %squeeze3A_145 = vector.extract %slice3A_144[0] : i32 from vector<1xi32>
      %mul3A_146 = arith.constant 16 : i32
      %mul3A_147 = arith.muli %scan3A_112, %mul3A_146 : i32
      %add3A_148 = arith.constant 2 : i32
      %add3A_149 = arith.addi %mul3A_147, %add3A_148 : i32
      %dma_start3A_150 = arith.constant 0 : i32
      %dma_start3A_151 = tpu.memref_slice %arg11[%add3A_149, %dma_start3A_150] : memref<256x64xf32, #tpu.memory_space<vmem>> -> memref<1x64xf32, #tpu.memory_space<vmem>>
      %dma_start3A_152 = arith.constant 0 : i32
      %dma_start3A_153 = tpu.memref_slice %arg5[%squeeze3A_145, %dma_start3A_152] : memref<1000000x64xf32, #tpu.memory_space<hbm>> -> memref<1x64xf32, #tpu.memory_space<hbm>>
      %dma_start3A_154 = arith.constant 0 : i32
      %dma_start3A_155 = tpu.memref_slice %arg11[%add3A_149, %dma_start3A_154] : memref<256x64xf32, #tpu.memory_space<vmem>> -> memref<1x64xf32, #tpu.memory_space<vmem>>
      %dma_start3A_156 = arith.constant 0 : i32
      %dma_start3A_157 = tpu.memref_slice %arg5[%squeeze3A_145, %dma_start3A_156] : memref<1000000x64xf32, #tpu.memory_space<hbm>> -> memref<1x64xf32, #tpu.memory_space<hbm>>
      tpu.enqueue_dma source(%dma_start3A_157 : memref<1x64xf32, #tpu.memory_space<hbm>>) target(%dma_start3A_155 : memref<1x64xf32, #tpu.memory_space<vmem>>) target_semaphore(%arg13 : memref<!tpu.dma_semaphore, #tpu.memory_space<semaphore_mem>>)
      %slice3A_158 = vector.extract_strided_slice %get3A_117 {offsets = [3], sizes = [1], strides = [1]} : vector<16xi32> to vector<1xi32>
      %squeeze3A_159 = vector.extract %slice3A_158[0] : i32 from vector<1xi32>
      %mul3A_160 = arith.constant 16 : i32
      %mul3A_161 = arith.muli %scan3A_112, %mul3A_160 : i32
      %add3A_162 = arith.constant 3 : i32
      %add3A_163 = arith.addi %mul3A_161, %add3A_162 : i32
      %dma_start3A_164 = arith.constant 0 : i32
      %dma_start3A_165 = tpu.memref_slice %arg11[%add3A_163, %dma_start3A_164] : memref<256x64xf32, #tpu.memory_space<vmem>> -> memref<1x64xf32, #tpu.memory_space<vmem>>
      %dma_start3A_166 = arith.constant 0 : i32
      %dma_start3A_167 = tpu.memref_slice %arg5[%squeeze3A_159, %dma_start3A_166] : memref<1000000x64xf32, #tpu.memory_space<hbm>> -> memref<1x64xf32, #tpu.memory_space<hbm>>
      %dma_start3A_168 = arith.constant 0 : i32
      %dma_start3A_169 = tpu.memref_slice %arg11[%add3A_163, %dma_start3A_168] : memref<256x64xf32, #tpu.memory_space<vmem>> -> memref<1x64xf32, #tpu.memory_space<vmem>>
      %dma_start3A_170 = arith.constant 0 : i32
      %dma_start3A_171 = tpu.memref_slice %arg5[%squeeze3A_159, %dma_start3A_170] : memref<1000000x64xf32, #tpu.memory_space<hbm>> -> memref<1x64xf32, #tpu.memory_space<hbm>>
      tpu.enqueue_dma source(%dma_start3A_171 : memref<1x64xf32, #tpu.memory_space<hbm>>) target(%dma_start3A_169 : memref<1x64xf32, #tpu.memory_space<vmem>>) target_semaphore(%arg13 : memref<!tpu.dma_semaphore, #tpu.memory_space<semaphore_mem>>)
      %slice3A_172 = vector.extract_strided_slice %get3A_117 {offsets = [4], sizes = [1], strides = [1]} : vector<16xi32> to vector<1xi32>
      %squeeze3A_173 = vector.extract %slice3A_172[0] : i32 from vector<1xi32>
      %mul3A_174 = arith.constant 16 : i32
      %mul3A_175 = arith.muli %scan3A_112, %mul3A_174 : i32
      %add3A_176 = arith.constant 4 : i32
      %add3A_177 = arith.addi %mul3A_175, %add3A_176 : i32
      %dma_start3A_178 = arith.constant 0 : i32
      %dma_start3A_179 = tpu.memref_slice %arg11[%add3A_177, %dma_start3A_178] : memref<256x64xf32, #tpu.memory_space<vmem>> -> memref<1x64xf32, #tpu.memory_space<vmem>>
      %dma_start3A_180 = arith.constant 0 : i32
      %dma_start3A_181 = tpu.memref_slice %arg5[%squeeze3A_173, %dma_start3A_180] : memref<1000000x64xf32, #tpu.memory_space<hbm>> -> memref<1x64xf32, #tpu.memory_space<hbm>>
      %dma_start3A_182 = arith.constant 0 : i32
      %dma_start3A_183 = tpu.memref_slice %arg11[%add3A_177, %dma_start3A_182] : memref<256x64xf32, #tpu.memory_space<vmem>> -> memref<1x64xf32, #tpu.memory_space<vmem>>
      %dma_start3A_184 = arith.constant 0 : i32
      %dma_start3A_185 = tpu.memref_slice %arg5[%squeeze3A_173, %dma_start3A_184] : memref<1000000x64xf32, #tpu.memory_space<hbm>> -> memref<1x64xf32, #tpu.memory_space<hbm>>
      tpu.enqueue_dma source(%dma_start3A_185 : memref<1x64xf32, #tpu.memory_space<hbm>>) target(%dma_start3A_183 : memref<1x64xf32, #tpu.memory_space<vmem>>) target_semaphore(%arg13 : memref<!tpu.dma_semaphore, #tpu.memory_space<semaphore_mem>>)
      %slice3A_186 = vector.extract_strided_slice %get3A_117 {offsets = [5], sizes = [1], strides = [1]} : vector<16xi32> to vector<1xi32>
      %squeeze3A_187 = vector.extract %slice3A_186[0] : i32 from vector<1xi32>
      %mul3A_188 = arith.constant 16 : i32
      %mul3A_189 = arith.muli %scan3A_112, %mul3A_188 : i32
      %add3A_190 = arith.constant 5 : i32
      %add3A_191 = arith.addi %mul3A_189, %add3A_190 : i32
      %dma_start3A_192 = arith.constant 0 : i32
      %dma_start3A_193 = tpu.memref_slice %arg11[%add3A_191, %dma_start3A_192] : memref<256x64xf32, #tpu.memory_space<vmem>> -> memref<1x64xf32, #tpu.memory_space<vmem>>
      %dma_start3A_194 = arith.constant 0 : i32
      %dma_start3A_195 = tpu.memref_slice %arg5[%squeeze3A_187, %dma_start3A_194] : memref<1000000x64xf32, #tpu.memory_space<hbm>> -> memref<1x64xf32, #tpu.memory_space<hbm>>
      %dma_start3A_196 = arith.constant 0 : i32
      %dma_start3A_197 = tpu.memref_slice %arg11[%add3A_191, %dma_start3A_196] : memref<256x64xf32, #tpu.memory_space<vmem>> -> memref<1x64xf32, #tpu.memory_space<vmem>>
      %dma_start3A_198 = arith.constant 0 : i32
      %dma_start3A_199 = tpu.memref_slice %arg5[%squeeze3A_187, %dma_start3A_198] : memref<1000000x64xf32, #tpu.memory_space<hbm>> -> memref<1x64xf32, #tpu.memory_space<hbm>>
      tpu.enqueue_dma source(%dma_start3A_199 : memref<1x64xf32, #tpu.memory_space<hbm>>) target(%dma_start3A_197 : memref<1x64xf32, #tpu.memory_space<vmem>>) target_semaphore(%arg13 : memref<!tpu.dma_semaphore, #tpu.memory_space<semaphore_mem>>)
      %slice3A_200 = vector.extract_strided_slice %get3A_117 {offsets = [6], sizes = [1], strides = [1]} : vector<16xi32> to vector<1xi32>
      %squeeze3A_201 = vector.extract %slice3A_200[0] : i32 from vector<1xi32>
      %mul3A_202 = arith.constant 16 : i32
      %mul3A_203 = arith.muli %scan3A_112, %mul3A_202 : i32
      %add3A_204 = arith.constant 6 : i32
      %add3A_205 = arith.addi %mul3A_203, %add3A_204 : i32
      %dma_start3A_206 = arith.constant 0 : i32
      %dma_start3A_207 = tpu.memref_slice %arg11[%add3A_205, %dma_start3A_206] : memref<256x64xf32, #tpu.memory_space<vmem>> -> memref<1x64xf32, #tpu.memory_space<vmem>>
      %dma_start3A_208 = arith.constant 0 : i32
      %dma_start3A_209 = tpu.memref_slice %arg5[%squeeze3A_201, %dma_start3A_208] : memref<1000000x64xf32, #tpu.memory_space<hbm>> -> memref<1x64xf32, #tpu.memory_space<hbm>>
      %dma_start3A_210 = arith.constant 0 : i32
      %dma_start3A_211 = tpu.memref_slice %arg11[%add3A_205, %dma_start3A_210] : memref<256x64xf32, #tpu.memory_space<vmem>> -> memref<1x64xf32, #tpu.memory_space<vmem>>
      %dma_start3A_212 = arith.constant 0 : i32
      %dma_start3A_213 = tpu.memref_slice %arg5[%squeeze3A_201, %dma_start3A_212] : memref<1000000x64xf32, #tpu.memory_space<hbm>> -> memref<1x64xf32, #tpu.memory_space<hbm>>
      tpu.enqueue_dma source(%dma_start3A_213 : memref<1x64xf32, #tpu.memory_space<hbm>>) target(%dma_start3A_211 : memref<1x64xf32, #tpu.memory_space<vmem>>) target_semaphore(%arg13 : memref<!tpu.dma_semaphore, #tpu.memory_space<semaphore_mem>>)
      %slice3A_214 = vector.extract_strided_slice %get3A_117 {offsets = [7], sizes = [1], strides = [1]} : vector<16xi32> to vector<1xi32>
      %squeeze3A_215 = vector.extract %slice3A_214[0] : i32 from vector<1xi32>
      %mul3A_216 = arith.constant 16 : i32
      %mul3A_217 = arith.muli %scan3A_112, %mul3A_216 : i32
      %add3A_218 = arith.constant 7 : i32
      %add3A_219 = arith.addi %mul3A_217, %add3A_218 : i32
      %dma_start3A_220 = arith.constant 0 : i32
      %dma_start3A_221 = tpu.memref_slice %arg11[%add3A_219, %dma_start3A_220] : memref<256x64xf32, #tpu.memory_space<vmem>> -> memref<1x64xf32, #tpu.memory_space<vmem>>
      %dma_start3A_222 = arith.constant 0 : i32
      %dma_start3A_223 = tpu.memref_slice %arg5[%squeeze3A_215, %dma_start3A_222] : memref<1000000x64xf32, #tpu.memory_space<hbm>> -> memref<1x64xf32, #tpu.memory_space<hbm>>
      %dma_start3A_224 = arith.constant 0 : i32
      %dma_start3A_225 = tpu.memref_slice %arg11[%add3A_219, %dma_start3A_224] : memref<256x64xf32, #tpu.memory_space<vmem>> -> memref<1x64xf32, #tpu.memory_space<vmem>>
      %dma_start3A_226 = arith.constant 0 : i32
      %dma_start3A_227 = tpu.memref_slice %arg5[%squeeze3A_215, %dma_start3A_226] : memref<1000000x64xf32, #tpu.memory_space<hbm>> -> memref<1x64xf32, #tpu.memory_space<hbm>>
      tpu.enqueue_dma source(%dma_start3A_227 : memref<1x64xf32, #tpu.memory_space<hbm>>) target(%dma_start3A_225 : memref<1x64xf32, #tpu.memory_space<vmem>>) target_semaphore(%arg13 : memref<!tpu.dma_semaphore, #tpu.memory_space<semaphore_mem>>)
      %slice3A_228 = vector.extract_strided_slice %get3A_117 {offsets = [8], sizes = [1], strides = [1]} : vector<16xi32> to vector<1xi32>
      %squeeze3A_229 = vector.extract %slice3A_228[0] : i32 from vector<1xi32>
      %mul3A_230 = arith.constant 16 : i32
      %mul3A_231 = arith.muli %scan3A_112, %mul3A_230 : i32
      %add3A_232 = arith.constant 8 : i32
      %add3A_233 = arith.addi %mul3A_231, %add3A_232 : i32
      %dma_start3A_234 = arith.constant 0 : i32
      %dma_start3A_235 = tpu.memref_slice %arg11[%add3A_233, %dma_start3A_234] : memref<256x64xf32, #tpu.memory_space<vmem>> -> memref<1x64xf32, #tpu.memory_space<vmem>>
      %dma_start3A_236 = arith.constant 0 : i32
      %dma_start3A_237 = tpu.memref_slice %arg5[%squeeze3A_229, %dma_start3A_236] : memref<1000000x64xf32, #tpu.memory_space<hbm>> -> memref<1x64xf32, #tpu.memory_space<hbm>>
      %dma_start3A_238 = arith.constant 0 : i32
      %dma_start3A_239 = tpu.memref_slice %arg11[%add3A_233, %dma_start3A_238] : memref<256x64xf32, #tpu.memory_space<vmem>> -> memref<1x64xf32, #tpu.memory_space<vmem>>
      %dma_start3A_240 = arith.constant 0 : i32
      %dma_start3A_241 = tpu.memref_slice %arg5[%squeeze3A_229, %dma_start3A_240] : memref<1000000x64xf32, #tpu.memory_space<hbm>> -> memref<1x64xf32, #tpu.memory_space<hbm>>
      tpu.enqueue_dma source(%dma_start3A_241 : memref<1x64xf32, #tpu.memory_space<hbm>>) target(%dma_start3A_239 : memref<1x64xf32, #tpu.memory_space<vmem>>) target_semaphore(%arg13 : memref<!tpu.dma_semaphore, #tpu.memory_space<semaphore_mem>>)
      %slice3A_242 = vector.extract_strided_slice %get3A_117 {offsets = [9], sizes = [1], strides = [1]} : vector<16xi32> to vector<1xi32>
      %squeeze3A_243 = vector.extract %slice3A_242[0] : i32 from vector<1xi32>
      %mul3A_244 = arith.constant 16 : i32
      %mul3A_245 = arith.muli %scan3A_112, %mul3A_244 : i32
      %add3A_246 = arith.constant 9 : i32
      %add3A_247 = arith.addi %mul3A_245, %add3A_246 : i32
      %dma_start3A_248 = arith.constant 0 : i32
      %dma_start3A_249 = tpu.memref_slice %arg11[%add3A_247, %dma_start3A_248] : memref<256x64xf32, #tpu.memory_space<vmem>> -> memref<1x64xf32, #tpu.memory_space<vmem>>
      %dma_start3A_250 = arith.constant 0 : i32
      %dma_start3A_251 = tpu.memref_slice %arg5[%squeeze3A_243, %dma_start3A_250] : memref<1000000x64xf32, #tpu.memory_space<hbm>> -> memref<1x64xf32, #tpu.memory_space<hbm>>
      %dma_start3A_252 = arith.constant 0 : i32
      %dma_start3A_253 = tpu.memref_slice %arg11[%add3A_247, %dma_start3A_252] : memref<256x64xf32, #tpu.memory_space<vmem>> -> memref<1x64xf32, #tpu.memory_space<vmem>>
      %dma_start3A_254 = arith.constant 0 : i32
      %dma_start3A_255 = tpu.memref_slice %arg5[%squeeze3A_243, %dma_start3A_254] : memref<1000000x64xf32, #tpu.memory_space<hbm>> -> memref<1x64xf32, #tpu.memory_space<hbm>>
      tpu.enqueue_dma source(%dma_start3A_255 : memref<1x64xf32, #tpu.memory_space<hbm>>) target(%dma_start3A_253 : memref<1x64xf32, #tpu.memory_space<vmem>>) target_semaphore(%arg13 : memref<!tpu.dma_semaphore, #tpu.memory_space<semaphore_mem>>)
      %slice3A_256 = vector.extract_strided_slice %get3A_117 {offsets = [10], sizes = [1], strides = [1]} : vector<16xi32> to vector<1xi32>
      %squeeze3A_257 = vector.extract %slice3A_256[0] : i32 from vector<1xi32>
      %mul3A_258 = arith.constant 16 : i32
      %mul3A_259 = arith.muli %scan3A_112, %mul3A_258 : i32
      %add3A_260 = arith.constant 10 : i32
      %add3A_261 = arith.addi %mul3A_259, %add3A_260 : i32
      %dma_start3A_262 = arith.constant 0 : i32
      %dma_start3A_263 = tpu.memref_slice %arg11[%add3A_261, %dma_start3A_262] : memref<256x64xf32, #tpu.memory_space<vmem>> -> memref<1x64xf32, #tpu.memory_space<vmem>>
      %dma_start3A_264 = arith.constant 0 : i32
      %dma_start3A_265 = tpu.memref_slice %arg5[%squeeze3A_257, %dma_start3A_264] : memref<1000000x64xf32, #tpu.memory_space<hbm>> -> memref<1x64xf32, #tpu.memory_space<hbm>>
      %dma_start3A_266 = arith.constant 0 : i32
      %dma_start3A_267 = tpu.memref_slice %arg11[%add3A_261, %dma_start3A_266] : memref<256x64xf32, #tpu.memory_space<vmem>> -> memref<1x64xf32, #tpu.memory_space<vmem>>
      %dma_start3A_268 = arith.constant 0 : i32
      %dma_start3A_269 = tpu.memref_slice %arg5[%squeeze3A_257, %dma_start3A_268] : memref<1000000x64xf32, #tpu.memory_space<hbm>> -> memref<1x64xf32, #tpu.memory_space<hbm>>
      tpu.enqueue_dma source(%dma_start3A_269 : memref<1x64xf32, #tpu.memory_space<hbm>>) target(%dma_start3A_267 : memref<1x64xf32, #tpu.memory_space<vmem>>) target_semaphore(%arg13 : memref<!tpu.dma_semaphore, #tpu.memory_space<semaphore_mem>>)
      %slice3A_270 = vector.extract_strided_slice %get3A_117 {offsets = [11], sizes = [1], strides = [1]} : vector<16xi32> to vector<1xi32>
      %squeeze3A_271 = vector.extract %slice3A_270[0] : i32 from vector<1xi32>
      %mul3A_272 = arith.constant 16 : i32
      %mul3A_273 = arith.muli %scan3A_112, %mul3A_272 : i32
      %add3A_274 = arith.constant 11 : i32
      %add3A_275 = arith.addi %mul3A_273, %add3A_274 : i32
      %dma_start3A_276 = arith.constant 0 : i32
      %dma_start3A_277 = tpu.memref_slice %arg11[%add3A_275, %dma_start3A_276] : memref<256x64xf32, #tpu.memory_space<vmem>> -> memref<1x64xf32, #tpu.memory_space<vmem>>
      %dma_start3A_278 = arith.constant 0 : i32
      %dma_start3A_279 = tpu.memref_slice %arg5[%squeeze3A_271, %dma_start3A_278] : memref<1000000x64xf32, #tpu.memory_space<hbm>> -> memref<1x64xf32, #tpu.memory_space<hbm>>
      %dma_start3A_280 = arith.constant 0 : i32
      %dma_start3A_281 = tpu.memref_slice %arg11[%add3A_275, %dma_start3A_280] : memref<256x64xf32, #tpu.memory_space<vmem>> -> memref<1x64xf32, #tpu.memory_space<vmem>>
      %dma_start3A_282 = arith.constant 0 : i32
      %dma_start3A_283 = tpu.memref_slice %arg5[%squeeze3A_271, %dma_start3A_282] : memref<1000000x64xf32, #tpu.memory_space<hbm>> -> memref<1x64xf32, #tpu.memory_space<hbm>>
      tpu.enqueue_dma source(%dma_start3A_283 : memref<1x64xf32, #tpu.memory_space<hbm>>) target(%dma_start3A_281 : memref<1x64xf32, #tpu.memory_space<vmem>>) target_semaphore(%arg13 : memref<!tpu.dma_semaphore, #tpu.memory_space<semaphore_mem>>)
      %slice3A_284 = vector.extract_strided_slice %get3A_117 {offsets = [12], sizes = [1], strides = [1]} : vector<16xi32> to vector<1xi32>
      %squeeze3A_285 = vector.extract %slice3A_284[0] : i32 from vector<1xi32>
      %mul3A_286 = arith.constant 16 : i32
      %mul3A_287 = arith.muli %scan3A_112, %mul3A_286 : i32
      %add3A_288 = arith.constant 12 : i32
      %add3A_289 = arith.addi %mul3A_287, %add3A_288 : i32
      %dma_start3A_290 = arith.constant 0 : i32
      %dma_start3A_291 = tpu.memref_slice %arg11[%add3A_289, %dma_start3A_290] : memref<256x64xf32, #tpu.memory_space<vmem>> -> memref<1x64xf32, #tpu.memory_space<vmem>>
      %dma_start3A_292 = arith.constant 0 : i32
      %dma_start3A_293 = tpu.memref_slice %arg5[%squeeze3A_285, %dma_start3A_292] : memref<1000000x64xf32, #tpu.memory_space<hbm>> -> memref<1x64xf32, #tpu.memory_space<hbm>>
      %dma_start3A_294 = arith.constant 0 : i32
      %dma_start3A_295 = tpu.memref_slice %arg11[%add3A_289, %dma_start3A_294] : memref<256x64xf32, #tpu.memory_space<vmem>> -> memref<1x64xf32, #tpu.memory_space<vmem>>
      %dma_start3A_296 = arith.constant 0 : i32
      %dma_start3A_297 = tpu.memref_slice %arg5[%squeeze3A_285, %dma_start3A_296] : memref<1000000x64xf32, #tpu.memory_space<hbm>> -> memref<1x64xf32, #tpu.memory_space<hbm>>
      tpu.enqueue_dma source(%dma_start3A_297 : memref<1x64xf32, #tpu.memory_space<hbm>>) target(%dma_start3A_295 : memref<1x64xf32, #tpu.memory_space<vmem>>) target_semaphore(%arg13 : memref<!tpu.dma_semaphore, #tpu.memory_space<semaphore_mem>>)
      %slice3A_298 = vector.extract_strided_slice %get3A_117 {offsets = [13], sizes = [1], strides = [1]} : vector<16xi32> to vector<1xi32>
      %squeeze3A_299 = vector.extract %slice3A_298[0] : i32 from vector<1xi32>
      %mul3A_300 = arith.constant 16 : i32
      %mul3A_301 = arith.muli %scan3A_112, %mul3A_300 : i32
      %add3A_302 = arith.constant 13 : i32
      %add3A_303 = arith.addi %mul3A_301, %add3A_302 : i32
      %dma_start3A_304 = arith.constant 0 : i32
      %dma_start3A_305 = tpu.memref_slice %arg11[%add3A_303, %dma_start3A_304] : memref<256x64xf32, #tpu.memory_space<vmem>> -> memref<1x64xf32, #tpu.memory_space<vmem>>
      %dma_start3A_306 = arith.constant 0 : i32
      %dma_start3A_307 = tpu.memref_slice %arg5[%squeeze3A_299, %dma_start3A_306] : memref<1000000x64xf32, #tpu.memory_space<hbm>> -> memref<1x64xf32, #tpu.memory_space<hbm>>
      %dma_start3A_308 = arith.constant 0 : i32
      %dma_start3A_309 = tpu.memref_slice %arg11[%add3A_303, %dma_start3A_308] : memref<256x64xf32, #tpu.memory_space<vmem>> -> memref<1x64xf32, #tpu.memory_space<vmem>>
      %dma_start3A_310 = arith.constant 0 : i32
      %dma_start3A_311 = tpu.memref_slice %arg5[%squeeze3A_299, %dma_start3A_310] : memref<1000000x64xf32, #tpu.memory_space<hbm>> -> memref<1x64xf32, #tpu.memory_space<hbm>>
      tpu.enqueue_dma source(%dma_start3A_311 : memref<1x64xf32, #tpu.memory_space<hbm>>) target(%dma_start3A_309 : memref<1x64xf32, #tpu.memory_space<vmem>>) target_semaphore(%arg13 : memref<!tpu.dma_semaphore, #tpu.memory_space<semaphore_mem>>)
      %slice3A_312 = vector.extract_strided_slice %get3A_117 {offsets = [14], sizes = [1], strides = [1]} : vector<16xi32> to vector<1xi32>
      %squeeze3A_313 = vector.extract %slice3A_312[0] : i32 from vector<1xi32>
      %mul3A_314 = arith.constant 16 : i32
      %mul3A_315 = arith.muli %scan3A_112, %mul3A_314 : i32
      %add3A_316 = arith.constant 14 : i32
      %add3A_317 = arith.addi %mul3A_315, %add3A_316 : i32
      %dma_start3A_318 = arith.constant 0 : i32
      %dma_start3A_319 = tpu.memref_slice %arg11[%add3A_317, %dma_start3A_318] : memref<256x64xf32, #tpu.memory_space<vmem>> -> memref<1x64xf32, #tpu.memory_space<vmem>>
      %dma_start3A_320 = arith.constant 0 : i32
      %dma_start3A_321 = tpu.memref_slice %arg5[%squeeze3A_313, %dma_start3A_320] : memref<1000000x64xf32, #tpu.memory_space<hbm>> -> memref<1x64xf32, #tpu.memory_space<hbm>>
      %dma_start3A_322 = arith.constant 0 : i32
      %dma_start3A_323 = tpu.memref_slice %arg11[%add3A_317, %dma_start3A_322] : memref<256x64xf32, #tpu.memory_space<vmem>> -> memref<1x64xf32, #tpu.memory_space<vmem>>
      %dma_start3A_324 = arith.constant 0 : i32
      %dma_start3A_325 = tpu.memref_slice %arg5[%squeeze3A_313, %dma_start3A_324] : memref<1000000x64xf32, #tpu.memory_space<hbm>> -> memref<1x64xf32, #tpu.memory_space<hbm>>
      tpu.enqueue_dma source(%dma_start3A_325 : memref<1x64xf32, #tpu.memory_space<hbm>>) target(%dma_start3A_323 : memref<1x64xf32, #tpu.memory_space<vmem>>) target_semaphore(%arg13 : memref<!tpu.dma_semaphore, #tpu.memory_space<semaphore_mem>>)
      %slice3A_326 = vector.extract_strided_slice %get3A_117 {offsets = [15], sizes = [1], strides = [1]} : vector<16xi32> to vector<1xi32>
      %squeeze3A_327 = vector.extract %slice3A_326[0] : i32 from vector<1xi32>
      %mul3A_328 = arith.constant 16 : i32
      %mul3A_329 = arith.muli %scan3A_112, %mul3A_328 : i32
      %add3A_330 = arith.constant 15 : i32
      %add3A_331 = arith.addi %mul3A_329, %add3A_330 : i32
      %dma_start3A_332 = arith.constant 0 : i32
      %dma_start3A_333 = tpu.memref_slice %arg11[%add3A_331, %dma_start3A_332] : memref<256x64xf32, #tpu.memory_space<vmem>> -> memref<1x64xf32, #tpu.memory_space<vmem>>
      %dma_start3A_334 = arith.constant 0 : i32
      %dma_start3A_335 = tpu.memref_slice %arg5[%squeeze3A_327, %dma_start3A_334] : memref<1000000x64xf32, #tpu.memory_space<hbm>> -> memref<1x64xf32, #tpu.memory_space<hbm>>
      %dma_start3A_336 = arith.constant 0 : i32
      %dma_start3A_337 = tpu.memref_slice %arg11[%add3A_331, %dma_start3A_336] : memref<256x64xf32, #tpu.memory_space<vmem>> -> memref<1x64xf32, #tpu.memory_space<vmem>>
      %dma_start3A_338 = arith.constant 0 : i32
      %dma_start3A_339 = tpu.memref_slice %arg5[%squeeze3A_327, %dma_start3A_338] : memref<1000000x64xf32, #tpu.memory_space<hbm>> -> memref<1x64xf32, #tpu.memory_space<hbm>>
      tpu.enqueue_dma source(%dma_start3A_339 : memref<1x64xf32, #tpu.memory_space<hbm>>) target(%dma_start3A_337 : memref<1x64xf32, #tpu.memory_space<vmem>>) target_semaphore(%arg13 : memref<!tpu.dma_semaphore, #tpu.memory_space<semaphore_mem>>)
    }
    %scan3A_13 = arith.constant 16 : i32
    %dma_wait3A = arith.constant 0 : i32
    %dma_wait3A_14 = arith.constant 0 : i32
    %dma_wait3A_15 = tpu.memref_slice %arg4[%dma_wait3A, %dma_wait3A_14] : memref<1000000x64xf32, #tpu.memory_space<hbm>> -> memref<256x64xf32, #tpu.memory_space<hbm>>
    %dma_wait3A_16 = arith.constant 0 : i32
    %dma_wait3A_17 = arith.constant 0 : i32
    %dma_wait3A_18 = tpu.memref_slice %arg4[%dma_wait3A_16, %dma_wait3A_17] : memref<1000000x64xf32, #tpu.memory_space<hbm>> -> memref<256x64xf32, #tpu.memory_space<hbm>>
    tpu.wait_dma2 semaphore(%arg12 : memref<!tpu.dma_semaphore, #tpu.memory_space<semaphore_mem>>) src(%dma_wait3A_18 : memref<256x64xf32, #tpu.memory_space<hbm>>) dst(%arg10 : memref<256x64xf32, #tpu.memory_space<vmem>>)
    %scan3A_19 = arith.constant 0 : i32
    %scan3A_20 = arith.constant 0 : i32
    %scan3A_21 = arith.constant 256 : i32
    %scan3A_22 = arith.addi %scan3A_20, %scan3A_21 : i32
    %scan3A_23 = arith.constant 1 : i32
    scf.for %scan3A_112 = %scan3A_20 to %scan3A_22 step %scan3A_23  : i32 {
      %broadcast_in_dim3A = arith.constant 0.000000e+00 : f32
      %broadcast_in_dim3A_113 = vector.broadcast %broadcast_in_dim3A : f32 to vector<16xf32>
      %get3A = arith.index_cast %scan3A_112 : i32 to index
      %get3A_114 = arith.constant 0 : index
      %get3A_115 = tpu.vector_load %arg10[%get3A, %get3A_114] {strides = array<i32>} : memref<256x64xf32, #tpu.memory_space<vmem>>, vector<16xf32>,
      %mul3A_116 = arith.mulf %get3A_115, %get3A_115 : vector<16xf32>
      %add3A_117 = arith.addf %broadcast_in_dim3A_113, %mul3A_116 : vector<16xf32>
      %get3A_118 = arith.index_cast %scan3A_112 : i32 to index
      %get3A_119 = arith.constant 16 : index
      %get3A_120 = tpu.vector_load %arg10[%get3A_118, %get3A_119] {strides = array<i32>} : memref<256x64xf32, #tpu.memory_space<vmem>>, vector<16xf32>,
      %mul3A_121 = arith.mulf %get3A_120, %get3A_120 : vector<16xf32>
      %add3A_122 = arith.addf %add3A_117, %mul3A_121 : vector<16xf32>
      %get3A_123 = arith.index_cast %scan3A_112 : i32 to index
      %get3A_124 = arith.constant 32 : index
      %get3A_125 = tpu.vector_load %arg10[%get3A_123, %get3A_124] {strides = array<i32>} : memref<256x64xf32, #tpu.memory_space<vmem>>, vector<16xf32>,
      %mul3A_126 = arith.mulf %get3A_125, %get3A_125 : vector<16xf32>
      %add3A_127 = arith.addf %add3A_122, %mul3A_126 : vector<16xf32>
      %get3A_128 = arith.index_cast %scan3A_112 : i32 to index
      %get3A_129 = arith.constant 48 : index
      %get3A_130 = tpu.vector_load %arg10[%get3A_128, %get3A_129] {strides = array<i32>} : memref<256x64xf32, #tpu.memory_space<vmem>>, vector<16xf32>,
      %mul3A_131 = arith.mulf %get3A_130, %get3A_130 : vector<16xf32>
      %add3A_132 = arith.addf %add3A_127, %mul3A_131 : vector<16xf32>
      %reduce_sum3A = arith.constant true
      %reduce_sum3A_133 = vector.broadcast %reduce_sum3A : i1 to vector<16xi1>
      %reduce_sum3A_134 = tpu.scan <sum>, %add3A_132 masked %reduce_sum3A_133 : vector<16xf32>, vector<16xi1> -> vector<16xf32>
      %reduce_sum3A_135 = vector.extract %reduce_sum3A_134[15] : f32 from vector<16xf32>
      %bitcast_convert_type3A = arith.bitcast %reduce_sum3A_135 : f32 to i32
      %shift_right_logical3A = arith.constant 1 : i32
      %shift_right_logical3A_136 = arith.shrui %bitcast_convert_type3A, %shift_right_logical3A : i32
      %sub3A = arith.constant 1597463007 : i32
      %sub3A_137 = arith.subi %sub3A, %shift_right_logical3A_136 : i32
      %bitcast_convert_type3A_138 = arith.bitcast %sub3A_137 : i32 to f32
      %mul3A_139 = arith.constant 5.000000e-01 : f32
      %mul3A_140 = arith.mulf %mul3A_139, %reduce_sum3A_135 : f32
      %mul3A_141 = arith.mulf %mul3A_140, %bitcast_convert_type3A_138 : f32
      %mul3A_142 = arith.mulf %mul3A_141, %bitcast_convert_type3A_138 : f32
      %sub3A_143 = arith.constant 1.500000e+00 : f32
      %sub3A_144 = arith.subf %sub3A_143, %mul3A_142 : f32
      %mul3A_145 = arith.mulf %bitcast_convert_type3A_138, %sub3A_144 : f32
      %mul3A_146 = arith.constant 5.000000e-01 : f32
      %mul3A_147 = arith.mulf %mul3A_146, %reduce_sum3A_135 : f32
      %mul3A_148 = arith.mulf %mul3A_147, %mul3A_145 : f32
      %mul3A_149 = arith.mulf %mul3A_148, %mul3A_145 : f32
      %sub3A_150 = arith.constant 1.500000e+00 : f32
      %sub3A_151 = arith.subf %sub3A_150, %mul3A_149 : f32
      %mul3A_152 = arith.mulf %mul3A_145, %sub3A_151 : f32
      %mul3A_153 = arith.constant 5.000000e-01 : f32
      %mul3A_154 = arith.mulf %mul3A_153, %reduce_sum3A_135 : f32
      %mul3A_155 = arith.mulf %mul3A_154, %mul3A_152 : f32
      %mul3A_156 = arith.mulf %mul3A_155, %mul3A_152 : f32
      %sub3A_157 = arith.constant 1.500000e+00 : f32
      %sub3A_158 = arith.subf %sub3A_157, %mul3A_156 : f32
      %mul3A_159 = arith.mulf %mul3A_152, %sub3A_158 : f32
      %mul3A_160 = arith.mulf %reduce_sum3A_135, %mul3A_159 : f32
      %gt3A = arith.constant 9.99999996E-13 : f32
      %gt3A_161 = arith.cmpf ogt, %mul3A_160, %gt3A : f32
      %jit3A = arith.constant 9.99999995E+11 : f32
      %select_n3A = arith.select %gt3A_161, %mul3A_159, %jit3A : f32
      %mul3A_162 = vector.broadcast %select_n3A : f32 to vector<16xf32>
      %mul3A_163 = arith.mulf %get3A_115, %mul3A_162 : vector<16xf32>
      %swap3A = arith.index_cast %scan3A_112 : i32 to index
      %swap3A_164 = arith.constant 0 : index
      %swap3A_165 = tpu.vector_load %arg10[%swap3A, %swap3A_164] {strides = array<i32>} : memref<256x64xf32, #tpu.memory_space<vmem>>, vector<16xf32>,
      tpu.vector_store %arg10[%swap3A, %swap3A_164], %mul3A_163 {strides = array<i32>} : memref<256x64xf32, #tpu.memory_space<vmem>>, vector<16xf32>,
      %mul3A_166 = vector.broadcast %select_n3A : f32 to vector<16xf32>
      %mul3A_167 = arith.mulf %get3A_120, %mul3A_166 : vector<16xf32>
      %swap3A_168 = arith.index_cast %scan3A_112 : i32 to index
      %swap3A_169 = arith.constant 16 : index
      %swap3A_170 = tpu.vector_load %arg10[%swap3A_168, %swap3A_169] {strides = array<i32>} : memref<256x64xf32, #tpu.memory_space<vmem>>, vector<16xf32>,
      tpu.vector_store %arg10[%swap3A_168, %swap3A_169], %mul3A_167 {strides = array<i32>} : memref<256x64xf32, #tpu.memory_space<vmem>>, vector<16xf32>,
      %mul3A_171 = vector.broadcast %select_n3A : f32 to vector<16xf32>
      %mul3A_172 = arith.mulf %get3A_125, %mul3A_171 : vector<16xf32>
      %swap3A_173 = arith.index_cast %scan3A_112 : i32 to index
      %swap3A_174 = arith.constant 32 : index
      %swap3A_175 = tpu.vector_load %arg10[%swap3A_173, %swap3A_174] {strides = array<i32>} : memref<256x64xf32, #tpu.memory_space<vmem>>, vector<16xf32>,
      tpu.vector_store %arg10[%swap3A_173, %swap3A_174], %mul3A_172 {strides = array<i32>} : memref<256x64xf32, #tpu.memory_space<vmem>>, vector<16xf32>,
      %mul3A_176 = vector.broadcast %select_n3A : f32 to vector<16xf32>
      %mul3A_177 = arith.mulf %get3A_130, %mul3A_176 : vector<16xf32>
      %swap3A_178 = arith.index_cast %scan3A_112 : i32 to index
      %swap3A_179 = arith.constant 48 : index
      %swap3A_180 = tpu.vector_load %arg10[%swap3A_178, %swap3A_179] {strides = array<i32>} : memref<256x64xf32, #tpu.memory_space<vmem>>, vector<16xf32>,
      tpu.vector_store %arg10[%swap3A_178, %swap3A_179], %mul3A_177 {strides = array<i32>} : memref<256x64xf32, #tpu.memory_space<vmem>>, vector<16xf32>,
    }
    %scan3A_24 = arith.constant 256 : i32
    %add3A_25 = arith.constant 0 : i32
    %add3A_26 = arith.addi %mul3A_2, %add3A_25 : i32
    %dma_start3A = arith.constant 0 : i32
    %dma_start3A_27 = tpu.memref_slice %arg6[%add3A_26, %dma_start3A] : memref<16384x64xf32, #tpu.memory_space<hbm>> -> memref<256x64xf32, #tpu.memory_space<hbm>>
    %dma_start3A_28 = arith.constant 0 : i32
    %dma_start3A_29 = tpu.memref_slice %arg6[%add3A_26, %dma_start3A_28] : memref<16384x64xf32, #tpu.memory_space<hbm>> -> memref<256x64xf32, #tpu.memory_space<hbm>>
    tpu.enqueue_dma source(%arg10 : memref<256x64xf32, #tpu.memory_space<vmem>>) target(%dma_start3A_29 : memref<256x64xf32, #tpu.memory_space<hbm>>) target_semaphore(%arg14 : memref<!tpu.dma_semaphore, #tpu.memory_space<semaphore_mem>>)
    %dma_wait3A_30 = arith.constant 0 : i32
    %dma_wait3A_31 = arith.constant 0 : i32
    %dma_wait3A_32 = tpu.memref_slice %arg5[%dma_wait3A_30, %dma_wait3A_31] : memref<1000000x64xf32, #tpu.memory_space<hbm>> -> memref<256x64xf32, #tpu.memory_space<hbm>>
    %dma_wait3A_33 = arith.constant 0 : i32
    %dma_wait3A_34 = arith.constant 0 : i32
    %dma_wait3A_35 = tpu.memref_slice %arg5[%dma_wait3A_33, %dma_wait3A_34] : memref<1000000x64xf32, #tpu.memory_space<hbm>> -> memref<256x64xf32, #tpu.memory_space<hbm>>
    tpu.wait_dma2 semaphore(%arg13 : memref<!tpu.dma_semaphore, #tpu.memory_space<semaphore_mem>>) src(%dma_wait3A_35 : memref<256x64xf32, #tpu.memory_space<hbm>>) dst(%arg11 : memref<256x64xf32, #tpu.memory_space<vmem>>)
    %scan3A_36 = arith.constant 0 : i32
    %scan3A_37 = arith.constant 0 : i32
    %scan3A_38 = arith.constant 256 : i32
    %scan3A_39 = arith.addi %scan3A_37, %scan3A_38 : i32
    %scan3A_40 = arith.constant 1 : i32
    scf.for %scan3A_112 = %scan3A_37 to %scan3A_39 step %scan3A_40  : i32 {
      %broadcast_in_dim3A = arith.constant 0.000000e+00 : f32
      %broadcast_in_dim3A_113 = vector.broadcast %broadcast_in_dim3A : f32 to vector<16xf32>
      %get3A = arith.index_cast %scan3A_112 : i32 to index
      %get3A_114 = arith.constant 0 : index
      %get3A_115 = tpu.vector_load %arg11[%get3A, %get3A_114] {strides = array<i32>} : memref<256x64xf32, #tpu.memory_space<vmem>>, vector<16xf32>,
      %mul3A_116 = arith.mulf %get3A_115, %get3A_115 : vector<16xf32>
      %add3A_117 = arith.addf %broadcast_in_dim3A_113, %mul3A_116 : vector<16xf32>
      %get3A_118 = arith.index_cast %scan3A_112 : i32 to index
      %get3A_119 = arith.constant 16 : index
      %get3A_120 = tpu.vector_load %arg11[%get3A_118, %get3A_119] {strides = array<i32>} : memref<256x64xf32, #tpu.memory_space<vmem>>, vector<16xf32>,
      %mul3A_121 = arith.mulf %get3A_120, %get3A_120 : vector<16xf32>
      %add3A_122 = arith.addf %add3A_117, %mul3A_121 : vector<16xf32>
      %get3A_123 = arith.index_cast %scan3A_112 : i32 to index
      %get3A_124 = arith.constant 32 : index
      %get3A_125 = tpu.vector_load %arg11[%get3A_123, %get3A_124] {strides = array<i32>} : memref<256x64xf32, #tpu.memory_space<vmem>>, vector<16xf32>,
      %mul3A_126 = arith.mulf %get3A_125, %get3A_125 : vector<16xf32>
      %add3A_127 = arith.addf %add3A_122, %mul3A_126 : vector<16xf32>
      %get3A_128 = arith.index_cast %scan3A_112 : i32 to index
      %get3A_129 = arith.constant 48 : index
      %get3A_130 = tpu.vector_load %arg11[%get3A_128, %get3A_129] {strides = array<i32>} : memref<256x64xf32, #tpu.memory_space<vmem>>, vector<16xf32>,
      %mul3A_131 = arith.mulf %get3A_130, %get3A_130 : vector<16xf32>
      %add3A_132 = arith.addf %add3A_127, %mul3A_131 : vector<16xf32>
      %reduce_sum3A = arith.constant true
      %reduce_sum3A_133 = vector.broadcast %reduce_sum3A : i1 to vector<16xi1>
      %reduce_sum3A_134 = tpu.scan <sum>, %add3A_132 masked %reduce_sum3A_133 : vector<16xf32>, vector<16xi1> -> vector<16xf32>
      %reduce_sum3A_135 = vector.extract %reduce_sum3A_134[15] : f32 from vector<16xf32>
      %bitcast_convert_type3A = arith.bitcast %reduce_sum3A_135 : f32 to i32
      %shift_right_logical3A = arith.constant 1 : i32
      %shift_right_logical3A_136 = arith.shrui %bitcast_convert_type3A, %shift_right_logical3A : i32
      %sub3A = arith.constant 1597463007 : i32
      %sub3A_137 = arith.subi %sub3A, %shift_right_logical3A_136 : i32
      %bitcast_convert_type3A_138 = arith.bitcast %sub3A_137 : i32 to f32
      %mul3A_139 = arith.constant 5.000000e-01 : f32
      %mul3A_140 = arith.mulf %mul3A_139, %reduce_sum3A_135 : f32
      %mul3A_141 = arith.mulf %mul3A_140, %bitcast_convert_type3A_138 : f32
      %mul3A_142 = arith.mulf %mul3A_141, %bitcast_convert_type3A_138 : f32
      %sub3A_143 = arith.constant 1.500000e+00 : f32
      %sub3A_144 = arith.subf %sub3A_143, %mul3A_142 : f32
      %mul3A_145 = arith.mulf %bitcast_convert_type3A_138, %sub3A_144 : f32
      %mul3A_146 = arith.constant 5.000000e-01 : f32
      %mul3A_147 = arith.mulf %mul3A_146, %reduce_sum3A_135 : f32
      %mul3A_148 = arith.mulf %mul3A_147, %mul3A_145 : f32
      %mul3A_149 = arith.mulf %mul3A_148, %mul3A_145 : f32
      %sub3A_150 = arith.constant 1.500000e+00 : f32
      %sub3A_151 = arith.subf %sub3A_150, %mul3A_149 : f32
      %mul3A_152 = arith.mulf %mul3A_145, %sub3A_151 : f32
      %mul3A_153 = arith.constant 5.000000e-01 : f32
      %mul3A_154 = arith.mulf %mul3A_153, %reduce_sum3A_135 : f32
      %mul3A_155 = arith.mulf %mul3A_154, %mul3A_152 : f32
      %mul3A_156 = arith.mulf %mul3A_155, %mul3A_152 : f32
      %sub3A_157 = arith.constant 1.500000e+00 : f32
      %sub3A_158 = arith.subf %sub3A_157, %mul3A_156 : f32
      %mul3A_159 = arith.mulf %mul3A_152, %sub3A_158 : f32
      %mul3A_160 = arith.mulf %reduce_sum3A_135, %mul3A_159 : f32
      %gt3A = arith.constant 9.99999996E-13 : f32
      %gt3A_161 = arith.cmpf ogt, %mul3A_160, %gt3A : f32
      %jit3A = arith.constant 9.99999995E+11 : f32
      %select_n3A = arith.select %gt3A_161, %mul3A_159, %jit3A : f32
      %mul3A_162 = vector.broadcast %select_n3A : f32 to vector<16xf32>
      %mul3A_163 = arith.mulf %get3A_115, %mul3A_162 : vector<16xf32>
      %swap3A = arith.index_cast %scan3A_112 : i32 to index
      %swap3A_164 = arith.constant 0 : index
      %swap3A_165 = tpu.vector_load %arg11[%swap3A, %swap3A_164] {strides = array<i32>} : memref<256x64xf32, #tpu.memory_space<vmem>>, vector<16xf32>,
      tpu.vector_store %arg11[%swap3A, %swap3A_164], %mul3A_163 {strides = array<i32>} : memref<256x64xf32, #tpu.memory_space<vmem>>, vector<16xf32>,
      %mul3A_166 = vector.broadcast %select_n3A : f32 to vector<16xf32>
      %mul3A_167 = arith.mulf %get3A_120, %mul3A_166 : vector<16xf32>
      %swap3A_168 = arith.index_cast %scan3A_112 : i32 to index
      %swap3A_169 = arith.constant 16 : index
      %swap3A_170 = tpu.vector_load %arg11[%swap3A_168, %swap3A_169] {strides = array<i32>} : memref<256x64xf32, #tpu.memory_space<vmem>>, vector<16xf32>,
      tpu.vector_store %arg11[%swap3A_168, %swap3A_169], %mul3A_167 {strides = array<i32>} : memref<256x64xf32, #tpu.memory_space<vmem>>, vector<16xf32>,
      %mul3A_171 = vector.broadcast %select_n3A : f32 to vector<16xf32>
      %mul3A_172 = arith.mulf %get3A_125, %mul3A_171 : vector<16xf32>
      %swap3A_173 = arith.index_cast %scan3A_112 : i32 to index
      %swap3A_174 = arith.constant 32 : index
      %swap3A_175 = tpu.vector_load %arg11[%swap3A_173, %swap3A_174] {strides = array<i32>} : memref<256x64xf32, #tpu.memory_space<vmem>>, vector<16xf32>,
      tpu.vector_store %arg11[%swap3A_173, %swap3A_174], %mul3A_172 {strides = array<i32>} : memref<256x64xf32, #tpu.memory_space<vmem>>, vector<16xf32>,
      %mul3A_176 = vector.broadcast %select_n3A : f32 to vector<16xf32>
      %mul3A_177 = arith.mulf %get3A_130, %mul3A_176 : vector<16xf32>
      %swap3A_178 = arith.index_cast %scan3A_112 : i32 to index
      %swap3A_179 = arith.constant 48 : index
      %swap3A_180 = tpu.vector_load %arg11[%swap3A_178, %swap3A_179] {strides = array<i32>} : memref<256x64xf32, #tpu.memory_space<vmem>>, vector<16xf32>,
      tpu.vector_store %arg11[%swap3A_178, %swap3A_179], %mul3A_177 {strides = array<i32>} : memref<256x64xf32, #tpu.memory_space<vmem>>, vector<16xf32>,
    }
    %scan3A_41 = arith.constant 256 : i32
    %add3A_42 = arith.constant 0 : i32
    %add3A_43 = arith.addi %mul3A_2, %add3A_42 : i32
    %dma_start3A_44 = arith.constant 0 : i32
    %dma_start3A_45 = tpu.memref_slice %arg7[%add3A_43, %dma_start3A_44] : memref<16384x64xf32, #tpu.memory_space<hbm>> -> memref<256x64xf32, #tpu.memory_space<hbm>>
    %dma_start3A_46 = arith.constant 0 : i32
    %dma_start3A_47 = tpu.memref_slice %arg7[%add3A_43, %dma_start3A_46] : memref<16384x64xf32, #tpu.memory_space<hbm>> -> memref<256x64xf32, #tpu.memory_space<hbm>>
    tpu.enqueue_dma source(%arg11 : memref<256x64xf32, #tpu.memory_space<vmem>>) target(%dma_start3A_47 : memref<256x64xf32, #tpu.memory_space<hbm>>) target_semaphore(%arg15 : memref<!tpu.dma_semaphore, #tpu.memory_space<semaphore_mem>>)
    %dma_wait3A_48 = arith.constant 0 : i32
    %dma_wait3A_49 = tpu.memref_slice %arg6[%add3A_26, %dma_wait3A_48] : memref<16384x64xf32, #tpu.memory_space<hbm>> -> memref<256x64xf32, #tpu.memory_space<hbm>>
    %dma_wait3A_50 = arith.constant 0 : i32
    %dma_wait3A_51 = tpu.memref_slice %arg6[%add3A_26, %dma_wait3A_50] : memref<16384x64xf32, #tpu.memory_space<hbm>> -> memref<256x64xf32, #tpu.memory_space<hbm>>
    tpu.wait_dma2 semaphore(%arg14 : memref<!tpu.dma_semaphore, #tpu.memory_space<semaphore_mem>>) src(%arg10 : memref<256x64xf32, #tpu.memory_space<vmem>>) dst(%dma_wait3A_51 : memref<256x64xf32, #tpu.memory_space<hbm>>)
    %dma_wait3A_52 = arith.constant 0 : i32
    %dma_wait3A_53 = tpu.memref_slice %arg7[%add3A_43, %dma_wait3A_52] : memref<16384x64xf32, #tpu.memory_space<hbm>> -> memref<256x64xf32, #tpu.memory_space<hbm>>
    %dma_wait3A_54 = arith.constant 0 : i32
    %dma_wait3A_55 = tpu.memref_slice %arg7[%add3A_43, %dma_wait3A_54] : memref<16384x64xf32, #tpu.memory_space<hbm>> -> memref<256x64xf32, #tpu.memory_space<hbm>>
    tpu.wait_dma2 semaphore(%arg15 : memref<!tpu.dma_semaphore, #tpu.memory_space<semaphore_mem>>) src(%arg11 : memref<256x64xf32, #tpu.memory_space<vmem>>) dst(%dma_wait3A_55 : memref<256x64xf32, #tpu.memory_space<hbm>>)
    %scan3A_56 = arith.constant 0 : i32
    %scan3A_57 = arith.constant 0 : i32
    %scan3A_58 = arith.constant 16 : i32
    %scan3A_59 = arith.addi %scan3A_57, %scan3A_58 : i32
    %scan3A_60 = arith.constant 1 : i32
    scf.for %scan3A_112 = %scan3A_57 to %scan3A_59 step %scan3A_60  : i32 {
      %mul3A_113 = arith.constant 16 : i32
      %mul3A_114 = arith.muli %scan3A_112, %mul3A_113 : i32
      %add3A_115 = arith.constant 256 : i32
      %add3A_116 = arith.addi %add3A_115, %mul3A_114 : i32
      %get3A = arith.index_cast %add3A_116 : i32 to index
      %get3A_117 = tpu.vector_load %arg8[%get3A] {strides = array<i32>} : memref<512xi32, #tpu.memory_space<vmem>>, vector<16xi32>,
      %slice3A = vector.extract_strided_slice %get3A_117 {offsets = [0], sizes = [1], strides = [1]} : vector<16xi32> to vector<1xi32>
      %squeeze3A = vector.extract %slice3A[0] : i32 from vector<1xi32>
      %mul3A_118 = arith.constant 16 : i32
      %mul3A_119 = arith.muli %scan3A_112, %mul3A_118 : i32
      %add3A_120 = arith.constant 0 : i32
      %add3A_121 = arith.addi %mul3A_119, %add3A_120 : i32
      %dma_start3A_122 = arith.constant 0 : i32
      %dma_start3A_123 = tpu.memref_slice %arg10[%add3A_121, %dma_start3A_122] : memref<256x64xf32, #tpu.memory_space<vmem>> -> memref<1x64xf32, #tpu.memory_space<vmem>>
      %dma_start3A_124 = arith.constant 0 : i32
      %dma_start3A_125 = tpu.memref_slice %arg4[%squeeze3A, %dma_start3A_124] : memref<1000000x64xf32, #tpu.memory_space<hbm>> -> memref<1x64xf32, #tpu.memory_space<hbm>>
      %dma_start3A_126 = arith.constant 0 : i32
      %dma_start3A_127 = tpu.memref_slice %arg10[%add3A_121, %dma_start3A_126] : memref<256x64xf32, #tpu.memory_space<vmem>> -> memref<1x64xf32, #tpu.memory_space<vmem>>
      %dma_start3A_128 = arith.constant 0 : i32
      %dma_start3A_129 = tpu.memref_slice %arg4[%squeeze3A, %dma_start3A_128] : memref<1000000x64xf32, #tpu.memory_space<hbm>> -> memref<1x64xf32, #tpu.memory_space<hbm>>
      tpu.enqueue_dma source(%dma_start3A_129 : memref<1x64xf32, #tpu.memory_space<hbm>>) target(%dma_start3A_127 : memref<1x64xf32, #tpu.memory_space<vmem>>) target_semaphore(%arg12 : memref<!tpu.dma_semaphore, #tpu.memory_space<semaphore_mem>>)
      %slice3A_130 = vector.extract_strided_slice %get3A_117 {offsets = [1], sizes = [1], strides = [1]} : vector<16xi32> to vector<1xi32>
      %squeeze3A_131 = vector.extract %slice3A_130[0] : i32 from vector<1xi32>
      %mul3A_132 = arith.constant 16 : i32
      %mul3A_133 = arith.muli %scan3A_112, %mul3A_132 : i32
      %add3A_134 = arith.constant 1 : i32
      %add3A_135 = arith.addi %mul3A_133, %add3A_134 : i32
      %dma_start3A_136 = arith.constant 0 : i32
      %dma_start3A_137 = tpu.memref_slice %arg10[%add3A_135, %dma_start3A_136] : memref<256x64xf32, #tpu.memory_space<vmem>> -> memref<1x64xf32, #tpu.memory_space<vmem>>
      %dma_start3A_138 = arith.constant 0 : i32
      %dma_start3A_139 = tpu.memref_slice %arg4[%squeeze3A_131, %dma_start3A_138] : memref<1000000x64xf32, #tpu.memory_space<hbm>> -> memref<1x64xf32, #tpu.memory_space<hbm>>
      %dma_start3A_140 = arith.constant 0 : i32
      %dma_start3A_141 = tpu.memref_slice %arg10[%add3A_135, %dma_start3A_140] : memref<256x64xf32, #tpu.memory_space<vmem>> -> memref<1x64xf32, #tpu.memory_space<vmem>>
      %dma_start3A_142 = arith.constant 0 : i32
      %dma_start3A_143 = tpu.memref_slice %arg4[%squeeze3A_131, %dma_start3A_142] : memref<1000000x64xf32, #tpu.memory_space<hbm>> -> memref<1x64xf32, #tpu.memory_space<hbm>>
      tpu.enqueue_dma source(%dma_start3A_143 : memref<1x64xf32, #tpu.memory_space<hbm>>) target(%dma_start3A_141 : memref<1x64xf32, #tpu.memory_space<vmem>>) target_semaphore(%arg12 : memref<!tpu.dma_semaphore, #tpu.memory_space<semaphore_mem>>)
      %slice3A_144 = vector.extract_strided_slice %get3A_117 {offsets = [2], sizes = [1], strides = [1]} : vector<16xi32> to vector<1xi32>
      %squeeze3A_145 = vector.extract %slice3A_144[0] : i32 from vector<1xi32>
      %mul3A_146 = arith.constant 16 : i32
      %mul3A_147 = arith.muli %scan3A_112, %mul3A_146 : i32
      %add3A_148 = arith.constant 2 : i32
      %add3A_149 = arith.addi %mul3A_147, %add3A_148 : i32
      %dma_start3A_150 = arith.constant 0 : i32
      %dma_start3A_151 = tpu.memref_slice %arg10[%add3A_149, %dma_start3A_150] : memref<256x64xf32, #tpu.memory_space<vmem>> -> memref<1x64xf32, #tpu.memory_space<vmem>>
      %dma_start3A_152 = arith.constant 0 : i32
      %dma_start3A_153 = tpu.memref_slice %arg4[%squeeze3A_145, %dma_start3A_152] : memref<1000000x64xf32, #tpu.memory_space<hbm>> -> memref<1x64xf32, #tpu.memory_space<hbm>>
      %dma_start3A_154 = arith.constant 0 : i32
      %dma_start3A_155 = tpu.memref_slice %arg10[%add3A_149, %dma_start3A_154] : memref<256x64xf32, #tpu.memory_space<vmem>> -> memref<1x64xf32, #tpu.memory_space<vmem>>
      %dma_start3A_156 = arith.constant 0 : i32
      %dma_start3A_157 = tpu.memref_slice %arg4[%squeeze3A_145, %dma_start3A_156] : memref<1000000x64xf32, #tpu.memory_space<hbm>> -> memref<1x64xf32, #tpu.memory_space<hbm>>
      tpu.enqueue_dma source(%dma_start3A_157 : memref<1x64xf32, #tpu.memory_space<hbm>>) target(%dma_start3A_155 : memref<1x64xf32, #tpu.memory_space<vmem>>) target_semaphore(%arg12 : memref<!tpu.dma_semaphore, #tpu.memory_space<semaphore_mem>>)
      %slice3A_158 = vector.extract_strided_slice %get3A_117 {offsets = [3], sizes = [1], strides = [1]} : vector<16xi32> to vector<1xi32>
      %squeeze3A_159 = vector.extract %slice3A_158[0] : i32 from vector<1xi32>
      %mul3A_160 = arith.constant 16 : i32
      %mul3A_161 = arith.muli %scan3A_112, %mul3A_160 : i32
      %add3A_162 = arith.constant 3 : i32
      %add3A_163 = arith.addi %mul3A_161, %add3A_162 : i32
      %dma_start3A_164 = arith.constant 0 : i32
      %dma_start3A_165 = tpu.memref_slice %arg10[%add3A_163, %dma_start3A_164] : memref<256x64xf32, #tpu.memory_space<vmem>> -> memref<1x64xf32, #tpu.memory_space<vmem>>
      %dma_start3A_166 = arith.constant 0 : i32
      %dma_start3A_167 = tpu.memref_slice %arg4[%squeeze3A_159, %dma_start3A_166] : memref<1000000x64xf32, #tpu.memory_space<hbm>> -> memref<1x64xf32, #tpu.memory_space<hbm>>
      %dma_start3A_168 = arith.constant 0 : i32
      %dma_start3A_169 = tpu.memref_slice %arg10[%add3A_163, %dma_start3A_168] : memref<256x64xf32, #tpu.memory_space<vmem>> -> memref<1x64xf32, #tpu.memory_space<vmem>>
      %dma_start3A_170 = arith.constant 0 : i32
      %dma_start3A_171 = tpu.memref_slice %arg4[%squeeze3A_159, %dma_start3A_170] : memref<1000000x64xf32, #tpu.memory_space<hbm>> -> memref<1x64xf32, #tpu.memory_space<hbm>>
      tpu.enqueue_dma source(%dma_start3A_171 : memref<1x64xf32, #tpu.memory_space<hbm>>) target(%dma_start3A_169 : memref<1x64xf32, #tpu.memory_space<vmem>>) target_semaphore(%arg12 : memref<!tpu.dma_semaphore, #tpu.memory_space<semaphore_mem>>)
      %slice3A_172 = vector.extract_strided_slice %get3A_117 {offsets = [4], sizes = [1], strides = [1]} : vector<16xi32> to vector<1xi32>
      %squeeze3A_173 = vector.extract %slice3A_172[0] : i32 from vector<1xi32>
      %mul3A_174 = arith.constant 16 : i32
      %mul3A_175 = arith.muli %scan3A_112, %mul3A_174 : i32
      %add3A_176 = arith.constant 4 : i32
      %add3A_177 = arith.addi %mul3A_175, %add3A_176 : i32
      %dma_start3A_178 = arith.constant 0 : i32
      %dma_start3A_179 = tpu.memref_slice %arg10[%add3A_177, %dma_start3A_178] : memref<256x64xf32, #tpu.memory_space<vmem>> -> memref<1x64xf32, #tpu.memory_space<vmem>>
      %dma_start3A_180 = arith.constant 0 : i32
      %dma_start3A_181 = tpu.memref_slice %arg4[%squeeze3A_173, %dma_start3A_180] : memref<1000000x64xf32, #tpu.memory_space<hbm>> -> memref<1x64xf32, #tpu.memory_space<hbm>>
      %dma_start3A_182 = arith.constant 0 : i32
      %dma_start3A_183 = tpu.memref_slice %arg10[%add3A_177, %dma_start3A_182] : memref<256x64xf32, #tpu.memory_space<vmem>> -> memref<1x64xf32, #tpu.memory_space<vmem>>
      %dma_start3A_184 = arith.constant 0 : i32
      %dma_start3A_185 = tpu.memref_slice %arg4[%squeeze3A_173, %dma_start3A_184] : memref<1000000x64xf32, #tpu.memory_space<hbm>> -> memref<1x64xf32, #tpu.memory_space<hbm>>
      tpu.enqueue_dma source(%dma_start3A_185 : memref<1x64xf32, #tpu.memory_space<hbm>>) target(%dma_start3A_183 : memref<1x64xf32, #tpu.memory_space<vmem>>) target_semaphore(%arg12 : memref<!tpu.dma_semaphore, #tpu.memory_space<semaphore_mem>>)
      %slice3A_186 = vector.extract_strided_slice %get3A_117 {offsets = [5], sizes = [1], strides = [1]} : vector<16xi32> to vector<1xi32>
      %squeeze3A_187 = vector.extract %slice3A_186[0] : i32 from vector<1xi32>
      %mul3A_188 = arith.constant 16 : i32
      %mul3A_189 = arith.muli %scan3A_112, %mul3A_188 : i32
      %add3A_190 = arith.constant 5 : i32
      %add3A_191 = arith.addi %mul3A_189, %add3A_190 : i32
      %dma_start3A_192 = arith.constant 0 : i32
      %dma_start3A_193 = tpu.memref_slice %arg10[%add3A_191, %dma_start3A_192] : memref<256x64xf32, #tpu.memory_space<vmem>> -> memref<1x64xf32, #tpu.memory_space<vmem>>
      %dma_start3A_194 = arith.constant 0 : i32
      %dma_start3A_195 = tpu.memref_slice %arg4[%squeeze3A_187, %dma_start3A_194] : memref<1000000x64xf32, #tpu.memory_space<hbm>> -> memref<1x64xf32, #tpu.memory_space<hbm>>
      %dma_start3A_196 = arith.constant 0 : i32
      %dma_start3A_197 = tpu.memref_slice %arg10[%add3A_191, %dma_start3A_196] : memref<256x64xf32, #tpu.memory_space<vmem>> -> memref<1x64xf32, #tpu.memory_space<vmem>>
      %dma_start3A_198 = arith.constant 0 : i32
      %dma_start3A_199 = tpu.memref_slice %arg4[%squeeze3A_187, %dma_start3A_198] : memref<1000000x64xf32, #tpu.memory_space<hbm>> -> memref<1x64xf32, #tpu.memory_space<hbm>>
      tpu.enqueue_dma source(%dma_start3A_199 : memref<1x64xf32, #tpu.memory_space<hbm>>) target(%dma_start3A_197 : memref<1x64xf32, #tpu.memory_space<vmem>>) target_semaphore(%arg12 : memref<!tpu.dma_semaphore, #tpu.memory_space<semaphore_mem>>)
      %slice3A_200 = vector.extract_strided_slice %get3A_117 {offsets = [6], sizes = [1], strides = [1]} : vector<16xi32> to vector<1xi32>
      %squeeze3A_201 = vector.extract %slice3A_200[0] : i32 from vector<1xi32>
      %mul3A_202 = arith.constant 16 : i32
      %mul3A_203 = arith.muli %scan3A_112, %mul3A_202 : i32
      %add3A_204 = arith.constant 6 : i32
      %add3A_205 = arith.addi %mul3A_203, %add3A_204 : i32
      %dma_start3A_206 = arith.constant 0 : i32
      %dma_start3A_207 = tpu.memref_slice %arg10[%add3A_205, %dma_start3A_206] : memref<256x64xf32, #tpu.memory_space<vmem>> -> memref<1x64xf32, #tpu.memory_space<vmem>>
      %dma_start3A_208 = arith.constant 0 : i32
      %dma_start3A_209 = tpu.memref_slice %arg4[%squeeze3A_201, %dma_start3A_208] : memref<1000000x64xf32, #tpu.memory_space<hbm>> -> memref<1x64xf32, #tpu.memory_space<hbm>>
      %dma_start3A_210 = arith.constant 0 : i32
      %dma_start3A_211 = tpu.memref_slice %arg10[%add3A_205, %dma_start3A_210] : memref<256x64xf32, #tpu.memory_space<vmem>> -> memref<1x64xf32, #tpu.memory_space<vmem>>
      %dma_start3A_212 = arith.constant 0 : i32
      %dma_start3A_213 = tpu.memref_slice %arg4[%squeeze3A_201, %dma_start3A_212] : memref<1000000x64xf32, #tpu.memory_space<hbm>> -> memref<1x64xf32, #tpu.memory_space<hbm>>
      tpu.enqueue_dma source(%dma_start3A_213 : memref<1x64xf32, #tpu.memory_space<hbm>>) target(%dma_start3A_211 : memref<1x64xf32, #tpu.memory_space<vmem>>) target_semaphore(%arg12 : memref<!tpu.dma_semaphore, #tpu.memory_space<semaphore_mem>>)
      %slice3A_214 = vector.extract_strided_slice %get3A_117 {offsets = [7], sizes = [1], strides = [1]} : vector<16xi32> to vector<1xi32>
      %squeeze3A_215 = vector.extract %slice3A_214[0] : i32 from vector<1xi32>
      %mul3A_216 = arith.constant 16 : i32
      %mul3A_217 = arith.muli %scan3A_112, %mul3A_216 : i32
      %add3A_218 = arith.constant 7 : i32
      %add3A_219 = arith.addi %mul3A_217, %add3A_218 : i32
      %dma_start3A_220 = arith.constant 0 : i32
      %dma_start3A_221 = tpu.memref_slice %arg10[%add3A_219, %dma_start3A_220] : memref<256x64xf32, #tpu.memory_space<vmem>> -> memref<1x64xf32, #tpu.memory_space<vmem>>
      %dma_start3A_222 = arith.constant 0 : i32
      %dma_start3A_223 = tpu.memref_slice %arg4[%squeeze3A_215, %dma_start3A_222] : memref<1000000x64xf32, #tpu.memory_space<hbm>> -> memref<1x64xf32, #tpu.memory_space<hbm>>
      %dma_start3A_224 = arith.constant 0 : i32
      %dma_start3A_225 = tpu.memref_slice %arg10[%add3A_219, %dma_start3A_224] : memref<256x64xf32, #tpu.memory_space<vmem>> -> memref<1x64xf32, #tpu.memory_space<vmem>>
      %dma_start3A_226 = arith.constant 0 : i32
      %dma_start3A_227 = tpu.memref_slice %arg4[%squeeze3A_215, %dma_start3A_226] : memref<1000000x64xf32, #tpu.memory_space<hbm>> -> memref<1x64xf32, #tpu.memory_space<hbm>>
      tpu.enqueue_dma source(%dma_start3A_227 : memref<1x64xf32, #tpu.memory_space<hbm>>) target(%dma_start3A_225 : memref<1x64xf32, #tpu.memory_space<vmem>>) target_semaphore(%arg12 : memref<!tpu.dma_semaphore, #tpu.memory_space<semaphore_mem>>)
      %slice3A_228 = vector.extract_strided_slice %get3A_117 {offsets = [8], sizes = [1], strides = [1]} : vector<16xi32> to vector<1xi32>
      %squeeze3A_229 = vector.extract %slice3A_228[0] : i32 from vector<1xi32>
      %mul3A_230 = arith.constant 16 : i32
      %mul3A_231 = arith.muli %scan3A_112, %mul3A_230 : i32
      %add3A_232 = arith.constant 8 : i32
      %add3A_233 = arith.addi %mul3A_231, %add3A_232 : i32
      %dma_start3A_234 = arith.constant 0 : i32
      %dma_start3A_235 = tpu.memref_slice %arg10[%add3A_233, %dma_start3A_234] : memref<256x64xf32, #tpu.memory_space<vmem>> -> memref<1x64xf32, #tpu.memory_space<vmem>>
      %dma_start3A_236 = arith.constant 0 : i32
      %dma_start3A_237 = tpu.memref_slice %arg4[%squeeze3A_229, %dma_start3A_236] : memref<1000000x64xf32, #tpu.memory_space<hbm>> -> memref<1x64xf32, #tpu.memory_space<hbm>>
      %dma_start3A_238 = arith.constant 0 : i32
      %dma_start3A_239 = tpu.memref_slice %arg10[%add3A_233, %dma_start3A_238] : memref<256x64xf32, #tpu.memory_space<vmem>> -> memref<1x64xf32, #tpu.memory_space<vmem>>
      %dma_start3A_240 = arith.constant 0 : i32
      %dma_start3A_241 = tpu.memref_slice %arg4[%squeeze3A_229, %dma_start3A_240] : memref<1000000x64xf32, #tpu.memory_space<hbm>> -> memref<1x64xf32, #tpu.memory_space<hbm>>
      tpu.enqueue_dma source(%dma_start3A_241 : memref<1x64xf32, #tpu.memory_space<hbm>>) target(%dma_start3A_239 : memref<1x64xf32, #tpu.memory_space<vmem>>) target_semaphore(%arg12 : memref<!tpu.dma_semaphore, #tpu.memory_space<semaphore_mem>>)
      %slice3A_242 = vector.extract_strided_slice %get3A_117 {offsets = [9], sizes = [1], strides = [1]} : vector<16xi32> to vector<1xi32>
      %squeeze3A_243 = vector.extract %slice3A_242[0] : i32 from vector<1xi32>
      %mul3A_244 = arith.constant 16 : i32
      %mul3A_245 = arith.muli %scan3A_112, %mul3A_244 : i32
      %add3A_246 = arith.constant 9 : i32
      %add3A_247 = arith.addi %mul3A_245, %add3A_246 : i32
      %dma_start3A_248 = arith.constant 0 : i32
      %dma_start3A_249 = tpu.memref_slice %arg10[%add3A_247, %dma_start3A_248] : memref<256x64xf32, #tpu.memory_space<vmem>> -> memref<1x64xf32, #tpu.memory_space<vmem>>
      %dma_start3A_250 = arith.constant 0 : i32
      %dma_start3A_251 = tpu.memref_slice %arg4[%squeeze3A_243, %dma_start3A_250] : memref<1000000x64xf32, #tpu.memory_space<hbm>> -> memref<1x64xf32, #tpu.memory_space<hbm>>
      %dma_start3A_252 = arith.constant 0 : i32
      %dma_start3A_253 = tpu.memref_slice %arg10[%add3A_247, %dma_start3A_252] : memref<256x64xf32, #tpu.memory_space<vmem>> -> memref<1x64xf32, #tpu.memory_space<vmem>>
      %dma_start3A_254 = arith.constant 0 : i32
      %dma_start3A_255 = tpu.memref_slice %arg4[%squeeze3A_243, %dma_start3A_254] : memref<1000000x64xf32, #tpu.memory_space<hbm>> -> memref<1x64xf32, #tpu.memory_space<hbm>>
      tpu.enqueue_dma source(%dma_start3A_255 : memref<1x64xf32, #tpu.memory_space<hbm>>) target(%dma_start3A_253 : memref<1x64xf32, #tpu.memory_space<vmem>>) target_semaphore(%arg12 : memref<!tpu.dma_semaphore, #tpu.memory_space<semaphore_mem>>)
      %slice3A_256 = vector.extract_strided_slice %get3A_117 {offsets = [10], sizes = [1], strides = [1]} : vector<16xi32> to vector<1xi32>
      %squeeze3A_257 = vector.extract %slice3A_256[0] : i32 from vector<1xi32>
      %mul3A_258 = arith.constant 16 : i32
      %mul3A_259 = arith.muli %scan3A_112, %mul3A_258 : i32
      %add3A_260 = arith.constant 10 : i32
      %add3A_261 = arith.addi %mul3A_259, %add3A_260 : i32
      %dma_start3A_262 = arith.constant 0 : i32
      %dma_start3A_263 = tpu.memref_slice %arg10[%add3A_261, %dma_start3A_262] : memref<256x64xf32, #tpu.memory_space<vmem>> -> memref<1x64xf32, #tpu.memory_space<vmem>>
      %dma_start3A_264 = arith.constant 0 : i32
      %dma_start3A_265 = tpu.memref_slice %arg4[%squeeze3A_257, %dma_start3A_264] : memref<1000000x64xf32, #tpu.memory_space<hbm>> -> memref<1x64xf32, #tpu.memory_space<hbm>>
      %dma_start3A_266 = arith.constant 0 : i32
      %dma_start3A_267 = tpu.memref_slice %arg10[%add3A_261, %dma_start3A_266] : memref<256x64xf32, #tpu.memory_space<vmem>> -> memref<1x64xf32, #tpu.memory_space<vmem>>
      %dma_start3A_268 = arith.constant 0 : i32
      %dma_start3A_269 = tpu.memref_slice %arg4[%squeeze3A_257, %dma_start3A_268] : memref<1000000x64xf32, #tpu.memory_space<hbm>> -> memref<1x64xf32, #tpu.memory_space<hbm>>
      tpu.enqueue_dma source(%dma_start3A_269 : memref<1x64xf32, #tpu.memory_space<hbm>>) target(%dma_start3A_267 : memref<1x64xf32, #tpu.memory_space<vmem>>) target_semaphore(%arg12 : memref<!tpu.dma_semaphore, #tpu.memory_space<semaphore_mem>>)
      %slice3A_270 = vector.extract_strided_slice %get3A_117 {offsets = [11], sizes = [1], strides = [1]} : vector<16xi32> to vector<1xi32>
      %squeeze3A_271 = vector.extract %slice3A_270[0] : i32 from vector<1xi32>
      %mul3A_272 = arith.constant 16 : i32
      %mul3A_273 = arith.muli %scan3A_112, %mul3A_272 : i32
      %add3A_274 = arith.constant 11 : i32
      %add3A_275 = arith.addi %mul3A_273, %add3A_274 : i32
      %dma_start3A_276 = arith.constant 0 : i32
      %dma_start3A_277 = tpu.memref_slice %arg10[%add3A_275, %dma_start3A_276] : memref<256x64xf32, #tpu.memory_space<vmem>> -> memref<1x64xf32, #tpu.memory_space<vmem>>
      %dma_start3A_278 = arith.constant 0 : i32
      %dma_start3A_279 = tpu.memref_slice %arg4[%squeeze3A_271, %dma_start3A_278] : memref<1000000x64xf32, #tpu.memory_space<hbm>> -> memref<1x64xf32, #tpu.memory_space<hbm>>
      %dma_start3A_280 = arith.constant 0 : i32
      %dma_start3A_281 = tpu.memref_slice %arg10[%add3A_275, %dma_start3A_280] : memref<256x64xf32, #tpu.memory_space<vmem>> -> memref<1x64xf32, #tpu.memory_space<vmem>>
      %dma_start3A_282 = arith.constant 0 : i32
      %dma_start3A_283 = tpu.memref_slice %arg4[%squeeze3A_271, %dma_start3A_282] : memref<1000000x64xf32, #tpu.memory_space<hbm>> -> memref<1x64xf32, #tpu.memory_space<hbm>>
      tpu.enqueue_dma source(%dma_start3A_283 : memref<1x64xf32, #tpu.memory_space<hbm>>) target(%dma_start3A_281 : memref<1x64xf32, #tpu.memory_space<vmem>>) target_semaphore(%arg12 : memref<!tpu.dma_semaphore, #tpu.memory_space<semaphore_mem>>)
      %slice3A_284 = vector.extract_strided_slice %get3A_117 {offsets = [12], sizes = [1], strides = [1]} : vector<16xi32> to vector<1xi32>
      %squeeze3A_285 = vector.extract %slice3A_284[0] : i32 from vector<1xi32>
      %mul3A_286 = arith.constant 16 : i32
      %mul3A_287 = arith.muli %scan3A_112, %mul3A_286 : i32
      %add3A_288 = arith.constant 12 : i32
      %add3A_289 = arith.addi %mul3A_287, %add3A_288 : i32
      %dma_start3A_290 = arith.constant 0 : i32
      %dma_start3A_291 = tpu.memref_slice %arg10[%add3A_289, %dma_start3A_290] : memref<256x64xf32, #tpu.memory_space<vmem>> -> memref<1x64xf32, #tpu.memory_space<vmem>>
      %dma_start3A_292 = arith.constant 0 : i32
      %dma_start3A_293 = tpu.memref_slice %arg4[%squeeze3A_285, %dma_start3A_292] : memref<1000000x64xf32, #tpu.memory_space<hbm>> -> memref<1x64xf32, #tpu.memory_space<hbm>>
      %dma_start3A_294 = arith.constant 0 : i32
      %dma_start3A_295 = tpu.memref_slice %arg10[%add3A_289, %dma_start3A_294] : memref<256x64xf32, #tpu.memory_space<vmem>> -> memref<1x64xf32, #tpu.memory_space<vmem>>
      %dma_start3A_296 = arith.constant 0 : i32
      %dma_start3A_297 = tpu.memref_slice %arg4[%squeeze3A_285, %dma_start3A_296] : memref<1000000x64xf32, #tpu.memory_space<hbm>> -> memref<1x64xf32, #tpu.memory_space<hbm>>
      tpu.enqueue_dma source(%dma_start3A_297 : memref<1x64xf32, #tpu.memory_space<hbm>>) target(%dma_start3A_295 : memref<1x64xf32, #tpu.memory_space<vmem>>) target_semaphore(%arg12 : memref<!tpu.dma_semaphore, #tpu.memory_space<semaphore_mem>>)
      %slice3A_298 = vector.extract_strided_slice %get3A_117 {offsets = [13], sizes = [1], strides = [1]} : vector<16xi32> to vector<1xi32>
      %squeeze3A_299 = vector.extract %slice3A_298[0] : i32 from vector<1xi32>
      %mul3A_300 = arith.constant 16 : i32
      %mul3A_301 = arith.muli %scan3A_112, %mul3A_300 : i32
      %add3A_302 = arith.constant 13 : i32
      %add3A_303 = arith.addi %mul3A_301, %add3A_302 : i32
      %dma_start3A_304 = arith.constant 0 : i32
      %dma_start3A_305 = tpu.memref_slice %arg10[%add3A_303, %dma_start3A_304] : memref<256x64xf32, #tpu.memory_space<vmem>> -> memref<1x64xf32, #tpu.memory_space<vmem>>
      %dma_start3A_306 = arith.constant 0 : i32
      %dma_start3A_307 = tpu.memref_slice %arg4[%squeeze3A_299, %dma_start3A_306] : memref<1000000x64xf32, #tpu.memory_space<hbm>> -> memref<1x64xf32, #tpu.memory_space<hbm>>
      %dma_start3A_308 = arith.constant 0 : i32
      %dma_start3A_309 = tpu.memref_slice %arg10[%add3A_303, %dma_start3A_308] : memref<256x64xf32, #tpu.memory_space<vmem>> -> memref<1x64xf32, #tpu.memory_space<vmem>>
      %dma_start3A_310 = arith.constant 0 : i32
      %dma_start3A_311 = tpu.memref_slice %arg4[%squeeze3A_299, %dma_start3A_310] : memref<1000000x64xf32, #tpu.memory_space<hbm>> -> memref<1x64xf32, #tpu.memory_space<hbm>>
      tpu.enqueue_dma source(%dma_start3A_311 : memref<1x64xf32, #tpu.memory_space<hbm>>) target(%dma_start3A_309 : memref<1x64xf32, #tpu.memory_space<vmem>>) target_semaphore(%arg12 : memref<!tpu.dma_semaphore, #tpu.memory_space<semaphore_mem>>)
      %slice3A_312 = vector.extract_strided_slice %get3A_117 {offsets = [14], sizes = [1], strides = [1]} : vector<16xi32> to vector<1xi32>
      %squeeze3A_313 = vector.extract %slice3A_312[0] : i32 from vector<1xi32>
      %mul3A_314 = arith.constant 16 : i32
      %mul3A_315 = arith.muli %scan3A_112, %mul3A_314 : i32
      %add3A_316 = arith.constant 14 : i32
      %add3A_317 = arith.addi %mul3A_315, %add3A_316 : i32
      %dma_start3A_318 = arith.constant 0 : i32
      %dma_start3A_319 = tpu.memref_slice %arg10[%add3A_317, %dma_start3A_318] : memref<256x64xf32, #tpu.memory_space<vmem>> -> memref<1x64xf32, #tpu.memory_space<vmem>>
      %dma_start3A_320 = arith.constant 0 : i32
      %dma_start3A_321 = tpu.memref_slice %arg4[%squeeze3A_313, %dma_start3A_320] : memref<1000000x64xf32, #tpu.memory_space<hbm>> -> memref<1x64xf32, #tpu.memory_space<hbm>>
      %dma_start3A_322 = arith.constant 0 : i32
      %dma_start3A_323 = tpu.memref_slice %arg10[%add3A_317, %dma_start3A_322] : memref<256x64xf32, #tpu.memory_space<vmem>> -> memref<1x64xf32, #tpu.memory_space<vmem>>
      %dma_start3A_324 = arith.constant 0 : i32
      %dma_start3A_325 = tpu.memref_slice %arg4[%squeeze3A_313, %dma_start3A_324] : memref<1000000x64xf32, #tpu.memory_space<hbm>> -> memref<1x64xf32, #tpu.memory_space<hbm>>
      tpu.enqueue_dma source(%dma_start3A_325 : memref<1x64xf32, #tpu.memory_space<hbm>>) target(%dma_start3A_323 : memref<1x64xf32, #tpu.memory_space<vmem>>) target_semaphore(%arg12 : memref<!tpu.dma_semaphore, #tpu.memory_space<semaphore_mem>>)
      %slice3A_326 = vector.extract_strided_slice %get3A_117 {offsets = [15], sizes = [1], strides = [1]} : vector<16xi32> to vector<1xi32>
      %squeeze3A_327 = vector.extract %slice3A_326[0] : i32 from vector<1xi32>
      %mul3A_328 = arith.constant 16 : i32
      %mul3A_329 = arith.muli %scan3A_112, %mul3A_328 : i32
      %add3A_330 = arith.constant 15 : i32
      %add3A_331 = arith.addi %mul3A_329, %add3A_330 : i32
      %dma_start3A_332 = arith.constant 0 : i32
      %dma_start3A_333 = tpu.memref_slice %arg10[%add3A_331, %dma_start3A_332] : memref<256x64xf32, #tpu.memory_space<vmem>> -> memref<1x64xf32, #tpu.memory_space<vmem>>
      %dma_start3A_334 = arith.constant 0 : i32
      %dma_start3A_335 = tpu.memref_slice %arg4[%squeeze3A_327, %dma_start3A_334] : memref<1000000x64xf32, #tpu.memory_space<hbm>> -> memref<1x64xf32, #tpu.memory_space<hbm>>
      %dma_start3A_336 = arith.constant 0 : i32
      %dma_start3A_337 = tpu.memref_slice %arg10[%add3A_331, %dma_start3A_336] : memref<256x64xf32, #tpu.memory_space<vmem>> -> memref<1x64xf32, #tpu.memory_space<vmem>>
      %dma_start3A_338 = arith.constant 0 : i32
      %dma_start3A_339 = tpu.memref_slice %arg4[%squeeze3A_327, %dma_start3A_338] : memref<1000000x64xf32, #tpu.memory_space<hbm>> -> memref<1x64xf32, #tpu.memory_space<hbm>>
      tpu.enqueue_dma source(%dma_start3A_339 : memref<1x64xf32, #tpu.memory_space<hbm>>) target(%dma_start3A_337 : memref<1x64xf32, #tpu.memory_space<vmem>>) target_semaphore(%arg12 : memref<!tpu.dma_semaphore, #tpu.memory_space<semaphore_mem>>)
    }
    %scan3A_61 = arith.constant 16 : i32
    %scan3A_62 = arith.constant 0 : i32
    %scan3A_63 = arith.constant 0 : i32
    %scan3A_64 = arith.constant 16 : i32
    %scan3A_65 = arith.addi %scan3A_63, %scan3A_64 : i32
    %scan3A_66 = arith.constant 1 : i32
    scf.for %scan3A_112 = %scan3A_63 to %scan3A_65 step %scan3A_66  : i32 {
      %mul3A_113 = arith.constant 16 : i32
      %mul3A_114 = arith.muli %scan3A_112, %mul3A_113 : i32
      %add3A_115 = arith.constant 256 : i32
      %add3A_116 = arith.addi %add3A_115, %mul3A_114 : i32
      %get3A = arith.index_cast %add3A_116 : i32 to index
      %get3A_117 = tpu.vector_load %arg9[%get3A] {strides = array<i32>} : memref<512xi32, #tpu.memory_space<vmem>>, vector<16xi32>,
      %slice3A = vector.extract_strided_slice %get3A_117 {offsets = [0], sizes = [1], strides = [1]} : vector<16xi32> to vector<1xi32>
      %squeeze3A = vector.extract %slice3A[0] : i32 from vector<1xi32>
      %mul3A_118 = arith.constant 16 : i32
      %mul3A_119 = arith.muli %scan3A_112, %mul3A_118 : i32
      %add3A_120 = arith.constant 0 : i32
      %add3A_121 = arith.addi %mul3A_119, %add3A_120 : i32
      %dma_start3A_122 = arith.constant 0 : i32
      %dma_start3A_123 = tpu.memref_slice %arg11[%add3A_121, %dma_start3A_122] : memref<256x64xf32, #tpu.memory_space<vmem>> -> memref<1x64xf32, #tpu.memory_space<vmem>>
      %dma_start3A_124 = arith.constant 0 : i32
      %dma_start3A_125 = tpu.memref_slice %arg5[%squeeze3A, %dma_start3A_124] : memref<1000000x64xf32, #tpu.memory_space<hbm>> -> memref<1x64xf32, #tpu.memory_space<hbm>>
      %dma_start3A_126 = arith.constant 0 : i32
      %dma_start3A_127 = tpu.memref_slice %arg11[%add3A_121, %dma_start3A_126] : memref<256x64xf32, #tpu.memory_space<vmem>> -> memref<1x64xf32, #tpu.memory_space<vmem>>
      %dma_start3A_128 = arith.constant 0 : i32
      %dma_start3A_129 = tpu.memref_slice %arg5[%squeeze3A, %dma_start3A_128] : memref<1000000x64xf32, #tpu.memory_space<hbm>> -> memref<1x64xf32, #tpu.memory_space<hbm>>
      tpu.enqueue_dma source(%dma_start3A_129 : memref<1x64xf32, #tpu.memory_space<hbm>>) target(%dma_start3A_127 : memref<1x64xf32, #tpu.memory_space<vmem>>) target_semaphore(%arg13 : memref<!tpu.dma_semaphore, #tpu.memory_space<semaphore_mem>>)
      %slice3A_130 = vector.extract_strided_slice %get3A_117 {offsets = [1], sizes = [1], strides = [1]} : vector<16xi32> to vector<1xi32>
      %squeeze3A_131 = vector.extract %slice3A_130[0] : i32 from vector<1xi32>
      %mul3A_132 = arith.constant 16 : i32
      %mul3A_133 = arith.muli %scan3A_112, %mul3A_132 : i32
      %add3A_134 = arith.constant 1 : i32
      %add3A_135 = arith.addi %mul3A_133, %add3A_134 : i32
      %dma_start3A_136 = arith.constant 0 : i32
      %dma_start3A_137 = tpu.memref_slice %arg11[%add3A_135, %dma_start3A_136] : memref<256x64xf32, #tpu.memory_space<vmem>> -> memref<1x64xf32, #tpu.memory_space<vmem>>
      %dma_start3A_138 = arith.constant 0 : i32
      %dma_start3A_139 = tpu.memref_slice %arg5[%squeeze3A_131, %dma_start3A_138] : memref<1000000x64xf32, #tpu.memory_space<hbm>> -> memref<1x64xf32, #tpu.memory_space<hbm>>
      %dma_start3A_140 = arith.constant 0 : i32
      %dma_start3A_141 = tpu.memref_slice %arg11[%add3A_135, %dma_start3A_140] : memref<256x64xf32, #tpu.memory_space<vmem>> -> memref<1x64xf32, #tpu.memory_space<vmem>>
      %dma_start3A_142 = arith.constant 0 : i32
      %dma_start3A_143 = tpu.memref_slice %arg5[%squeeze3A_131, %dma_start3A_142] : memref<1000000x64xf32, #tpu.memory_space<hbm>> -> memref<1x64xf32, #tpu.memory_space<hbm>>
      tpu.enqueue_dma source(%dma_start3A_143 : memref<1x64xf32, #tpu.memory_space<hbm>>) target(%dma_start3A_141 : memref<1x64xf32, #tpu.memory_space<vmem>>) target_semaphore(%arg13 : memref<!tpu.dma_semaphore, #tpu.memory_space<semaphore_mem>>)
      %slice3A_144 = vector.extract_strided_slice %get3A_117 {offsets = [2], sizes = [1], strides = [1]} : vector<16xi32> to vector<1xi32>
      %squeeze3A_145 = vector.extract %slice3A_144[0] : i32 from vector<1xi32>
      %mul3A_146 = arith.constant 16 : i32
      %mul3A_147 = arith.muli %scan3A_112, %mul3A_146 : i32
      %add3A_148 = arith.constant 2 : i32
      %add3A_149 = arith.addi %mul3A_147, %add3A_148 : i32
      %dma_start3A_150 = arith.constant 0 : i32
      %dma_start3A_151 = tpu.memref_slice %arg11[%add3A_149, %dma_start3A_150] : memref<256x64xf32, #tpu.memory_space<vmem>> -> memref<1x64xf32, #tpu.memory_space<vmem>>
      %dma_start3A_152 = arith.constant 0 : i32
      %dma_start3A_153 = tpu.memref_slice %arg5[%squeeze3A_145, %dma_start3A_152] : memref<1000000x64xf32, #tpu.memory_space<hbm>> -> memref<1x64xf32, #tpu.memory_space<hbm>>
      %dma_start3A_154 = arith.constant 0 : i32
      %dma_start3A_155 = tpu.memref_slice %arg11[%add3A_149, %dma_start3A_154] : memref<256x64xf32, #tpu.memory_space<vmem>> -> memref<1x64xf32, #tpu.memory_space<vmem>>
      %dma_start3A_156 = arith.constant 0 : i32
      %dma_start3A_157 = tpu.memref_slice %arg5[%squeeze3A_145, %dma_start3A_156] : memref<1000000x64xf32, #tpu.memory_space<hbm>> -> memref<1x64xf32, #tpu.memory_space<hbm>>
      tpu.enqueue_dma source(%dma_start3A_157 : memref<1x64xf32, #tpu.memory_space<hbm>>) target(%dma_start3A_155 : memref<1x64xf32, #tpu.memory_space<vmem>>) target_semaphore(%arg13 : memref<!tpu.dma_semaphore, #tpu.memory_space<semaphore_mem>>)
      %slice3A_158 = vector.extract_strided_slice %get3A_117 {offsets = [3], sizes = [1], strides = [1]} : vector<16xi32> to vector<1xi32>
      %squeeze3A_159 = vector.extract %slice3A_158[0] : i32 from vector<1xi32>
      %mul3A_160 = arith.constant 16 : i32
      %mul3A_161 = arith.muli %scan3A_112, %mul3A_160 : i32
      %add3A_162 = arith.constant 3 : i32
      %add3A_163 = arith.addi %mul3A_161, %add3A_162 : i32
      %dma_start3A_164 = arith.constant 0 : i32
      %dma_start3A_165 = tpu.memref_slice %arg11[%add3A_163, %dma_start3A_164] : memref<256x64xf32, #tpu.memory_space<vmem>> -> memref<1x64xf32, #tpu.memory_space<vmem>>
      %dma_start3A_166 = arith.constant 0 : i32
      %dma_start3A_167 = tpu.memref_slice %arg5[%squeeze3A_159, %dma_start3A_166] : memref<1000000x64xf32, #tpu.memory_space<hbm>> -> memref<1x64xf32, #tpu.memory_space<hbm>>
      %dma_start3A_168 = arith.constant 0 : i32
      %dma_start3A_169 = tpu.memref_slice %arg11[%add3A_163, %dma_start3A_168] : memref<256x64xf32, #tpu.memory_space<vmem>> -> memref<1x64xf32, #tpu.memory_space<vmem>>
      %dma_start3A_170 = arith.constant 0 : i32
      %dma_start3A_171 = tpu.memref_slice %arg5[%squeeze3A_159, %dma_start3A_170] : memref<1000000x64xf32, #tpu.memory_space<hbm>> -> memref<1x64xf32, #tpu.memory_space<hbm>>
      tpu.enqueue_dma source(%dma_start3A_171 : memref<1x64xf32, #tpu.memory_space<hbm>>) target(%dma_start3A_169 : memref<1x64xf32, #tpu.memory_space<vmem>>) target_semaphore(%arg13 : memref<!tpu.dma_semaphore, #tpu.memory_space<semaphore_mem>>)
      %slice3A_172 = vector.extract_strided_slice %get3A_117 {offsets = [4], sizes = [1], strides = [1]} : vector<16xi32> to vector<1xi32>
      %squeeze3A_173 = vector.extract %slice3A_172[0] : i32 from vector<1xi32>
      %mul3A_174 = arith.constant 16 : i32
      %mul3A_175 = arith.muli %scan3A_112, %mul3A_174 : i32
      %add3A_176 = arith.constant 4 : i32
      %add3A_177 = arith.addi %mul3A_175, %add3A_176 : i32
      %dma_start3A_178 = arith.constant 0 : i32
      %dma_start3A_179 = tpu.memref_slice %arg11[%add3A_177, %dma_start3A_178] : memref<256x64xf32, #tpu.memory_space<vmem>> -> memref<1x64xf32, #tpu.memory_space<vmem>>
      %dma_start3A_180 = arith.constant 0 : i32
      %dma_start3A_181 = tpu.memref_slice %arg5[%squeeze3A_173, %dma_start3A_180] : memref<1000000x64xf32, #tpu.memory_space<hbm>> -> memref<1x64xf32, #tpu.memory_space<hbm>>
      %dma_start3A_182 = arith.constant 0 : i32
      %dma_start3A_183 = tpu.memref_slice %arg11[%add3A_177, %dma_start3A_182] : memref<256x64xf32, #tpu.memory_space<vmem>> -> memref<1x64xf32, #tpu.memory_space<vmem>>
      %dma_start3A_184 = arith.constant 0 : i32
      %dma_start3A_185 = tpu.memref_slice %arg5[%squeeze3A_173, %dma_start3A_184] : memref<1000000x64xf32, #tpu.memory_space<hbm>> -> memref<1x64xf32, #tpu.memory_space<hbm>>
      tpu.enqueue_dma source(%dma_start3A_185 : memref<1x64xf32, #tpu.memory_space<hbm>>) target(%dma_start3A_183 : memref<1x64xf32, #tpu.memory_space<vmem>>) target_semaphore(%arg13 : memref<!tpu.dma_semaphore, #tpu.memory_space<semaphore_mem>>)
      %slice3A_186 = vector.extract_strided_slice %get3A_117 {offsets = [5], sizes = [1], strides = [1]} : vector<16xi32> to vector<1xi32>
      %squeeze3A_187 = vector.extract %slice3A_186[0] : i32 from vector<1xi32>
      %mul3A_188 = arith.constant 16 : i32
      %mul3A_189 = arith.muli %scan3A_112, %mul3A_188 : i32
      %add3A_190 = arith.constant 5 : i32
      %add3A_191 = arith.addi %mul3A_189, %add3A_190 : i32
      %dma_start3A_192 = arith.constant 0 : i32
      %dma_start3A_193 = tpu.memref_slice %arg11[%add3A_191, %dma_start3A_192] : memref<256x64xf32, #tpu.memory_space<vmem>> -> memref<1x64xf32, #tpu.memory_space<vmem>>
      %dma_start3A_194 = arith.constant 0 : i32
      %dma_start3A_195 = tpu.memref_slice %arg5[%squeeze3A_187, %dma_start3A_194] : memref<1000000x64xf32, #tpu.memory_space<hbm>> -> memref<1x64xf32, #tpu.memory_space<hbm>>
      %dma_start3A_196 = arith.constant 0 : i32
      %dma_start3A_197 = tpu.memref_slice %arg11[%add3A_191, %dma_start3A_196] : memref<256x64xf32, #tpu.memory_space<vmem>> -> memref<1x64xf32, #tpu.memory_space<vmem>>
      %dma_start3A_198 = arith.constant 0 : i32
      %dma_start3A_199 = tpu.memref_slice %arg5[%squeeze3A_187, %dma_start3A_198] : memref<1000000x64xf32, #tpu.memory_space<hbm>> -> memref<1x64xf32, #tpu.memory_space<hbm>>
      tpu.enqueue_dma source(%dma_start3A_199 : memref<1x64xf32, #tpu.memory_space<hbm>>) target(%dma_start3A_197 : memref<1x64xf32, #tpu.memory_space<vmem>>) target_semaphore(%arg13 : memref<!tpu.dma_semaphore, #tpu.memory_space<semaphore_mem>>)
      %slice3A_200 = vector.extract_strided_slice %get3A_117 {offsets = [6], sizes = [1], strides = [1]} : vector<16xi32> to vector<1xi32>
      %squeeze3A_201 = vector.extract %slice3A_200[0] : i32 from vector<1xi32>
      %mul3A_202 = arith.constant 16 : i32
      %mul3A_203 = arith.muli %scan3A_112, %mul3A_202 : i32
      %add3A_204 = arith.constant 6 : i32
      %add3A_205 = arith.addi %mul3A_203, %add3A_204 : i32
      %dma_start3A_206 = arith.constant 0 : i32
      %dma_start3A_207 = tpu.memref_slice %arg11[%add3A_205, %dma_start3A_206] : memref<256x64xf32, #tpu.memory_space<vmem>> -> memref<1x64xf32, #tpu.memory_space<vmem>>
      %dma_start3A_208 = arith.constant 0 : i32
      %dma_start3A_209 = tpu.memref_slice %arg5[%squeeze3A_201, %dma_start3A_208] : memref<1000000x64xf32, #tpu.memory_space<hbm>> -> memref<1x64xf32, #tpu.memory_space<hbm>>
      %dma_start3A_210 = arith.constant 0 : i32
      %dma_start3A_211 = tpu.memref_slice %arg11[%add3A_205, %dma_start3A_210] : memref<256x64xf32, #tpu.memory_space<vmem>> -> memref<1x64xf32, #tpu.memory_space<vmem>>
      %dma_start3A_212 = arith.constant 0 : i32
      %dma_start3A_213 = tpu.memref_slice %arg5[%squeeze3A_201, %dma_start3A_212] : memref<1000000x64xf32, #tpu.memory_space<hbm>> -> memref<1x64xf32, #tpu.memory_space<hbm>>
      tpu.enqueue_dma source(%dma_start3A_213 : memref<1x64xf32, #tpu.memory_space<hbm>>) target(%dma_start3A_211 : memref<1x64xf32, #tpu.memory_space<vmem>>) target_semaphore(%arg13 : memref<!tpu.dma_semaphore, #tpu.memory_space<semaphore_mem>>)
      %slice3A_214 = vector.extract_strided_slice %get3A_117 {offsets = [7], sizes = [1], strides = [1]} : vector<16xi32> to vector<1xi32>
      %squeeze3A_215 = vector.extract %slice3A_214[0] : i32 from vector<1xi32>
      %mul3A_216 = arith.constant 16 : i32
      %mul3A_217 = arith.muli %scan3A_112, %mul3A_216 : i32
      %add3A_218 = arith.constant 7 : i32
      %add3A_219 = arith.addi %mul3A_217, %add3A_218 : i32
      %dma_start3A_220 = arith.constant 0 : i32
      %dma_start3A_221 = tpu.memref_slice %arg11[%add3A_219, %dma_start3A_220] : memref<256x64xf32, #tpu.memory_space<vmem>> -> memref<1x64xf32, #tpu.memory_space<vmem>>
      %dma_start3A_222 = arith.constant 0 : i32
      %dma_start3A_223 = tpu.memref_slice %arg5[%squeeze3A_215, %dma_start3A_222] : memref<1000000x64xf32, #tpu.memory_space<hbm>> -> memref<1x64xf32, #tpu.memory_space<hbm>>
      %dma_start3A_224 = arith.constant 0 : i32
      %dma_start3A_225 = tpu.memref_slice %arg11[%add3A_219, %dma_start3A_224] : memref<256x64xf32, #tpu.memory_space<vmem>> -> memref<1x64xf32, #tpu.memory_space<vmem>>
      %dma_start3A_226 = arith.constant 0 : i32
      %dma_start3A_227 = tpu.memref_slice %arg5[%squeeze3A_215, %dma_start3A_226] : memref<1000000x64xf32, #tpu.memory_space<hbm>> -> memref<1x64xf32, #tpu.memory_space<hbm>>
      tpu.enqueue_dma source(%dma_start3A_227 : memref<1x64xf32, #tpu.memory_space<hbm>>) target(%dma_start3A_225 : memref<1x64xf32, #tpu.memory_space<vmem>>) target_semaphore(%arg13 : memref<!tpu.dma_semaphore, #tpu.memory_space<semaphore_mem>>)
      %slice3A_228 = vector.extract_strided_slice %get3A_117 {offsets = [8], sizes = [1], strides = [1]} : vector<16xi32> to vector<1xi32>
      %squeeze3A_229 = vector.extract %slice3A_228[0] : i32 from vector<1xi32>
      %mul3A_230 = arith.constant 16 : i32
      %mul3A_231 = arith.muli %scan3A_112, %mul3A_230 : i32
      %add3A_232 = arith.constant 8 : i32
      %add3A_233 = arith.addi %mul3A_231, %add3A_232 : i32
      %dma_start3A_234 = arith.constant 0 : i32
      %dma_start3A_235 = tpu.memref_slice %arg11[%add3A_233, %dma_start3A_234] : memref<256x64xf32, #tpu.memory_space<vmem>> -> memref<1x64xf32, #tpu.memory_space<vmem>>
      %dma_start3A_236 = arith.constant 0 : i32
      %dma_start3A_237 = tpu.memref_slice %arg5[%squeeze3A_229, %dma_start3A_236] : memref<1000000x64xf32, #tpu.memory_space<hbm>> -> memref<1x64xf32, #tpu.memory_space<hbm>>
      %dma_start3A_238 = arith.constant 0 : i32
      %dma_start3A_239 = tpu.memref_slice %arg11[%add3A_233, %dma_start3A_238] : memref<256x64xf32, #tpu.memory_space<vmem>> -> memref<1x64xf32, #tpu.memory_space<vmem>>
      %dma_start3A_240 = arith.constant 0 : i32
      %dma_start3A_241 = tpu.memref_slice %arg5[%squeeze3A_229, %dma_start3A_240] : memref<1000000x64xf32, #tpu.memory_space<hbm>> -> memref<1x64xf32, #tpu.memory_space<hbm>>
      tpu.enqueue_dma source(%dma_start3A_241 : memref<1x64xf32, #tpu.memory_space<hbm>>) target(%dma_start3A_239 : memref<1x64xf32, #tpu.memory_space<vmem>>) target_semaphore(%arg13 : memref<!tpu.dma_semaphore, #tpu.memory_space<semaphore_mem>>)
      %slice3A_242 = vector.extract_strided_slice %get3A_117 {offsets = [9], sizes = [1], strides = [1]} : vector<16xi32> to vector<1xi32>
      %squeeze3A_243 = vector.extract %slice3A_242[0] : i32 from vector<1xi32>
      %mul3A_244 = arith.constant 16 : i32
      %mul3A_245 = arith.muli %scan3A_112, %mul3A_244 : i32
      %add3A_246 = arith.constant 9 : i32
      %add3A_247 = arith.addi %mul3A_245, %add3A_246 : i32
      %dma_start3A_248 = arith.constant 0 : i32
      %dma_start3A_249 = tpu.memref_slice %arg11[%add3A_247, %dma_start3A_248] : memref<256x64xf32, #tpu.memory_space<vmem>> -> memref<1x64xf32, #tpu.memory_space<vmem>>
      %dma_start3A_250 = arith.constant 0 : i32
      %dma_start3A_251 = tpu.memref_slice %arg5[%squeeze3A_243, %dma_start3A_250] : memref<1000000x64xf32, #tpu.memory_space<hbm>> -> memref<1x64xf32, #tpu.memory_space<hbm>>
      %dma_start3A_252 = arith.constant 0 : i32
      %dma_start3A_253 = tpu.memref_slice %arg11[%add3A_247, %dma_start3A_252] : memref<256x64xf32, #tpu.memory_space<vmem>> -> memref<1x64xf32, #tpu.memory_space<vmem>>
      %dma_start3A_254 = arith.constant 0 : i32
      %dma_start3A_255 = tpu.memref_slice %arg5[%squeeze3A_243, %dma_start3A_254] : memref<1000000x64xf32, #tpu.memory_space<hbm>> -> memref<1x64xf32, #tpu.memory_space<hbm>>
      tpu.enqueue_dma source(%dma_start3A_255 : memref<1x64xf32, #tpu.memory_space<hbm>>) target(%dma_start3A_253 : memref<1x64xf32, #tpu.memory_space<vmem>>) target_semaphore(%arg13 : memref<!tpu.dma_semaphore, #tpu.memory_space<semaphore_mem>>)
      %slice3A_256 = vector.extract_strided_slice %get3A_117 {offsets = [10], sizes = [1], strides = [1]} : vector<16xi32> to vector<1xi32>
      %squeeze3A_257 = vector.extract %slice3A_256[0] : i32 from vector<1xi32>
      %mul3A_258 = arith.constant 16 : i32
      %mul3A_259 = arith.muli %scan3A_112, %mul3A_258 : i32
      %add3A_260 = arith.constant 10 : i32
      %add3A_261 = arith.addi %mul3A_259, %add3A_260 : i32
      %dma_start3A_262 = arith.constant 0 : i32
      %dma_start3A_263 = tpu.memref_slice %arg11[%add3A_261, %dma_start3A_262] : memref<256x64xf32, #tpu.memory_space<vmem>> -> memref<1x64xf32, #tpu.memory_space<vmem>>
      %dma_start3A_264 = arith.constant 0 : i32
      %dma_start3A_265 = tpu.memref_slice %arg5[%squeeze3A_257, %dma_start3A_264] : memref<1000000x64xf32, #tpu.memory_space<hbm>> -> memref<1x64xf32, #tpu.memory_space<hbm>>
      %dma_start3A_266 = arith.constant 0 : i32
      %dma_start3A_267 = tpu.memref_slice %arg11[%add3A_261, %dma_start3A_266] : memref<256x64xf32, #tpu.memory_space<vmem>> -> memref<1x64xf32, #tpu.memory_space<vmem>>
      %dma_start3A_268 = arith.constant 0 : i32
      %dma_start3A_269 = tpu.memref_slice %arg5[%squeeze3A_257, %dma_start3A_268] : memref<1000000x64xf32, #tpu.memory_space<hbm>> -> memref<1x64xf32, #tpu.memory_space<hbm>>
      tpu.enqueue_dma source(%dma_start3A_269 : memref<1x64xf32, #tpu.memory_space<hbm>>) target(%dma_start3A_267 : memref<1x64xf32, #tpu.memory_space<vmem>>) target_semaphore(%arg13 : memref<!tpu.dma_semaphore, #tpu.memory_space<semaphore_mem>>)
      %slice3A_270 = vector.extract_strided_slice %get3A_117 {offsets = [11], sizes = [1], strides = [1]} : vector<16xi32> to vector<1xi32>
      %squeeze3A_271 = vector.extract %slice3A_270[0] : i32 from vector<1xi32>
      %mul3A_272 = arith.constant 16 : i32
      %mul3A_273 = arith.muli %scan3A_112, %mul3A_272 : i32
      %add3A_274 = arith.constant 11 : i32
      %add3A_275 = arith.addi %mul3A_273, %add3A_274 : i32
      %dma_start3A_276 = arith.constant 0 : i32
      %dma_start3A_277 = tpu.memref_slice %arg11[%add3A_275, %dma_start3A_276] : memref<256x64xf32, #tpu.memory_space<vmem>> -> memref<1x64xf32, #tpu.memory_space<vmem>>
      %dma_start3A_278 = arith.constant 0 : i32
      %dma_start3A_279 = tpu.memref_slice %arg5[%squeeze3A_271, %dma_start3A_278] : memref<1000000x64xf32, #tpu.memory_space<hbm>> -> memref<1x64xf32, #tpu.memory_space<hbm>>
      %dma_start3A_280 = arith.constant 0 : i32
      %dma_start3A_281 = tpu.memref_slice %arg11[%add3A_275, %dma_start3A_280] : memref<256x64xf32, #tpu.memory_space<vmem>> -> memref<1x64xf32, #tpu.memory_space<vmem>>
      %dma_start3A_282 = arith.constant 0 : i32
      %dma_start3A_283 = tpu.memref_slice %arg5[%squeeze3A_271, %dma_start3A_282] : memref<1000000x64xf32, #tpu.memory_space<hbm>> -> memref<1x64xf32, #tpu.memory_space<hbm>>
      tpu.enqueue_dma source(%dma_start3A_283 : memref<1x64xf32, #tpu.memory_space<hbm>>) target(%dma_start3A_281 : memref<1x64xf32, #tpu.memory_space<vmem>>) target_semaphore(%arg13 : memref<!tpu.dma_semaphore, #tpu.memory_space<semaphore_mem>>)
      %slice3A_284 = vector.extract_strided_slice %get3A_117 {offsets = [12], sizes = [1], strides = [1]} : vector<16xi32> to vector<1xi32>
      %squeeze3A_285 = vector.extract %slice3A_284[0] : i32 from vector<1xi32>
      %mul3A_286 = arith.constant 16 : i32
      %mul3A_287 = arith.muli %scan3A_112, %mul3A_286 : i32
      %add3A_288 = arith.constant 12 : i32
      %add3A_289 = arith.addi %mul3A_287, %add3A_288 : i32
      %dma_start3A_290 = arith.constant 0 : i32
      %dma_start3A_291 = tpu.memref_slice %arg11[%add3A_289, %dma_start3A_290] : memref<256x64xf32, #tpu.memory_space<vmem>> -> memref<1x64xf32, #tpu.memory_space<vmem>>
      %dma_start3A_292 = arith.constant 0 : i32
      %dma_start3A_293 = tpu.memref_slice %arg5[%squeeze3A_285, %dma_start3A_292] : memref<1000000x64xf32, #tpu.memory_space<hbm>> -> memref<1x64xf32, #tpu.memory_space<hbm>>
      %dma_start3A_294 = arith.constant 0 : i32
      %dma_start3A_295 = tpu.memref_slice %arg11[%add3A_289, %dma_start3A_294] : memref<256x64xf32, #tpu.memory_space<vmem>> -> memref<1x64xf32, #tpu.memory_space<vmem>>
      %dma_start3A_296 = arith.constant 0 : i32
      %dma_start3A_297 = tpu.memref_slice %arg5[%squeeze3A_285, %dma_start3A_296] : memref<1000000x64xf32, #tpu.memory_space<hbm>> -> memref<1x64xf32, #tpu.memory_space<hbm>>
      tpu.enqueue_dma source(%dma_start3A_297 : memref<1x64xf32, #tpu.memory_space<hbm>>) target(%dma_start3A_295 : memref<1x64xf32, #tpu.memory_space<vmem>>) target_semaphore(%arg13 : memref<!tpu.dma_semaphore, #tpu.memory_space<semaphore_mem>>)
      %slice3A_298 = vector.extract_strided_slice %get3A_117 {offsets = [13], sizes = [1], strides = [1]} : vector<16xi32> to vector<1xi32>
      %squeeze3A_299 = vector.extract %slice3A_298[0] : i32 from vector<1xi32>
      %mul3A_300 = arith.constant 16 : i32
      %mul3A_301 = arith.muli %scan3A_112, %mul3A_300 : i32
      %add3A_302 = arith.constant 13 : i32
      %add3A_303 = arith.addi %mul3A_301, %add3A_302 : i32
      %dma_start3A_304 = arith.constant 0 : i32
      %dma_start3A_305 = tpu.memref_slice %arg11[%add3A_303, %dma_start3A_304] : memref<256x64xf32, #tpu.memory_space<vmem>> -> memref<1x64xf32, #tpu.memory_space<vmem>>
      %dma_start3A_306 = arith.constant 0 : i32
      %dma_start3A_307 = tpu.memref_slice %arg5[%squeeze3A_299, %dma_start3A_306] : memref<1000000x64xf32, #tpu.memory_space<hbm>> -> memref<1x64xf32, #tpu.memory_space<hbm>>
      %dma_start3A_308 = arith.constant 0 : i32
      %dma_start3A_309 = tpu.memref_slice %arg11[%add3A_303, %dma_start3A_308] : memref<256x64xf32, #tpu.memory_space<vmem>> -> memref<1x64xf32, #tpu.memory_space<vmem>>
      %dma_start3A_310 = arith.constant 0 : i32
      %dma_start3A_311 = tpu.memref_slice %arg5[%squeeze3A_299, %dma_start3A_310] : memref<1000000x64xf32, #tpu.memory_space<hbm>> -> memref<1x64xf32, #tpu.memory_space<hbm>>
      tpu.enqueue_dma source(%dma_start3A_311 : memref<1x64xf32, #tpu.memory_space<hbm>>) target(%dma_start3A_309 : memref<1x64xf32, #tpu.memory_space<vmem>>) target_semaphore(%arg13 : memref<!tpu.dma_semaphore, #tpu.memory_space<semaphore_mem>>)
      %slice3A_312 = vector.extract_strided_slice %get3A_117 {offsets = [14], sizes = [1], strides = [1]} : vector<16xi32> to vector<1xi32>
      %squeeze3A_313 = vector.extract %slice3A_312[0] : i32 from vector<1xi32>
      %mul3A_314 = arith.constant 16 : i32
      %mul3A_315 = arith.muli %scan3A_112, %mul3A_314 : i32
      %add3A_316 = arith.constant 14 : i32
      %add3A_317 = arith.addi %mul3A_315, %add3A_316 : i32
      %dma_start3A_318 = arith.constant 0 : i32
      %dma_start3A_319 = tpu.memref_slice %arg11[%add3A_317, %dma_start3A_318] : memref<256x64xf32, #tpu.memory_space<vmem>> -> memref<1x64xf32, #tpu.memory_space<vmem>>
      %dma_start3A_320 = arith.constant 0 : i32
      %dma_start3A_321 = tpu.memref_slice %arg5[%squeeze3A_313, %dma_start3A_320] : memref<1000000x64xf32, #tpu.memory_space<hbm>> -> memref<1x64xf32, #tpu.memory_space<hbm>>
      %dma_start3A_322 = arith.constant 0 : i32
      %dma_start3A_323 = tpu.memref_slice %arg11[%add3A_317, %dma_start3A_322] : memref<256x64xf32, #tpu.memory_space<vmem>> -> memref<1x64xf32, #tpu.memory_space<vmem>>
      %dma_start3A_324 = arith.constant 0 : i32
      %dma_start3A_325 = tpu.memref_slice %arg5[%squeeze3A_313, %dma_start3A_324] : memref<1000000x64xf32, #tpu.memory_space<hbm>> -> memref<1x64xf32, #tpu.memory_space<hbm>>
      tpu.enqueue_dma source(%dma_start3A_325 : memref<1x64xf32, #tpu.memory_space<hbm>>) target(%dma_start3A_323 : memref<1x64xf32, #tpu.memory_space<vmem>>) target_semaphore(%arg13 : memref<!tpu.dma_semaphore, #tpu.memory_space<semaphore_mem>>)
      %slice3A_326 = vector.extract_strided_slice %get3A_117 {offsets = [15], sizes = [1], strides = [1]} : vector<16xi32> to vector<1xi32>
      %squeeze3A_327 = vector.extract %slice3A_326[0] : i32 from vector<1xi32>
      %mul3A_328 = arith.constant 16 : i32
      %mul3A_329 = arith.muli %scan3A_112, %mul3A_328 : i32
      %add3A_330 = arith.constant 15 : i32
      %add3A_331 = arith.addi %mul3A_329, %add3A_330 : i32
      %dma_start3A_332 = arith.constant 0 : i32
      %dma_start3A_333 = tpu.memref_slice %arg11[%add3A_331, %dma_start3A_332] : memref<256x64xf32, #tpu.memory_space<vmem>> -> memref<1x64xf32, #tpu.memory_space<vmem>>
      %dma_start3A_334 = arith.constant 0 : i32
      %dma_start3A_335 = tpu.memref_slice %arg5[%squeeze3A_327, %dma_start3A_334] : memref<1000000x64xf32, #tpu.memory_space<hbm>> -> memref<1x64xf32, #tpu.memory_space<hbm>>
      %dma_start3A_336 = arith.constant 0 : i32
      %dma_start3A_337 = tpu.memref_slice %arg11[%add3A_331, %dma_start3A_336] : memref<256x64xf32, #tpu.memory_space<vmem>> -> memref<1x64xf32, #tpu.memory_space<vmem>>
      %dma_start3A_338 = arith.constant 0 : i32
      %dma_start3A_339 = tpu.memref_slice %arg5[%squeeze3A_327, %dma_start3A_338] : memref<1000000x64xf32, #tpu.memory_space<hbm>> -> memref<1x64xf32, #tpu.memory_space<hbm>>
      tpu.enqueue_dma source(%dma_start3A_339 : memref<1x64xf32, #tpu.memory_space<hbm>>) target(%dma_start3A_337 : memref<1x64xf32, #tpu.memory_space<vmem>>) target_semaphore(%arg13 : memref<!tpu.dma_semaphore, #tpu.memory_space<semaphore_mem>>)
    }
    %scan3A_67 = arith.constant 16 : i32
    %dma_wait3A_68 = arith.constant 0 : i32
    %dma_wait3A_69 = arith.constant 0 : i32
    %dma_wait3A_70 = tpu.memref_slice %arg4[%dma_wait3A_68, %dma_wait3A_69] : memref<1000000x64xf32, #tpu.memory_space<hbm>> -> memref<256x64xf32, #tpu.memory_space<hbm>>
    %dma_wait3A_71 = arith.constant 0 : i32
    %dma_wait3A_72 = arith.constant 0 : i32
    %dma_wait3A_73 = tpu.memref_slice %arg4[%dma_wait3A_71, %dma_wait3A_72] : memref<1000000x64xf32, #tpu.memory_space<hbm>> -> memref<256x64xf32, #tpu.memory_space<hbm>>
    tpu.wait_dma2 semaphore(%arg12 : memref<!tpu.dma_semaphore, #tpu.memory_space<semaphore_mem>>) src(%dma_wait3A_73 : memref<256x64xf32, #tpu.memory_space<hbm>>) dst(%arg10 : memref<256x64xf32, #tpu.memory_space<vmem>>)
    %scan3A_74 = arith.constant 0 : i32
    %scan3A_75 = arith.constant 0 : i32
    %scan3A_76 = arith.constant 256 : i32
    %scan3A_77 = arith.addi %scan3A_75, %scan3A_76 : i32
    %scan3A_78 = arith.constant 1 : i32
    scf.for %scan3A_112 = %scan3A_75 to %scan3A_77 step %scan3A_78  : i32 {
      %broadcast_in_dim3A = arith.constant 0.000000e+00 : f32
      %broadcast_in_dim3A_113 = vector.broadcast %broadcast_in_dim3A : f32 to vector<16xf32>
      %get3A = arith.index_cast %scan3A_112 : i32 to index
      %get3A_114 = arith.constant 0 : index
      %get3A_115 = tpu.vector_load %arg10[%get3A, %get3A_114] {strides = array<i32>} : memref<256x64xf32, #tpu.memory_space<vmem>>, vector<16xf32>,
      %mul3A_116 = arith.mulf %get3A_115, %get3A_115 : vector<16xf32>
      %add3A_117 = arith.addf %broadcast_in_dim3A_113, %mul3A_116 : vector<16xf32>
      %get3A_118 = arith.index_cast %scan3A_112 : i32 to index
      %get3A_119 = arith.constant 16 : index
      %get3A_120 = tpu.vector_load %arg10[%get3A_118, %get3A_119] {strides = array<i32>} : memref<256x64xf32, #tpu.memory_space<vmem>>, vector<16xf32>,
      %mul3A_121 = arith.mulf %get3A_120, %get3A_120 : vector<16xf32>
      %add3A_122 = arith.addf %add3A_117, %mul3A_121 : vector<16xf32>
      %get3A_123 = arith.index_cast %scan3A_112 : i32 to index
      %get3A_124 = arith.constant 32 : index
      %get3A_125 = tpu.vector_load %arg10[%get3A_123, %get3A_124] {strides = array<i32>} : memref<256x64xf32, #tpu.memory_space<vmem>>, vector<16xf32>,
      %mul3A_126 = arith.mulf %get3A_125, %get3A_125 : vector<16xf32>
      %add3A_127 = arith.addf %add3A_122, %mul3A_126 : vector<16xf32>
      %get3A_128 = arith.index_cast %scan3A_112 : i32 to index
      %get3A_129 = arith.constant 48 : index
      %get3A_130 = tpu.vector_load %arg10[%get3A_128, %get3A_129] {strides = array<i32>} : memref<256x64xf32, #tpu.memory_space<vmem>>, vector<16xf32>,
      %mul3A_131 = arith.mulf %get3A_130, %get3A_130 : vector<16xf32>
      %add3A_132 = arith.addf %add3A_127, %mul3A_131 : vector<16xf32>
      %reduce_sum3A = arith.constant true
      %reduce_sum3A_133 = vector.broadcast %reduce_sum3A : i1 to vector<16xi1>
      %reduce_sum3A_134 = tpu.scan <sum>, %add3A_132 masked %reduce_sum3A_133 : vector<16xf32>, vector<16xi1> -> vector<16xf32>
      %reduce_sum3A_135 = vector.extract %reduce_sum3A_134[15] : f32 from vector<16xf32>
      %bitcast_convert_type3A = arith.bitcast %reduce_sum3A_135 : f32 to i32
      %shift_right_logical3A = arith.constant 1 : i32
      %shift_right_logical3A_136 = arith.shrui %bitcast_convert_type3A, %shift_right_logical3A : i32
      %sub3A = arith.constant 1597463007 : i32
      %sub3A_137 = arith.subi %sub3A, %shift_right_logical3A_136 : i32
      %bitcast_convert_type3A_138 = arith.bitcast %sub3A_137 : i32 to f32
      %mul3A_139 = arith.constant 5.000000e-01 : f32
      %mul3A_140 = arith.mulf %mul3A_139, %reduce_sum3A_135 : f32
      %mul3A_141 = arith.mulf %mul3A_140, %bitcast_convert_type3A_138 : f32
      %mul3A_142 = arith.mulf %mul3A_141, %bitcast_convert_type3A_138 : f32
      %sub3A_143 = arith.constant 1.500000e+00 : f32
      %sub3A_144 = arith.subf %sub3A_143, %mul3A_142 : f32
      %mul3A_145 = arith.mulf %bitcast_convert_type3A_138, %sub3A_144 : f32
      %mul3A_146 = arith.constant 5.000000e-01 : f32
      %mul3A_147 = arith.mulf %mul3A_146, %reduce_sum3A_135 : f32
      %mul3A_148 = arith.mulf %mul3A_147, %mul3A_145 : f32
      %mul3A_149 = arith.mulf %mul3A_148, %mul3A_145 : f32
      %sub3A_150 = arith.constant 1.500000e+00 : f32
      %sub3A_151 = arith.subf %sub3A_150, %mul3A_149 : f32
      %mul3A_152 = arith.mulf %mul3A_145, %sub3A_151 : f32
      %mul3A_153 = arith.constant 5.000000e-01 : f32
      %mul3A_154 = arith.mulf %mul3A_153, %reduce_sum3A_135 : f32
      %mul3A_155 = arith.mulf %mul3A_154, %mul3A_152 : f32
      %mul3A_156 = arith.mulf %mul3A_155, %mul3A_152 : f32
      %sub3A_157 = arith.constant 1.500000e+00 : f32
      %sub3A_158 = arith.subf %sub3A_157, %mul3A_156 : f32
      %mul3A_159 = arith.mulf %mul3A_152, %sub3A_158 : f32
      %mul3A_160 = arith.mulf %reduce_sum3A_135, %mul3A_159 : f32
      %gt3A = arith.constant 9.99999996E-13 : f32
      %gt3A_161 = arith.cmpf ogt, %mul3A_160, %gt3A : f32
      %jit3A = arith.constant 9.99999995E+11 : f32
      %select_n3A = arith.select %gt3A_161, %mul3A_159, %jit3A : f32
      %mul3A_162 = vector.broadcast %select_n3A : f32 to vector<16xf32>
      %mul3A_163 = arith.mulf %get3A_115, %mul3A_162 : vector<16xf32>
      %swap3A = arith.index_cast %scan3A_112 : i32 to index
      %swap3A_164 = arith.constant 0 : index
      %swap3A_165 = tpu.vector_load %arg10[%swap3A, %swap3A_164] {strides = array<i32>} : memref<256x64xf32, #tpu.memory_space<vmem>>, vector<16xf32>,
      tpu.vector_store %arg10[%swap3A, %swap3A_164], %mul3A_163 {strides = array<i32>} : memref<256x64xf32, #tpu.memory_space<vmem>>, vector<16xf32>,
      %mul3A_166 = vector.broadcast %select_n3A : f32 to vector<16xf32>
      %mul3A_167 = arith.mulf %get3A_120, %mul3A_166 : vector<16xf32>
      %swap3A_168 = arith.index_cast %scan3A_112 : i32 to index
      %swap3A_169 = arith.constant 16 : index
      %swap3A_170 = tpu.vector_load %arg10[%swap3A_168, %swap3A_169] {strides = array<i32>} : memref<256x64xf32, #tpu.memory_space<vmem>>, vector<16xf32>,
      tpu.vector_store %arg10[%swap3A_168, %swap3A_169], %mul3A_167 {strides = array<i32>} : memref<256x64xf32, #tpu.memory_space<vmem>>, vector<16xf32>,
      %mul3A_171 = vector.broadcast %select_n3A : f32 to vector<16xf32>
      %mul3A_172 = arith.mulf %get3A_125, %mul3A_171 : vector<16xf32>
      %swap3A_173 = arith.index_cast %scan3A_112 : i32 to index
      %swap3A_174 = arith.constant 32 : index
      %swap3A_175 = tpu.vector_load %arg10[%swap3A_173, %swap3A_174] {strides = array<i32>} : memref<256x64xf32, #tpu.memory_space<vmem>>, vector<16xf32>,
      tpu.vector_store %arg10[%swap3A_173, %swap3A_174], %mul3A_172 {strides = array<i32>} : memref<256x64xf32, #tpu.memory_space<vmem>>, vector<16xf32>,
      %mul3A_176 = vector.broadcast %select_n3A : f32 to vector<16xf32>
      %mul3A_177 = arith.mulf %get3A_130, %mul3A_176 : vector<16xf32>
      %swap3A_178 = arith.index_cast %scan3A_112 : i32 to index
      %swap3A_179 = arith.constant 48 : index
      %swap3A_180 = tpu.vector_load %arg10[%swap3A_178, %swap3A_179] {strides = array<i32>} : memref<256x64xf32, #tpu.memory_space<vmem>>, vector<16xf32>,
      tpu.vector_store %arg10[%swap3A_178, %swap3A_179], %mul3A_177 {strides = array<i32>} : memref<256x64xf32, #tpu.memory_space<vmem>>, vector<16xf32>,
    }
    %scan3A_79 = arith.constant 256 : i32
    %add3A_80 = arith.constant 256 : i32
    %add3A_81 = arith.addi %mul3A_2, %add3A_80 : i32
    %dma_start3A_82 = arith.constant 0 : i32
    %dma_start3A_83 = tpu.memref_slice %arg6[%add3A_81, %dma_start3A_82] : memref<16384x64xf32, #tpu.memory_space<hbm>> -> memref<256x64xf32, #tpu.memory_space<hbm>>
    %dma_start3A_84 = arith.constant 0 : i32
    %dma_start3A_85 = tpu.memref_slice %arg6[%add3A_81, %dma_start3A_84] : memref<16384x64xf32, #tpu.memory_space<hbm>> -> memref<256x64xf32, #tpu.memory_space<hbm>>
    tpu.enqueue_dma source(%arg10 : memref<256x64xf32, #tpu.memory_space<vmem>>) target(%dma_start3A_85 : memref<256x64xf32, #tpu.memory_space<hbm>>) target_semaphore(%arg14 : memref<!tpu.dma_semaphore, #tpu.memory_space<semaphore_mem>>)
    %dma_wait3A_86 = arith.constant 0 : i32
    %dma_wait3A_87 = arith.constant 0 : i32
    %dma_wait3A_88 = tpu.memref_slice %arg5[%dma_wait3A_86, %dma_wait3A_87] : memref<1000000x64xf32, #tpu.memory_space<hbm>> -> memref<256x64xf32, #tpu.memory_space<hbm>>
    %dma_wait3A_89 = arith.constant 0 : i32
    %dma_wait3A_90 = arith.constant 0 : i32
    %dma_wait3A_91 = tpu.memref_slice %arg5[%dma_wait3A_89, %dma_wait3A_90] : memref<1000000x64xf32, #tpu.memory_space<hbm>> -> memref<256x64xf32, #tpu.memory_space<hbm>>
    tpu.wait_dma2 semaphore(%arg13 : memref<!tpu.dma_semaphore, #tpu.memory_space<semaphore_mem>>) src(%dma_wait3A_91 : memref<256x64xf32, #tpu.memory_space<hbm>>) dst(%arg11 : memref<256x64xf32, #tpu.memory_space<vmem>>)
    %scan3A_92 = arith.constant 0 : i32
    %scan3A_93 = arith.constant 0 : i32
    %scan3A_94 = arith.constant 256 : i32
    %scan3A_95 = arith.addi %scan3A_93, %scan3A_94 : i32
    %scan3A_96 = arith.constant 1 : i32
    scf.for %scan3A_112 = %scan3A_93 to %scan3A_95 step %scan3A_96  : i32 {
      %broadcast_in_dim3A = arith.constant 0.000000e+00 : f32
      %broadcast_in_dim3A_113 = vector.broadcast %broadcast_in_dim3A : f32 to vector<16xf32>
      %get3A = arith.index_cast %scan3A_112 : i32 to index
      %get3A_114 = arith.constant 0 : index
      %get3A_115 = tpu.vector_load %arg11[%get3A, %get3A_114] {strides = array<i32>} : memref<256x64xf32, #tpu.memory_space<vmem>>, vector<16xf32>,
      %mul3A_116 = arith.mulf %get3A_115, %get3A_115 : vector<16xf32>
      %add3A_117 = arith.addf %broadcast_in_dim3A_113, %mul3A_116 : vector<16xf32>
      %get3A_118 = arith.index_cast %scan3A_112 : i32 to index
      %get3A_119 = arith.constant 16 : index
      %get3A_120 = tpu.vector_load %arg11[%get3A_118, %get3A_119] {strides = array<i32>} : memref<256x64xf32, #tpu.memory_space<vmem>>, vector<16xf32>,
      %mul3A_121 = arith.mulf %get3A_120, %get3A_120 : vector<16xf32>
      %add3A_122 = arith.addf %add3A_117, %mul3A_121 : vector<16xf32>
      %get3A_123 = arith.index_cast %scan3A_112 : i32 to index
      %get3A_124 = arith.constant 32 : index
      %get3A_125 = tpu.vector_load %arg11[%get3A_123, %get3A_124] {strides = array<i32>} : memref<256x64xf32, #tpu.memory_space<vmem>>, vector<16xf32>,
      %mul3A_126 = arith.mulf %get3A_125, %get3A_125 : vector<16xf32>
      %add3A_127 = arith.addf %add3A_122, %mul3A_126 : vector<16xf32>
      %get3A_128 = arith.index_cast %scan3A_112 : i32 to index
      %get3A_129 = arith.constant 48 : index
      %get3A_130 = tpu.vector_load %arg11[%get3A_128, %get3A_129] {strides = array<i32>} : memref<256x64xf32, #tpu.memory_space<vmem>>, vector<16xf32>,
      %mul3A_131 = arith.mulf %get3A_130, %get3A_130 : vector<16xf32>
      %add3A_132 = arith.addf %add3A_127, %mul3A_131 : vector<16xf32>
      %reduce_sum3A = arith.constant true
      %reduce_sum3A_133 = vector.broadcast %reduce_sum3A : i1 to vector<16xi1>
      %reduce_sum3A_134 = tpu.scan <sum>, %add3A_132 masked %reduce_sum3A_133 : vector<16xf32>, vector<16xi1> -> vector<16xf32>
      %reduce_sum3A_135 = vector.extract %reduce_sum3A_134[15] : f32 from vector<16xf32>
      %bitcast_convert_type3A = arith.bitcast %reduce_sum3A_135 : f32 to i32
      %shift_right_logical3A = arith.constant 1 : i32
      %shift_right_logical3A_136 = arith.shrui %bitcast_convert_type3A, %shift_right_logical3A : i32
      %sub3A = arith.constant 1597463007 : i32
      %sub3A_137 = arith.subi %sub3A, %shift_right_logical3A_136 : i32
      %bitcast_convert_type3A_138 = arith.bitcast %sub3A_137 : i32 to f32
      %mul3A_139 = arith.constant 5.000000e-01 : f32
      %mul3A_140 = arith.mulf %mul3A_139, %reduce_sum3A_135 : f32
      %mul3A_141 = arith.mulf %mul3A_140, %bitcast_convert_type3A_138 : f32
      %mul3A_142 = arith.mulf %mul3A_141, %bitcast_convert_type3A_138 : f32
      %sub3A_143 = arith.constant 1.500000e+00 : f32
      %sub3A_144 = arith.subf %sub3A_143, %mul3A_142 : f32
      %mul3A_145 = arith.mulf %bitcast_convert_type3A_138, %sub3A_144 : f32
      %mul3A_146 = arith.constant 5.000000e-01 : f32
      %mul3A_147 = arith.mulf %mul3A_146, %reduce_sum3A_135 : f32
      %mul3A_148 = arith.mulf %mul3A_147, %mul3A_145 : f32
      %mul3A_149 = arith.mulf %mul3A_148, %mul3A_145 : f32
      %sub3A_150 = arith.constant 1.500000e+00 : f32
      %sub3A_151 = arith.subf %sub3A_150, %mul3A_149 : f32
      %mul3A_152 = arith.mulf %mul3A_145, %sub3A_151 : f32
      %mul3A_153 = arith.constant 5.000000e-01 : f32
      %mul3A_154 = arith.mulf %mul3A_153, %reduce_sum3A_135 : f32
      %mul3A_155 = arith.mulf %mul3A_154, %mul3A_152 : f32
      %mul3A_156 = arith.mulf %mul3A_155, %mul3A_152 : f32
      %sub3A_157 = arith.constant 1.500000e+00 : f32
      %sub3A_158 = arith.subf %sub3A_157, %mul3A_156 : f32
      %mul3A_159 = arith.mulf %mul3A_152, %sub3A_158 : f32
      %mul3A_160 = arith.mulf %reduce_sum3A_135, %mul3A_159 : f32
      %gt3A = arith.constant 9.99999996E-13 : f32
      %gt3A_161 = arith.cmpf ogt, %mul3A_160, %gt3A : f32
      %jit3A = arith.constant 9.99999995E+11 : f32
      %select_n3A = arith.select %gt3A_161, %mul3A_159, %jit3A : f32
      %mul3A_162 = vector.broadcast %select_n3A : f32 to vector<16xf32>
      %mul3A_163 = arith.mulf %get3A_115, %mul3A_162 : vector<16xf32>
      %swap3A = arith.index_cast %scan3A_112 : i32 to index
      %swap3A_164 = arith.constant 0 : index
      %swap3A_165 = tpu.vector_load %arg11[%swap3A, %swap3A_164] {strides = array<i32>} : memref<256x64xf32, #tpu.memory_space<vmem>>, vector<16xf32>,
      tpu.vector_store %arg11[%swap3A, %swap3A_164], %mul3A_163 {strides = array<i32>} : memref<256x64xf32, #tpu.memory_space<vmem>>, vector<16xf32>,
      %mul3A_166 = vector.broadcast %select_n3A : f32 to vector<16xf32>
      %mul3A_167 = arith.mulf %get3A_120, %mul3A_166 : vector<16xf32>
      %swap3A_168 = arith.index_cast %scan3A_112 : i32 to index
      %swap3A_169 = arith.constant 16 : index
      %swap3A_170 = tpu.vector_load %arg11[%swap3A_168, %swap3A_169] {strides = array<i32>} : memref<256x64xf32, #tpu.memory_space<vmem>>, vector<16xf32>,
      tpu.vector_store %arg11[%swap3A_168, %swap3A_169], %mul3A_167 {strides = array<i32>} : memref<256x64xf32, #tpu.memory_space<vmem>>, vector<16xf32>,
      %mul3A_171 = vector.broadcast %select_n3A : f32 to vector<16xf32>
      %mul3A_172 = arith.mulf %get3A_125, %mul3A_171 : vector<16xf32>
      %swap3A_173 = arith.index_cast %scan3A_112 : i32 to index
      %swap3A_174 = arith.constant 32 : index
      %swap3A_175 = tpu.vector_load %arg11[%swap3A_173, %swap3A_174] {strides = array<i32>} : memref<256x64xf32, #tpu.memory_space<vmem>>, vector<16xf32>,
      tpu.vector_store %arg11[%swap3A_173, %swap3A_174], %mul3A_172 {strides = array<i32>} : memref<256x64xf32, #tpu.memory_space<vmem>>, vector<16xf32>,
      %mul3A_176 = vector.broadcast %select_n3A : f32 to vector<16xf32>
      %mul3A_177 = arith.mulf %get3A_130, %mul3A_176 : vector<16xf32>
      %swap3A_178 = arith.index_cast %scan3A_112 : i32 to index
      %swap3A_179 = arith.constant 48 : index
      %swap3A_180 = tpu.vector_load %arg11[%swap3A_178, %swap3A_179] {strides = array<i32>} : memref<256x64xf32, #tpu.memory_space<vmem>>, vector<16xf32>,
      tpu.vector_store %arg11[%swap3A_178, %swap3A_179], %mul3A_177 {strides = array<i32>} : memref<256x64xf32, #tpu.memory_space<vmem>>, vector<16xf32>,
    }
    %scan3A_97 = arith.constant 256 : i32
    %add3A_98 = arith.constant 256 : i32
    %add3A_99 = arith.addi %mul3A_2, %add3A_98 : i32
    %dma_start3A_100 = arith.constant 0 : i32
    %dma_start3A_101 = tpu.memref_slice %arg7[%add3A_99, %dma_start3A_100] : memref<16384x64xf32, #tpu.memory_space<hbm>> -> memref<256x64xf32, #tpu.memory_space<hbm>>
    %dma_start3A_102 = arith.constant 0 : i32
    %dma_start3A_103 = tpu.memref_slice %arg7[%add3A_99, %dma_start3A_102] : memref<16384x64xf32, #tpu.memory_space<hbm>> -> memref<256x64xf32, #tpu.memory_space<hbm>>
    tpu.enqueue_dma source(%arg11 : memref<256x64xf32, #tpu.memory_space<vmem>>) target(%dma_start3A_103 : memref<256x64xf32, #tpu.memory_space<hbm>>) target_semaphore(%arg15 : memref<!tpu.dma_semaphore, #tpu.memory_space<semaphore_mem>>)
    %dma_wait3A_104 = arith.constant 0 : i32
    %dma_wait3A_105 = tpu.memref_slice %arg6[%add3A_81, %dma_wait3A_104] : memref<16384x64xf32, #tpu.memory_space<hbm>> -> memref<256x64xf32, #tpu.memory_space<hbm>>
    %dma_wait3A_106 = arith.constant 0 : i32
    %dma_wait3A_107 = tpu.memref_slice %arg6[%add3A_81, %dma_wait3A_106] : memref<16384x64xf32, #tpu.memory_space<hbm>> -> memref<256x64xf32, #tpu.memory_space<hbm>>
    tpu.wait_dma2 semaphore(%arg14 : memref<!tpu.dma_semaphore, #tpu.memory_space<semaphore_mem>>) src(%arg10 : memref<256x64xf32, #tpu.memory_space<vmem>>) dst(%dma_wait3A_107 : memref<256x64xf32, #tpu.memory_space<hbm>>)
    %dma_wait3A_108 = arith.constant 0 : i32
    %dma_wait3A_109 = tpu.memref_slice %arg7[%add3A_99, %dma_wait3A_108] : memref<16384x64xf32, #tpu.memory_space<hbm>> -> memref<256x64xf32, #tpu.memory_space<hbm>>
    %dma_wait3A_110 = arith.constant 0 : i32
    %dma_wait3A_111 = tpu.memref_slice %arg7[%add3A_99, %dma_wait3A_110] : memref<16384x64xf32, #tpu.memory_space<hbm>> -> memref<256x64xf32, #tpu.memory_space<hbm>>
    tpu.wait_dma2 semaphore(%arg15 : memref<!tpu.dma_semaphore, #tpu.memory_space<semaphore_mem>>) src(%arg11 : memref<256x64xf32, #tpu.memory_space<vmem>>) dst(%dma_wait3A_111 : memref<256x64xf32, #tpu.memory_space<hbm>>)
    return
  }
}

</mosaic_0001>

<sc_bundles>
// kernel: kernel.3.cloned.1.call-start
scs
__scs_entry_jumppad:
0x0: {  	(pc) =	sbr.rel $0x88, $3  }
0x1: {  	(tag) =	ssettag $0x0;
	lr =	simm.s32 $0x1  }
0x2: {  	[smem:$0x3F9D] =	sst lr;
	_ =	strace $0xD0000000  }
0x3: {  	_ = 	snop  }
0x4: {  	_ = 	snop  }
0x5: {  	_ = 	snop  }
0x6: {  	_ = 	snop  }
0x7: {  	_ = 	snop  }
__scs_overlays_trampoline_lowered:
0x8: {  	[smem:$0x3FAC] =	sst s0  }
0x9: {  	[smem:$0x3FAD] =	sst s1  }
0xa: {  	[smem:$0x3FAE] =	sst s2  }
0xb: {  	[smem:$0x3FAF] =	sst s3  }
0xc: {  	[smem:$0x3FB0] =	sst s4  }
0xd: {  	[smem:$0x3FB1] =	sst s5  }
0xe: {  	[smem:$0x3FB2] =	sst s6  }
0xf: {  	[smem:$0x3FB3] =	sst s7  }
0x10: {  	[smem:$0x3FB4] =	sst s8  }
0x11: {  	[smem:$0x3FB5] =	sst s9;
	s0 =	simm.s32 @!p0 $0x0  }
0x12: {  	s1 =	sld [smem:$0x3F9B];
	s0 =	simm.s32 @p0 $0x1  }
0x13: {  	[smem:$0x3FB6] =	sst s0;
	s0 =	simm.s32 @!p1 $0x0  }
0x14: {  	s2 =	sld [smem:$0x3F9A];
	s0 =	simm.s32 @p1 $0x1  }
0x15: {  	[smem:$0x3FB7] =	sst s0;
	s0 =	simm.s32 @!p2 $0x0  }
0x16: {  	s3 =	sld [smem:$0x3FDB];
	s0 =	simm.s32 @p2 $0x1  }
0x17: {  	s4 =	simm.s32 $0x1BF5;
	[smem:$0x3FB9] =	sst s0  }
0x18: {  	s0 =	sld [smem:$0x3F9C];
	_ =	swait.ge [sflag:s4], $0x0  }
0x19: {  	s7 =	sld [smem:$0x3F9D]  }
0x1a: {  	s8 =	sadd.s32 $0xFFFFE003, lr  }
0x1b: {  	s9 =	sadd.s32 $0xFFFFFEF7, lr;
	s5 =	simm.s32 $0xFFFFFFFF;
	p2 =	slt.u32 s8, $0xFFFFF086  }
0x1c: {  	p1 =	slt.u32 s9, $0xF7A;
	s5 =	simm.s32 @!p2 $0x0  }
0x1d: {  	s5 =	simm.s32 @p1 $0x1;
	p0 =	seq.s32 s7, s2  }
0x1e: {  	s7 =	smul.u32 @!p0 $0xF7A, s2;
	p2 =	seq.s32 @!p0 s5, $0x0  }
0x1f: {  	s9 =	smul.u32 $0xF7A, s1;
	s8 =	simm.s32 @!p0 $0x1BF5;
	p2 =	por !p2, p0  }
0x20: {  	[sflag:s8] =	ssyncset.s32 @!p0 $0xFFFFF086;
	s6 =	sadd.s32 @!p0 s3, s7;
	s7 =	simm.s32 @!p0 $0x108  }
0x21: {  	s3 =	sadd.s32 s3, s9;
	s6 =	sadd.s32 @!p0 $0x88, s6;
	s7 =	simm.s32 @p2 $0x1082  }
0x22: {  	[simem:s7], [sflag:s8] =	dma.local @!p0 [hbm:s6], $0xF7A  }
0x23: {  	s9 =	sor.u32 $0xD0000000, s2;
	s6 =	simm.s32 $0x108;
	_ =	swait.ge @!p0 [sflag:s8], $0x0  }
0x24: {  	s3 =	sadd.s32 $0x88, s3;
	s6 =	simm.s32 @!p1 $0x1082;
	[sflag:s4] =	ssyncset.s32 $0xFFFFF086  }
0x25: {  	[simem:s6], [sflag:s4] =	dma.local [hbm:s3], $0xF7A  }
0x26: {  	[smem:$0x3F9D] =	sst s1;
	(tag) =	ssettag s2;
	_ =	strace s9  }
0x27: {  	s1 =	sld [smem:$0x3FAD]  }
0x28: {  	s2 =	sld [smem:$0x3FAE]  }
0x29: {  	s4 =	sld [smem:$0x3FB0]  }
0x2a: {  	p0 =	seq.s32 s5, $0x0;
	s5 =	sld [smem:$0x3FB1]  }
0x2b: {  	s6 =	sld [smem:$0x3FB2]  }
0x2c: {  	s7 =	sld [smem:$0x3FB3]  }
0x2d: {  	s3 =	simm.s32 $0x108;
	s8 =	sld [smem:$0x3FB4]  }
0x2e: {  	s3 =	simm.s32 @!p0 $0x1082;
	s9 =	sld [smem:$0x3FB5]  }
0x2f: {  	lr =	sadd.s32 s0, s3;
	s0 =	sld [smem:$0x3FAC]  }
0x30: {  	s3 =	sld [smem:$0x3FAF]  }
0x31: {  	[smem:$0x3FB8] =	sst s10  }
0x32: {  	s10 =	sld [smem:$0x3FB6];
	_ =	sdelay $0x3  }
0x33: {  	p0 =	seq.s32 s10, $0x1;
	s10 =	sld [smem:$0x3FB8];
	_ =	sdelay $0x3  }
0x34: {  	[smem:$0x3FB8] =	sst s10  }
0x35: {  	s10 =	sld [smem:$0x3FB7];
	_ =	sdelay $0x3  }
0x36: {  	p1 =	seq.s32 s10, $0x1;
	s10 =	sld [smem:$0x3FB8];
	_ =	sdelay $0x3  }
0x37: {  	[smem:$0x3FB8] =	sst s10  }
0x38: {  	s10 =	sld [smem:$0x3FB9]  }
0x39: {  	_ = 	snop;
	(pc) =	sbr.ind lr, $3  }
0x3a: {  	_ = 	snop  }
0x3b: {  	_ = 	snop  }
0x3c: {  	p2 =	seq.s32 s10, $0x1;
	s10 =	sld [smem:$0x3FB8]  }
0x3d: {  	_ =	shalt  }
0x3e: {  	_ =	shalt  }
0x3f: {  	_ =	shalt  }
0x40: {  	_ =	shalt  }
0x41: {  	_ =	shalt  }
0x42: {  	_ =	shalt  }
0x43: {  	_ =	shalt  }
0x44: {  	_ =	shalt  }
0x45: {  	_ =	shalt  }
0x46: {  	_ =	shalt  }
0x47: {  	_ =	shalt  }
0x48: {  	_ =	shalt  }
0x49: {  	_ =	shalt  }
0x4a: {  	_ =	shalt  }
0x4b: {  	_ =	shalt  }
0x4c: {  	_ =	shalt  }
0x4d: {  	_ =	shalt  }
0x4e: {  	_ =	shalt  }
0x4f: {  	_ =	shalt  }
0x50: {  	_ =	shalt  }
0x51: {  	_ =	shalt  }
0x52: {  	_ =	shalt  }
0x53: {  	_ =	shalt  }
0x54: {  	_ =	shalt  }
0x55: {  	_ =	shalt  }
0x56: {  	_ =	shalt  }
0x57: {  	_ =	shalt  }
0x58: {  	_ =	shalt  }
0x59: {  	_ =	shalt  }
0x5a: {  	_ =	shalt  }
0x5b: {  	_ =	shalt  }
0x5c: {  	_ =	shalt  }
0x5d: {  	_ =	shalt  }
0x5e: {  	_ =	shalt  }
0x5f: {  	_ =	shalt  }
0x60: {  	_ =	shalt  }
0x61: {  	_ =	shalt  }
0x62: {  	_ =	shalt  }
0x63: {  	_ =	shalt  }
0x64: {  	_ =	shalt  }
0x65: {  	_ =	shalt  }
0x66: {  	_ =	shalt  }
0x67: {  	_ =	shalt  }
0x68: {  	_ =	shalt  }
0x69: {  	_ =	shalt  }
0x6a: {  	_ =	shalt  }
0x6b: {  	_ =	shalt  }
0x6c: {  	_ =	shalt  }
0x6d: {  	_ =	shalt  }
0x6e: {  	_ =	shalt  }
0x6f: {  	_ =	shalt  }
0x70: {  	_ =	shalt  }
0x71: {  	_ =	shalt  }
0x72: {  	_ =	shalt  }
0x73: {  	_ =	shalt  }
0x74: {  	_ =	shalt  }
0x75: {  	_ =	shalt  }
0x76: {  	_ =	shalt  }
0x77: {  	_ =	shalt  }
0x78: {  	_ =	shalt  }
0x79: {  	_ =	shalt  }
0x7a: {  	_ =	shalt  }
0x7b: {  	_ =	shalt  }
0x7c: {  	_ =	shalt  }
0x7d: {  	_ =	shalt  }
0x7e: {  	_ =	shalt  }
0x7f: {  	_ =	shalt  }
0x80: {  	_ =	shalt  }
0x81: {  	_ =	shalt  }
0x82: {  	_ =	shalt  }
0x83: {  	_ =	shalt  }
0x84: {  	_ =	shalt  }
0x85: {  	_ =	shalt  }
0x86: {  	_ =	shalt  }
0x87: {  	_ =	shalt  }
.Lfunc_end0:
.L_simem_size_0:
called_computation_lowered:
.L_overlay_start_0:
0x88: {  	s2 =	sld [smem:$0x3FD9]  }
0x89: {  	s3 =	sld [smem:$0x3FFE];
	_ =	sdelay $0x1  }
0x8a: {  	s1 =	srdreg.scid  }
0x8b: {  	s0 =	sand.u32 $0x1, s1  }
0x8c: {  	s17 =	sshll.u32 s0, $0xA;
	s2 =	sadd.s32 s3, s2  }
0x8d: {  	s2 =	sadd.s32 s2, s17  }
0x8e: {  	[smem:$0x3FC4] =	sst s2  }
0x8f: {  	_ = 	snop  }
0x90: {  	s2 =	sld [smem:$0x3FC9]  }
0x91: {  	s18 =	sld [smem:$0x3FC8];
	(tm) =	ssettm $0x1  }
0x92: {  	s4 =	sld [smem:$0x3FFB];
	_ =	sdelay $0x3  }
0x93: {  	_ =	strace s4  }
0x94: {  	s4 =	sld [smem:$0x3FFC];
	_ =	sdelay $0x3  }
0x95: {  	_ =	strace s4  }
0x96: {  	s4 =	sld [smem:$0x3FFD];
	_ =	sdelay $0x3  }
0x97: {  	_ =	strace s4  }
0x98: {  	_ =	strace $0x8FFFFFFF  }
0x99: {  	s19 =	sld [smem:$0x3FDB];
	_ =	sdelay $0x1  }
0x9a: {  	s5 =	simm.s32 $_scs_section_size  }
0x9b: {  	s6 =	simm.s32 $_size__tile_overlayer_lowered;
	s7 =	simm.s32 $_tile_overlayer_lowered  }
0x9c: {  	s22 =	simm.s32 $0x1BFF;
	s21 =	sshll.u32 s7, $0x1;
	s4 =	sadd.s32 s5, s19  }
0x9d: {  	s8 =	simm.s32 $0x0;
	s20 =	sshll.u32 s6, $0x1;
	s6 =	sadd.s32 s21, s4  }
0x9e: {  	[timem:s8], [sflag:s22] =	dma.local [hbm:s6], s20  }
0x9f: {  	_ =	swait.ge [sflag:s22], s20  }
0xa0: {  	s5 =	ssub.s32 $0x0, s20;
	[sflag:s22] =	ssyncset.done $0x0  }
0xa1: {  	[sflag:s22] =	ssyncadd.s32 s5;
	_ =	sdelay $0x1  }
0xa2: {  	s23 =	simm.s32 $0x1B8B  }
0xa3: {  	_ =	swait.ge [sflag:s23], $0x1  }
0xa4: {  	[sflag:s23] =	ssyncset.done $0x0  }
0xa5: {  	s25 =	simm.s32 $0x1B8E;
	s24 =	sld [smem:$0x3FFE];
	[sflag:s23] =	ssyncadd.s32 $0xFFFFFFFF  }
0xa6: {  	s26 =	simm.s32 $execute0_lowered;
	[smem:$0x3FD2] =	sst s25  }
0xa7: {  	s6 =	sshll.u32 s26, $0x1;
	_ =	strace $0x80000046;
	[dreg:$0x1] =	wrdreg $0xFFFFFFFF  }
0xa8: {  	s28 =	simm.s32 $_size_execute0_lowered;
	s4 =	sadd.s32 s4, s6;
	[dreg:$0x0] =	wrdreg $0x0  }
0xa9: {  	s6 =	sshll.u32 s28, $0x1;
	[dreg:$0x2] =	wrdreg s4  }
0xaa: {  	[dreg:$0x3] =	wrdreg s6  }
0xab: {  	[dreg:$0x4] =	wrdreg $0xC0  }
0xac: {  	_ =	task [dreg:s8], $0x5FFFF  }
0xad: {  	[dreg:$0x1] =	wrdreg $0xFFFFFFFF  }
0xae: {  	[dreg:$0x0] =	wrdreg $0x60  }
0xaf: {  	[dreg:$0x2] =	wrdreg s2  }
0xb0: {  	[dreg:$0x3] =	wrdreg s18  }
0xb1: {  	[dreg:$0x4] =	wrdreg s24  }
0xb2: {  	[dreg:$0x5] =	wrdreg $0x9  }
0xb3: {  	_ =	task.clear_ibuf [dreg:s8], $0x6FFFF;
	_ =	strace $0x90000046  }
0xb4: {  	s29 =	simm.s32 $0x9;
	_ =	strace $0x80000048  }
0xb5: {  	_ =	swait.ge [sflag:s29], $0x1  }
0xb6: {  	[sflag:s29] =	ssyncadd.s32 $0xFFFFFFFF  }
0xb7: {  	_ =	strace $0x90000048  }
0xb8: {  	_ =	sfence  }
0xb9: {  	s30 =	sld [smem:$0x0];
	_ =	sdelay $0x2  }
0xba: {  	s31 =	sshll.u32 s1, $0xD;
	s1 =	sshrl.u32 s1, $0x2  }
0xbb: {  	s3 =	sand.u32 $0x4000, s31;
	s1 =	sadd.s32 s1, s30  }
0xbc: {  	s0 =	sor.u32 s3, s0;
	s1 =	sshll.u32 s1, $0x11  }
0xbd: {  	s0 =	sor.u32 s1, s0  }
0xbe: {  	s0 =	sadd.s32 $0x8F2B, s0  }
0xbf: {  	[sflag:s0] =	ssyncadd.remote.s32 $0x1  }
0xc0: {  	_ =	sfence.sel $0xFFFF  }
0xc1: {  	[dreg:$0x0] =	wrdreg $0xFFFFFFFF;
	(pc) =	sbr.abs _section_cstart, $3  }
0xc2: {  	[dreg:$0x1] =	wrdreg $0xFFFFFFFF  }
0xc3: {  	_ =	task.clear_ibuf [dreg:s8], $0x2FFFF;
	_ =	strace $0x9FFFFFFF  }
0xc4: {  	(tm) =	ssettm $0x7FFFFFFF  }
0xc5: {  	_ =	shalt  }
tec
execute0_lowered:
.L_overlay_start_1:
0x0: {  	(tag) =	ssettag $0x1  }
0x1: {  	s0 =	rddreg [dreg:$0x0]  }
0x2: {  	s2 =	rddreg [dreg:$0x1]  }
0x3: {  	s5 =	rddreg [dreg:$0x2];
	s1 =	simm.s32 $0x0  }
0x4: {  	s6 =	srdreg.scid;
	s8 =	stileid.u32;
	s14 =	simm.s32 $0x1  }
0x5: {  	s16 =	simm.s32 $0x2;
	s18 =	simm.s32 $0x3;
	s6 =	sand.u32 $0x1, s6  }
0x6: {  	s8 =	sshll.u32 s8, $0xA;
	s7 =	ssub.s32 $0x2, s6;
	s6 =	sshll.u32 s6, $0x9  }
0x7: {  	s19 =	simm.s32 $0x4;
	s20 =	simm.s32 $0x0;
	s8 =	sor.u32 s6, s8  }
0x8: {  	[smem:$0x7FF] =	sst s1;
	s9 =	sadd.s32 $0x1E85000, s5;
	s6 =	sshrl.u32 s8, $0x3  }
0x9: {  	s11 =	sadd.s32 $0x1EC5000, s5;
	_ =	strace $0x80000047;
	s0 =	sadd.s32 s0, s6  }
0xa: {  	s26 =	sshll.u32 s8, $0x4;
	s25 =	sadd.s32 s2, s6;
	[dreg:$0x4] =	wrdreg s0  }
0xb: {  	s10 =	sshrl.u32 s7, $0x1;
	s28 =	sadd.s32 s9, s26;
	[dreg:$0x5] =	wrdreg s25  }
0xc: {  	s12 =	ssub.s32 s7, s10;
	s29 =	sadd.s32 s11, s26;
	[dreg:$0x6] =	wrdreg s28  }
0xd: {  	s31 =	smax.u32 s12, $0x1;
	[dreg:$0x7] =	wrdreg s29;
	s0 =	sor.u32 $0x1000, s26  }
0xe: {  	s3 =	sadd.s32 $0x800, s5;
	[dreg:$0xa] =	wrdreg s31;
	s30 =	sadd.s32 s9, s0  }
0xf: {  	s4 =	sadd.s32 $0xF42C00, s5;
	s0 =	sadd.s32 s11, s0;
	[dreg:$0x8] =	wrdreg s30  }
0x10: {  	s12 =	simm.s32 $0x5;
	s11 =	simm.s32 $0x400;
	[dreg:$0x9] =	wrdreg s0  }
.LBB2_1:
0x11: {  	s0 =	rddreg [dreg:$0x4]  }
0x12: {  	[tilespmem:s1], [sflag:$0x5] =	stream.linear.gather [hbm4b:s0+s1], $0x200, $0x38;
	[tilespmem:$0x10400] =	vst v63  }
0x13: {  	_ =	swait.ge [sflag:s12], $0x200  }
0x14: {  	[sflag:s12] =	ssyncset.done $0x0  }
0x15: {  	s2 =	simm.s32 $0x200;
	s31 =	rddreg [dreg:$0x5];
	[sflag:s12] =	ssyncadd.s32 $0xFFFFFE00  }
0x16: {  	[tilespmem:s2], [sflag:$0x5] =	stream.linear.gather [hbm4b:s31+s1], $0x200, $0x38;
	[tilespmem:$0x10400] =	vst v63  }
0x17: {  	_ =	swait.ge [sflag:s12], $0x200  }
0x18: {  	[sflag:s12] =	ssyncset.done $0x0  }
0x19: {  	[sflag:s12] =	ssyncadd.s32 $0xFFFFFE00  }
0x1a: {  	v0 =	vld [tilespmem:s1+$0x0];
	_ =	sdelay $0x4  }
0x1b: {  	v0 =	vshll.u32 v0, $0x4  }
0x1c: {  	(v2sf) =	vpush v0, $0x0  }
0x1d: {  	(v2sf) =	vpush v0, $0x1  }
0x1e: {  	(v2sf) =	vpush v0, $0x2;
	_ =	sdelay $0x1  }
0x1f: {  	(v2sf) =	vpush v0, $0x4;
	_ =	sdelay $0x1  }
0x20: {  	(v2sf) =	vpush v0, $0x3  }
0x21: {  	(v2sf) =	vpush v0, $0x5  }
0x22: {  	s23 =	simm.s32 $0x2000;
	s22 =	simm.s32 $0x0;
	s24 =	simm.s32 $0x0;
	(v2sf) =	vpush v0, $0x6  }
.LBB2_2:
0x23: {  	p0 =	sne.s32 s23, $0x1E000  }
0x24: {  	s15 =	sadd.s32 $0x480, s22;
	s29 =	sadd.s32 $0x980, s22;
	s25 =	smov.u32 s23  }
0x25: {  	s23 =	sadd.s32 $0x2000, s23;
	s0 =	sadd.s32 $0x780, s22;
	s26 =	sadd.s32 $0xA00, s22;
	(v2sf) =	vpush v0, $0x7  }
0x26: {  	s13 =	sadd.s32 $0x680, s22;
	s30 =	sadd.s32 $0x800, s22;
	s28 =	sadd.s32 $0xA80, s22  }
0x27: {  	s17 =	sadd.s32 $0x400, s22;
	s5 =	sadd.s32 $0x600, s22;
	(v2sf) =	vpush v0, $0x8  }
0x28: {  	s21 =	simm.s32 $0x0;
	s6 =	sadd.s32 $0x700, s22;
	s24 =	sadd.s32 $0x10, s24  }
0x29: {  	s7 =	sadd.s32 $0x500, s22;
	s31 =	sadd.s32 $0x900, s22;
	s2 =	spop (v2sf);
	(v2sf) =	vpush v0, $0x9  }
0x2a: {  	s8 =	sand.u32 $0x1FFFFFF0, s2;
	s2 =	sadd.s32 $0x880, s22;
	s9 =	spop (v2sf)  }
0x2b: {  	s8 =	sadd.s32 s3, s8;
	s9 =	sand.u32 $0x1FFFFFF0, s9;
	s10 =	spop (v2sf);
	(v2sf) =	vpush v0, $0xA  }
0x2c: {  	[tilespmem:s17], [sflag:$0x1] =	stream.linear.gather [hbm4b:s8+s21], $0x80, $0x38;
	[tilespmem:$0x10400] =	vst v63  }
0x2d: {  	s8 =	sadd.s32 s3, s9;
	s9 =	sadd.s32 $0x580, s22;
	s17 =	spop (v2sf);
	(v2sf) =	vpush v0, $0xB  }
0x2e: {  	[tilespmem:s15], [sflag:$0x1] =	stream.linear.gather [hbm4b:s8+s21], $0x80, $0x38;
	[tilespmem:$0x10400] =	vst v63  }
0x2f: {  	s8 =	sand.u32 $0x1FFFFFF0, s10;
	s10 =	sand.u32 $0x1FFFFFF0, s17;
	s15 =	spop (v2sf);
	(v2sf) =	vpush v0, $0xC  }
0x30: {  	s8 =	sadd.s32 s3, s8;
	s15 =	sand.u32 $0x1FFFFFF0, s15;
	s17 =	spop (v2sf)  }
0x31: {  	[tilespmem:s7], [sflag:$0x1] =	stream.linear.gather [hbm4b:s8+s21], $0x80, $0x38;
	(v2sf) =	vpush v0, $0xD;
	[tilespmem:$0x10400] =	vst v63  }
0x32: {  	s7 =	sadd.s32 s3, s15;
	s8 =	sand.u32 $0x1FFFFFF0, s17;
	s15 =	spop (v2sf)  }
0x33: {  	[tilespmem:s9], [sflag:$0x1] =	stream.linear.gather [hbm4b:s7+s21], $0x80, $0x38;
	(v2sf) =	vpush v0, $0xE;
	[tilespmem:$0x10400] =	vst v63  }
0x34: {  	s7 =	sadd.s32 s3, s10;
	s9 =	sand.u32 $0x1FFFFFF0, s15;
	s10 =	spop (v2sf)  }
0x35: {  	[tilespmem:s5], [sflag:$0x1] =	stream.linear.gather [hbm4b:s7+s21], $0x80, $0x38;
	(v2sf) =	vpush v0, $0xF;
	[tilespmem:$0x10400] =	vst v63  }
0x36: {  	s5 =	sadd.s32 s3, s8;
	s7 =	sand.u32 $0x1FFFFFF0, s10;
	s8 =	spop (v2sf)  }
0x37: {  	[tilespmem:s13], [sflag:$0x1] =	stream.linear.gather [hbm4b:s5+s21], $0x80, $0x38;
	[tilespmem:$0x10400] =	vst v63  }
0x38: {  	s5 =	sadd.s32 s3, s9;
	s8 =	sand.u32 $0x1FFFFFF0, s8;
	s9 =	spop (v2sf)  }
0x39: {  	[tilespmem:s6], [sflag:$0x1] =	stream.linear.gather [hbm4b:s5+s21], $0x80, $0x38;
	[tilespmem:$0x10400] =	vst v63  }
0x3a: {  	s5 =	sadd.s32 s3, s7;
	s6 =	sand.u32 $0x1FFFFFF0, s9;
	s7 =	spop (v2sf)  }
0x3b: {  	[tilespmem:s0], [sflag:$0x1] =	stream.linear.gather [hbm4b:s5+s21], $0x80, $0x38;
	[tilespmem:$0x10400] =	vst v63  }
0x3c: {  	s0 =	sadd.s32 s3, s8;
	s5 =	sand.u32 $0x1FFFFFF0, s7;
	s7 =	spop (v2sf)  }
0x3d: {  	[tilespmem:s30], [sflag:$0x1] =	stream.linear.gather [hbm4b:s0+s21], $0x80, $0x38;
	[tilespmem:$0x10400] =	vst v63  }
0x3e: {  	s0 =	sadd.s32 s3, s6;
	s6 =	sand.u32 $0x1FFFFFF0, s7;
	s7 =	spop (v2sf)  }
0x3f: {  	[tilespmem:s2], [sflag:$0x1] =	stream.linear.gather [hbm4b:s0+s21], $0x80, $0x38;
	[tilespmem:$0x10400] =	vst v63  }
0x40: {  	s0 =	sadd.s32 s3, s5;
	s2 =	sand.u32 $0x1FFFFFF0, s7;
	s5 =	spop (v2sf)  }
0x41: {  	[tilespmem:s31], [sflag:$0x1] =	stream.linear.gather [hbm4b:s0+s21], $0x80, $0x38;
	[tilespmem:$0x10400] =	vst v63  }
0x42: {  	s0 =	sadd.s32 s3, s6;
	s5 =	sand.u32 $0x1FFFFFF0, s5;
	s6 =	spop (v2sf)  }
0x43: {  	[tilespmem:s29], [sflag:$0x1] =	stream.linear.gather [hbm4b:s0+s21], $0x80, $0x38;
	[tilespmem:$0x10400] =	vst v63  }
0x44: {  	s0 =	sadd.s32 s3, s2;
	s2 =	sand.u32 $0x1FFFFFF0, s6;
	s6 =	spop (v2sf)  }
0x45: {  	[tilespmem:s26], [sflag:$0x1] =	stream.linear.gather [hbm4b:s0+s21], $0x80, $0x38;
	[tilespmem:$0x10400] =	vst v63  }
0x46: {  	s0 =	sadd.s32 s3, s5;
	s5 =	sand.u32 $0x1FFFFFF0, s6  }
0x47: {  	[tilespmem:s28], [sflag:$0x1] =	stream.linear.gather [hbm4b:s0+s21], $0x80, $0x38;
	[tilespmem:$0x10400] =	vst v63  }
0x48: {  	s2 =	sadd.s32 s3, s2;
	s0 =	sadd.s32 $0xB00, s22  }
0x49: {  	[tilespmem:s0], [sflag:$0x1] =	stream.linear.gather [hbm4b:s2+s21], $0x80, $0x38;
	[tilespmem:$0x10400] =	vst v63  }
0x4a: {  	s0 =	sadd.s32 $0xB80, s22;
	s2 =	sadd.s32 s3, s5  }
0x4b: {  	[tilespmem:s0], [sflag:$0x1] =	stream.linear.gather [hbm4b:s2+s21], $0x80, $0x38;
	[tilespmem:$0x10400] =	vst v63  }
0x4c: {  	v0 =	vld [tilespmem:s24+$0x0];
	_ =	sdelay $0x4  }
0x4d: {  	v0 =	vshll.u32 v0, $0x4  }
0x4e: {  	(v2sf) =	vpush v0, $0x0  }
0x4f: {  	(v2sf) =	vpush v0, $0x1  }
0x50: {  	(v2sf) =	vpush v0, $0x2;
	_ =	sdelay $0x1  }
0x51: {  	(v2sf) =	vpush v0, $0x4  }
.Ltmp0:
0x52: {  	(pc) =	sbr.rel @p0 .LBB2_2-.Ltmp0, $3  }
0x53: {  	(v2sf) =	vpush v0, $0x3  }
0x54: {  	(v2sf) =	vpush v0, $0x5;
	_ =	sdelay $0x1  }
0x55: {  	s22 =	sshra.s32 s25, $0x2;
	(v2sf) =	vpush v0, $0x6  }
0x56: {  	_ =	sdelay $0x1  }
0x57: {  	s5 =	sadd.s32 $0x480, s22;
	s23 =	sadd.s32 $0x980, s22  }
0x58: {  	s6 =	sadd.s32 $0x780, s22;
	s0 =	sadd.s32 $0xA00, s22;
	(v2sf) =	vpush v0, $0x7;
	s7 =	sadd.s32 $0x680, s22  }
0x59: {  	s8 =	sadd.s32 $0x800, s22;
	s2 =	sadd.s32 $0xA80, s22;
	s9 =	sadd.s32 $0x400, s22  }
0x5a: {  	s10 =	sadd.s32 $0x600, s22;
	s13 =	sadd.s32 $0x700, s22;
	(v2sf) =	vpush v0, $0x8;
	s15 =	spop (v2sf)  }
0x5b: {  	s17 =	sadd.s32 $0x500, s22;
	s15 =	sand.u32 $0x1FFFFFF0, s15;
	s24 =	spop (v2sf)  }
0x5c: {  	(v2sf) =	vpush v0, $0x9;
	s15 =	sadd.s32 s3, s15;
	s24 =	sand.u32 $0x1FFFFFF0, s24;
	s25 =	spop (v2sf)  }
0x5d: {  	[tilespmem:s9], [sflag:$0x1] =	stream.linear.gather [hbm4b:s15+s21], $0x80, $0x38;
	[tilespmem:$0x10400] =	vst v63  }
0x5e: {  	(v2sf) =	vpush v0, $0xA;
	s26 =	sadd.s32 s3, s24;
	s29 =	sand.u32 $0x1FFFFFF0, s25;
	s28 =	spop (v2sf)  }
0x5f: {  	[tilespmem:s5], [sflag:$0x1] =	stream.linear.gather [hbm4b:s26+s21], $0x80, $0x38;
	[tilespmem:$0x10400] =	vst v63  }
0x60: {  	s9 =	sadd.s32 $0x900, s22;
	(v2sf) =	vpush v0, $0xB;
	s15 =	sadd.s32 s3, s29;
	s30 =	spop (v2sf)  }
0x61: {  	s5 =	sadd.s32 $0x880, s22;
	s26 =	sadd.s32 $0x580, s22;
	s25 =	sand.u32 $0x1FFFFFF0, s30  }
0x62: {  	(v2sf) =	vpush v0, $0xC;
	[tilespmem:s17], [sflag:$0x1] =	stream.linear.gather [hbm4b:s15+s21], $0x80, $0x38;
	[tilespmem:$0x10400] =	vst v63  }
0x63: {  	s31 =	sand.u32 $0x1FFFFFF0, s28;
	s28 =	spop (v2sf);
	s29 =	sadd.s32 s3, s25  }
0x64: {  	(v2sf) =	vpush v0, $0xD;
	[tilespmem:s26], [sflag:$0x1] =	stream.linear.gather [hbm4b:s29+s21], $0x80, $0x38;
	[tilespmem:$0x10400] =	vst v63  }
0x65: {  	s15 =	sadd.s32 s3, s31;
	s17 =	sand.u32 $0x1FFFFFF0, s28;
	s30 =	spop (v2sf)  }
0x66: {  	(v2sf) =	vpush v0, $0xE;
	[tilespmem:s10], [sflag:$0x1] =	stream.linear.gather [hbm4b:s15+s21], $0x80, $0x38;
	[tilespmem:$0x10400] =	vst v63  }
0x67: {  	s17 =	sadd.s32 s3, s17;
	s31 =	sand.u32 $0x1FFFFFF0, s30;
	s24 =	spop (v2sf)  }
0x68: {  	(v2sf) =	vpush v0, $0xF;
	[tilespmem:s7], [sflag:$0x1] =	stream.linear.gather [hbm4b:s17+s21], $0x80, $0x38;
	[tilespmem:$0x10400] =	vst v63  }
0x69: {  	s25 =	sand.u32 $0x1FFFFFF0, s24;
	s26 =	spop (v2sf);
	s10 =	sadd.s32 s3, s31  }
0x6a: {  	[tilespmem:s13], [sflag:$0x1] =	stream.linear.gather [hbm4b:s10+s21], $0x80, $0x38;
	[tilespmem:$0x10400] =	vst v63  }
0x6b: {  	s28 =	sand.u32 $0x1FFFFFF0, s26;
	s7 =	sadd.s32 s3, s25;
	s29 =	spop (v2sf)  }
0x6c: {  	[tilespmem:s6], [sflag:$0x1] =	stream.linear.gather [hbm4b:s7+s21], $0x80, $0x38;
	[tilespmem:$0x10400] =	vst v63  }
0x6d: {  	s10 =	sadd.s32 s3, s28;
	s30 =	sand.u32 $0x1FFFFFF0, s29;
	s31 =	spop (v2sf)  }
0x6e: {  	[tilespmem:s8], [sflag:$0x1] =	stream.linear.gather [hbm4b:s10+s21], $0x80, $0x38;
	[tilespmem:$0x10400] =	vst v63  }
0x6f: {  	s7 =	sand.u32 $0x1FFFFFF0, s31;
	s6 =	sadd.s32 s3, s30;
	s10 =	spop (v2sf)  }
0x70: {  	[tilespmem:s5], [sflag:$0x1] =	stream.linear.gather [hbm4b:s6+s21], $0x80, $0x38;
	[tilespmem:$0x10400] =	vst v63  }
0x71: {  	s7 =	sadd.s32 s3, s7;
	s13 =	sand.u32 $0x1FFFFFF0, s10;
	s15 =	spop (v2sf)  }
0x72: {  	[tilespmem:s9], [sflag:$0x1] =	stream.linear.gather [hbm4b:s7+s21], $0x80, $0x38;
	[tilespmem:$0x10400] =	vst v63  }
0x73: {  	s5 =	sadd.s32 s3, s13;
	s6 =	sand.u32 $0x1FFFFFF0, s15;
	s17 =	spop (v2sf)  }
0x74: {  	[tilespmem:s23], [sflag:$0x1] =	stream.linear.gather [hbm4b:s5+s21], $0x80, $0x38;
	[tilespmem:$0x10400] =	vst v63  }
0x75: {  	s24 =	sand.u32 $0x1FFFFFF0, s17;
	s6 =	sadd.s32 s3, s6;
	s25 =	spop (v2sf)  }
0x76: {  	[tilespmem:s0], [sflag:$0x1] =	stream.linear.gather [hbm4b:s6+s21], $0x80, $0x38;
	[tilespmem:$0x10400] =	vst v63  }
0x77: {  	s26 =	sand.u32 $0x1FFFFFF0, s25;
	s28 =	spop (v2sf);
	s5 =	sadd.s32 s3, s24  }
0x78: {  	[tilespmem:s2], [sflag:$0x1] =	stream.linear.gather [hbm4b:s5+s21], $0x80, $0x38;
	[tilespmem:$0x10400] =	vst v63  }
0x79: {  	s30 =	sadd.s32 $0xB00, s22;
	s29 =	sand.u32 $0x1FFFFFF0, s28;
	s0 =	sadd.s32 s3, s26  }
0x7a: {  	[tilespmem:s30], [sflag:$0x1] =	stream.linear.gather [hbm4b:s0+s21], $0x80, $0x38;
	[tilespmem:$0x10400] =	vst v63  }
0x7b: {  	s31 =	sadd.s32 $0xB80, s22;
	s22 =	simm.s32 $0x200;
	s2 =	sadd.s32 s3, s29  }
0x7c: {  	[tilespmem:s31], [sflag:$0x1] =	stream.linear.gather [hbm4b:s2+s21], $0x80, $0x38;
	[tilespmem:$0x10400] =	vst v63  }
0x7d: {  	v0 =	vld [tilespmem:s22+$0x0];
	_ =	sdelay $0x4  }
0x7e: {  	v0 =	vshll.u32 v0, $0x4  }
0x7f: {  	(v2sf) =	vpush v0, $0x0  }
0x80: {  	(v2sf) =	vpush v0, $0x1  }
0x81: {  	(v2sf) =	vpush v0, $0x2;
	_ =	sdelay $0x1  }
0x82: {  	(v2sf) =	vpush v0, $0x4;
	_ =	sdelay $0x1  }
0x83: {  	(v2sf) =	vpush v0, $0x3  }
0x84: {  	(v2sf) =	vpush v0, $0x5  }
0x85: {  	s23 =	simm.s32 $0x2000;
	s21 =	simm.s32 $0x0;
	(v2sf) =	vpush v0, $0x6  }
.LBB2_4:
0x86: {  	p0 =	sne.s32 s23, $0x1E000  }
0x87: {  	s5 =	sadd.s32 $0x8480, s21;
	s28 =	sadd.s32 $0x8980, s21;
	s24 =	smov.u32 s23  }
0x88: {  	s23 =	sadd.s32 $0x2000, s23;
	s30 =	sadd.s32 $0x8780, s21;
	s25 =	sadd.s32 $0x8A00, s21;
	(v2sf) =	vpush v0, $0x7  }
0x89: {  	s13 =	sadd.s32 $0x8680, s21;
	s0 =	sadd.s32 $0x8800, s21;
	s26 =	sadd.s32 $0x8A80, s21  }
0x8a: {  	s6 =	sadd.s32 $0x8400, s21;
	s7 =	sadd.s32 $0x8600, s21;
	(v2sf) =	vpush v0, $0x8  }
0x8b: {  	s8 =	sadd.s32 $0x8700, s21;
	s22 =	sadd.s32 $0x10, s22  }
0x8c: {  	s9 =	sadd.s32 $0x8500, s21;
	s29 =	sadd.s32 $0x8900, s21;
	s2 =	spop (v2sf);
	(v2sf) =	vpush v0, $0x9  }
0x8d: {  	s10 =	sand.u32 $0x1FFFFFF0, s2;
	s2 =	sadd.s32 $0x8880, s21;
	s15 =	spop (v2sf)  }
0x8e: {  	s10 =	sadd.s32 s4, s10;
	s15 =	sand.u32 $0x1FFFFFF0, s15;
	s17 =	spop (v2sf);
	(v2sf) =	vpush v0, $0xA  }
0x8f: {  	[tilespmem:s6], [sflag:$0x2] =	stream.linear.gather [hbm4b:s10+s1], $0x80, $0x38;
	[tilespmem:$0x10400] =	vst v63  }
0x90: {  	s6 =	sadd.s32 s4, s15;
	s10 =	sadd.s32 $0x8580, s21;
	s15 =	spop (v2sf);
	(v2sf) =	vpush v0, $0xB  }
0x91: {  	[tilespmem:s5], [sflag:$0x2] =	stream.linear.gather [hbm4b:s6+s1], $0x80, $0x38;
	[tilespmem:$0x10400] =	vst v63  }
0x92: {  	s5 =	sand.u32 $0x1FFFFFF0, s17;
	s6 =	sand.u32 $0x1FFFFFF0, s15;
	s15 =	spop (v2sf);
	(v2sf) =	vpush v0, $0xC  }
0x93: {  	s5 =	sadd.s32 s4, s5;
	s15 =	sand.u32 $0x1FFFFFF0, s15;
	s17 =	spop (v2sf)  }
0x94: {  	[tilespmem:s9], [sflag:$0x2] =	stream.linear.gather [hbm4b:s5+s1], $0x80, $0x38;
	(v2sf) =	vpush v0, $0xD;
	[tilespmem:$0x10400] =	vst v63  }
0x95: {  	s5 =	sadd.s32 s4, s15;
	s9 =	sand.u32 $0x1FFFFFF0, s17;
	s15 =	spop (v2sf)  }
0x96: {  	[tilespmem:s10], [sflag:$0x2] =	stream.linear.gather [hbm4b:s5+s1], $0x80, $0x38;
	(v2sf) =	vpush v0, $0xE;
	[tilespmem:$0x10400] =	vst v63  }
0x97: {  	s5 =	sadd.s32 s4, s6;
	s6 =	sand.u32 $0x1FFFFFF0, s15;
	s10 =	spop (v2sf)  }
0x98: {  	[tilespmem:s7], [sflag:$0x2] =	stream.linear.gather [hbm4b:s5+s1], $0x80, $0x38;
	(v2sf) =	vpush v0, $0xF;
	[tilespmem:$0x10400] =	vst v63  }
0x99: {  	s5 =	sadd.s32 s4, s9;
	s7 =	sand.u32 $0x1FFFFFF0, s10;
	s9 =	spop (v2sf)  }
0x9a: {  	[tilespmem:s13], [sflag:$0x2] =	stream.linear.gather [hbm4b:s5+s1], $0x80, $0x38;
	[tilespmem:$0x10400] =	vst v63  }
0x9b: {  	s5 =	sadd.s32 s4, s6;
	s6 =	sand.u32 $0x1FFFFFF0, s9;
	s9 =	spop (v2sf)  }
0x9c: {  	[tilespmem:s8], [sflag:$0x2] =	stream.linear.gather [hbm4b:s5+s1], $0x80, $0x38;
	[tilespmem:$0x10400] =	vst v63  }
0x9d: {  	s5 =	sadd.s32 s4, s7;
	s7 =	sand.u32 $0x1FFFFFF0, s9;
	s8 =	spop (v2sf)  }
0x9e: {  	[tilespmem:s30], [sflag:$0x2] =	stream.linear.gather [hbm4b:s5+s1], $0x80, $0x38;
	[tilespmem:$0x10400] =	vst v63  }
0x9f: {  	s5 =	sadd.s32 s4, s6;
	s6 =	sand.u32 $0x1FFFFFF0, s8;
	s8 =	spop (v2sf)  }
0xa0: {  	[tilespmem:s0], [sflag:$0x2] =	stream.linear.gather [hbm4b:s5+s1], $0x80, $0x38;
	[tilespmem:$0x10400] =	vst v63  }
0xa1: {  	s0 =	sadd.s32 s4, s7;
	s5 =	sand.u32 $0x1FFFFFF0, s8;
	s7 =	spop (v2sf)  }
0xa2: {  	[tilespmem:s2], [sflag:$0x2] =	stream.linear.gather [hbm4b:s0+s1], $0x80, $0x38;
	[tilespmem:$0x10400] =	vst v63  }
0xa3: {  	s0 =	sadd.s32 s4, s6;
	s2 =	sand.u32 $0x1FFFFFF0, s7;
	s6 =	spop (v2sf)  }
0xa4: {  	[tilespmem:s29], [sflag:$0x2] =	stream.linear.gather [hbm4b:s0+s1], $0x80, $0x38;
	[tilespmem:$0x10400] =	vst v63  }
0xa5: {  	s0 =	sadd.s32 s4, s5;
	s5 =	sand.u32 $0x1FFFFFF0, s6;
	s6 =	spop (v2sf)  }
0xa6: {  	[tilespmem:s28], [sflag:$0x2] =	stream.linear.gather [hbm4b:s0+s1], $0x80, $0x38;
	[tilespmem:$0x10400] =	vst v63  }
0xa7: {  	s0 =	sadd.s32 s4, s2;
	s2 =	sand.u32 $0x1FFFFFF0, s6;
	s6 =	spop (v2sf)  }
0xa8: {  	[tilespmem:s25], [sflag:$0x2] =	stream.linear.gather [hbm4b:s0+s1], $0x80, $0x38;
	[tilespmem:$0x10400] =	vst v63  }
0xa9: {  	s0 =	sadd.s32 s4, s5;
	s5 =	sand.u32 $0x1FFFFFF0, s6  }
0xaa: {  	[tilespmem:s26], [sflag:$0x2] =	stream.linear.gather [hbm4b:s0+s1], $0x80, $0x38;
	[tilespmem:$0x10400] =	vst v63  }
0xab: {  	s2 =	sadd.s32 s4, s2;
	s0 =	sadd.s32 $0x8B00, s21  }
0xac: {  	[tilespmem:s0], [sflag:$0x2] =	stream.linear.gather [hbm4b:s2+s1], $0x80, $0x38;
	[tilespmem:$0x10400] =	vst v63  }
0xad: {  	s0 =	sadd.s32 $0x8B80, s21;
	s2 =	sadd.s32 s4, s5  }
0xae: {  	[tilespmem:s0], [sflag:$0x2] =	stream.linear.gather [hbm4b:s2+s1], $0x80, $0x38;
	[tilespmem:$0x10400] =	vst v63  }
0xaf: {  	v0 =	vld [tilespmem:s22+$0x0];
	_ =	sdelay $0x4  }
0xb0: {  	v0 =	vshll.u32 v0, $0x4  }
0xb1: {  	(v2sf) =	vpush v0, $0x0  }
0xb2: {  	(v2sf) =	vpush v0, $0x1  }
0xb3: {  	(v2sf) =	vpush v0, $0x2;
	_ =	sdelay $0x1  }
0xb4: {  	(v2sf) =	vpush v0, $0x4  }
.Ltmp1:
0xb5: {  	(pc) =	sbr.rel @p0 .LBB2_4-.Ltmp1, $3  }
0xb6: {  	(v2sf) =	vpush v0, $0x3  }
0xb7: {  	(v2sf) =	vpush v0, $0x5;
	_ =	sdelay $0x1  }
0xb8: {  	s21 =	sshra.s32 s24, $0x2;
	(v2sf) =	vpush v0, $0x6  }
0xb9: {  	_ =	sdelay $0x1  }
0xba: {  	s5 =	sadd.s32 $0x8480, s21;
	s22 =	sadd.s32 $0x8980, s21  }
0xbb: {  	s6 =	sadd.s32 $0x8780, s21;
	s0 =	sadd.s32 $0x8A00, s21;
	(v2sf) =	vpush v0, $0x7;
	s7 =	sadd.s32 $0x8680, s21  }
0xbc: {  	s8 =	sadd.s32 $0x8800, s21;
	s2 =	sadd.s32 $0x8A80, s21;
	s9 =	sadd.s32 $0x8400, s21  }
0xbd: {  	s10 =	sadd.s32 $0x8600, s21;
	s13 =	sadd.s32 $0x8700, s21;
	(v2sf) =	vpush v0, $0x8;
	s15 =	spop (v2sf)  }
0xbe: {  	s17 =	sadd.s32 $0x8500, s21;
	s15 =	sand.u32 $0x1FFFFFF0, s15;
	s23 =	spop (v2sf)  }
0xbf: {  	(v2sf) =	vpush v0, $0x9;
	s15 =	sadd.s32 s4, s15;
	s23 =	sand.u32 $0x1FFFFFF0, s23;
	s24 =	spop (v2sf)  }
0xc0: {  	[tilespmem:s9], [sflag:$0x2] =	stream.linear.gather [hbm4b:s15+s1], $0x80, $0x38;
	[tilespmem:$0x10400] =	vst v63  }
0xc1: {  	s25 =	sadd.s32 $0x8580, s21;
	(v2sf) =	vpush v0, $0xA;
	s28 =	sadd.s32 s4, s23;
	s29 =	spop (v2sf)  }
0xc2: {  	[tilespmem:s5], [sflag:$0x2] =	stream.linear.gather [hbm4b:s28+s1], $0x80, $0x38;
	[tilespmem:$0x10400] =	vst v63  }
0xc3: {  	s9 =	sadd.s32 $0x8900, s21;
	s30 =	sand.u32 $0x1FFFFFF0, s24;
	(v2sf) =	vpush v0, $0xB;
	s31 =	spop (v2sf)  }
0xc4: {  	s15 =	sadd.s32 s4, s30;
	s5 =	sadd.s32 $0x8880, s21;
	s24 =	sand.u32 $0x1FFFFFF0, s31  }
0xc5: {  	(v2sf) =	vpush v0, $0xC;
	[tilespmem:s17], [sflag:$0x2] =	stream.linear.gather [hbm4b:s15+s1], $0x80, $0x38;
	[tilespmem:$0x10400] =	vst v63  }
0xc6: {  	s26 =	sand.u32 $0x1FFFFFF0, s29;
	s28 =	spop (v2sf);
	s29 =	sadd.s32 s4, s24  }
0xc7: {  	(v2sf) =	vpush v0, $0xD;
	[tilespmem:s25], [sflag:$0x2] =	stream.linear.gather [hbm4b:s29+s1], $0x80, $0x38;
	[tilespmem:$0x10400] =	vst v63  }
0xc8: {  	s15 =	sadd.s32 s4, s26;
	s17 =	sand.u32 $0x1FFFFFF0, s28;
	s30 =	spop (v2sf)  }
0xc9: {  	(v2sf) =	vpush v0, $0xE;
	[tilespmem:s10], [sflag:$0x2] =	stream.linear.gather [hbm4b:s15+s1], $0x80, $0x38;
	[tilespmem:$0x10400] =	vst v63  }
0xca: {  	s17 =	sadd.s32 s4, s17;
	s31 =	sand.u32 $0x1FFFFFF0, s30;
	s23 =	spop (v2sf)  }
0xcb: {  	(v2sf) =	vpush v0, $0xF;
	[tilespmem:s7], [sflag:$0x2] =	stream.linear.gather [hbm4b:s17+s1], $0x80, $0x38;
	[tilespmem:$0x10400] =	vst v63  }
0xcc: {  	s24 =	sand.u32 $0x1FFFFFF0, s23;
	s25 =	spop (v2sf);
	s10 =	sadd.s32 s4, s31  }
0xcd: {  	[tilespmem:s13], [sflag:$0x2] =	stream.linear.gather [hbm4b:s10+s1], $0x80, $0x38;
	[tilespmem:$0x10400] =	vst v63  }
0xce: {  	s26 =	sand.u32 $0x1FFFFFF0, s25;
	s7 =	sadd.s32 s4, s24;
	s28 =	spop (v2sf)  }
0xcf: {  	[tilespmem:s6], [sflag:$0x2] =	stream.linear.gather [hbm4b:s7+s1], $0x80, $0x38;
	[tilespmem:$0x10400] =	vst v63  }
0xd0: {  	s10 =	sadd.s32 s4, s26;
	s29 =	sand.u32 $0x1FFFFFF0, s28;
	s30 =	spop (v2sf)  }
0xd1: {  	[tilespmem:s8], [sflag:$0x2] =	stream.linear.gather [hbm4b:s10+s1], $0x80, $0x38;
	[tilespmem:$0x10400] =	vst v63  }
0xd2: {  	s7 =	sand.u32 $0x1FFFFFF0, s30;
	s6 =	sadd.s32 s4, s29;
	s31 =	spop (v2sf)  }
0xd3: {  	[tilespmem:s5], [sflag:$0x2] =	stream.linear.gather [hbm4b:s6+s1], $0x80, $0x38;
	[tilespmem:$0x10400] =	vst v63  }
0xd4: {  	s7 =	sadd.s32 s4, s7;
	s8 =	sand.u32 $0x1FFFFFF0, s31;
	s10 =	spop (v2sf)  }
0xd5: {  	[tilespmem:s9], [sflag:$0x2] =	stream.linear.gather [hbm4b:s7+s1], $0x80, $0x38;
	[tilespmem:$0x10400] =	vst v63  }
0xd6: {  	s5 =	sadd.s32 s4, s8;
	s6 =	sand.u32 $0x1FFFFFF0, s10;
	s13 =	spop (v2sf)  }
0xd7: {  	[tilespmem:s22], [sflag:$0x2] =	stream.linear.gather [hbm4b:s5+s1], $0x80, $0x38;
	[tilespmem:$0x10400] =	vst v63  }
0xd8: {  	s15 =	sand.u32 $0x1FFFFFF0, s13;
	s6 =	sadd.s32 s4, s6;
	s17 =	spop (v2sf)  }
0xd9: {  	[tilespmem:s0], [sflag:$0x2] =	stream.linear.gather [hbm4b:s6+s1], $0x80, $0x38;
	[tilespmem:$0x10400] =	vst v63  }
0xda: {  	s22 =	sand.u32 $0x1FFFFFF0, s17;
	s23 =	spop (v2sf);
	s5 =	sadd.s32 s4, s15  }
0xdb: {  	[tilespmem:s2], [sflag:$0x2] =	stream.linear.gather [hbm4b:s5+s1], $0x80, $0x38;
	[tilespmem:$0x10400] =	vst v63  }
0xdc: {  	s25 =	sadd.s32 $0x8B00, s21;
	s24 =	sand.u32 $0x1FFFFFF0, s23;
	s0 =	sadd.s32 s4, s22  }
0xdd: {  	[tilespmem:s25], [sflag:$0x2] =	stream.linear.gather [hbm4b:s0+s1], $0x80, $0x38;
	[tilespmem:$0x10400] =	vst v63  }
0xde: {  	s26 =	sadd.s32 $0x8B80, s21;
	s2 =	sadd.s32 s4, s24  }
0xdf: {  	[tilespmem:s26], [sflag:$0x2] =	stream.linear.gather [hbm4b:s2+s1], $0x80, $0x38;
	[tilespmem:$0x10400] =	vst v63  }
0xe0: {  	_ =	swait.ge [sflag:s14], $0x8000  }
0xe1: {  	[sflag:s14] =	ssyncset.done $0x0  }
0xe2: {  	s21 =	simm.s32 $0x0;
	[sflag:s14] =	ssyncadd.s32 $0xFFFF8000  }
0xe3: {  	v0 =	vld [tilespmem:s21+$0x410]  }
0xe4: {  	v1 =	vld [tilespmem:s21+$0x400];
	_ =	sdelay $0x1  }
0xe5: {  	v2 =	vld [tilespmem:s21+$0x420];
	_ =	sdelay $0x1  }
0xe6: {  	v3 =	vld [tilespmem:s21+$0x430]  }
0xe7: {  	v4 =	vmul.f32 v1, v1;
	v5 =	vmul.f32 v0, v0;
	_ =	sdelay $0x1  }
0xe8: {  	v62 =	vmul.f32 v2, v2;
	v4 =	vadd.f32 v5, v4;
	_ =	sdelay $0x1  }
0xe9: {  	v63 =	vmul.f32 v3, v3;
	v4 =	vadd.f32 v62, v4;
	_ =	sdelay $0x1  }
0xea: {  	v4 =	vadd.f32 v63, v4;
	_ =	sdelay $0x1  }
0xeb: {  	(xrf2) =	vadd.scan.msk.f32 $0xffff, v4;
	_ =	sdelay $0x9  }
0xec: {  	v4, _, _ =	vpop (xrf2)  }
0xed: {  	(v2sf) =	vpush v4, $0xF;
	_ =	sdelay $0xe  }
0xee: {  	s28 =	spop (v2sf)  }
0xef: {  	s29 =	sshrl.u32 s28, $0x1;
	s30 =	smul.f32 $5.000000000e-01, s28  }
0xf0: {  	s2 =	ssub.s32 $0x5F3759DF, s29  }
0xf1: {  	s31 =	smul.f32 s2, s30;
	_ =	sdelay $0x1  }
0xf2: {  	s6 =	smul.f32 s2, s31;
	_ =	sdelay $0x1  }
0xf3: {  	s6 =	ssub.f32 $1.500000000e+00, s6;
	_ =	sdelay $0x1  }
0xf4: {  	s2 =	smul.f32 s2, s6;
	_ =	sdelay $0x1  }
0xf5: {  	s6 =	smul.f32 s2, s30;
	_ =	sdelay $0x1  }
0xf6: {  	s6 =	smul.f32 s6, s2;
	_ =	sdelay $0x1  }
0xf7: {  	s6 =	ssub.f32 $1.500000000e+00, s6;
	_ =	sdelay $0x1  }
0xf8: {  	s2 =	smul.f32 s6, s2;
	_ =	sdelay $0x1  }
0xf9: {  	s5 =	smul.f32 s2, s30;
	_ =	sdelay $0x1  }
0xfa: {  	s5 =	smul.f32 s5, s2;
	_ =	sdelay $0x1  }
0xfb: {  	s5 =	ssub.f32 $1.500000000e+00, s5;
	_ =	sdelay $0x1  }
0xfc: {  	s2 =	smul.f32 s5, s2;
	_ =	sdelay $0x1  }
0xfd: {  	s0 =	smul.f32 s2, s28;
	_ =	sdelay $0x1  }
0xfe: {  	p0 =	sgt.f32 s0, $9.999999960e-13;
	_ =	sdelay $0x1  }
0xff: {  	s2 =	simm.s32 @!p0 $0x5368D4A5  }
0x100: {  	v1 =	vmul.f32 s2, v1  }
0x101: {  	v0 =	vmul.f32 s2, v0  }
0x102: {  	v2 =	vmul.f32 s2, v2;
	[tilespmem:s21+$0x400] =	vst v1  }
0x103: {  	s0 =	simm.s32 $0x80;
	[tilespmem:s21+$0x410] =	vst v0;
	v1 =	vmul.f32 s2, v3  }
0x104: {  	s22 =	simm.s32 $0x400;
	v0 =	vld [tilespmem:s0+$0x410];
	[tilespmem:s21+$0x420] =	vst v2  }
.LBB2_6:
0x105: {  	p0 =	sne.s32 s22, $0x1FE00;
	v2 =	vld [tilespmem:s0+$0x400];
	[tilespmem:s21+$0x430] =	vst v1;
	s21 =	smov.u32 s0;
	_ =	sdelay $0x1  }
0x106: {  	v1 =	vld [tilespmem:s21+$0x420];
	_ =	sdelay $0x1  }
0x107: {  	v3 =	vld [tilespmem:s21+$0x430]  }
0x108: {  	v5 =	vmul.f32 v0, v0;
	v4 =	vmul.f32 v2, v2;
	_ =	sdelay $0x1  }
0x109: {  	v4 =	vadd.f32 v5, v4;
	v5 =	vmul.f32 v1, v1;
	_ =	sdelay $0x1  }
0x10a: {  	v4 =	vadd.f32 v5, v4;
	v5 =	vmul.f32 v3, v3;
	_ =	sdelay $0x1  }
0x10b: {  	v4 =	vadd.f32 v5, v4;
	_ =	sdelay $0x1  }
0x10c: {  	(xrf2) =	vadd.scan.msk.f32 $0xffff, v4;
	_ =	sdelay $0x9  }
0x10d: {  	v4, _, _ =	vpop (xrf2)  }
0x10e: {  	(v2sf) =	vpush v4, $0xF;
	_ =	sdelay $0xe  }
0x10f: {  	s0 =	spop (v2sf)  }
0x110: {  	s2 =	sshrl.u32 s0, $0x1;
	s5 =	smul.f32 $5.000000000e-01, s0  }
0x111: {  	s2 =	ssub.s32 $0x5F3759DF, s2  }
0x112: {  	s6 =	smul.f32 s2, s5;
	_ =	sdelay $0x1  }
0x113: {  	s6 =	smul.f32 s2, s6;
	_ =	sdelay $0x1  }
0x114: {  	s6 =	ssub.f32 $1.500000000e+00, s6;
	_ =	sdelay $0x1  }
0x115: {  	s2 =	smul.f32 s2, s6;
	_ =	sdelay $0x1  }
0x116: {  	s6 =	smul.f32 s2, s5;
	_ =	sdelay $0x1  }
0x117: {  	s6 =	smul.f32 s6, s2;
	_ =	sdelay $0x1  }
0x118: {  	s6 =	ssub.f32 $1.500000000e+00, s6;
	_ =	sdelay $0x1  }
0x119: {  	s2 =	smul.f32 s6, s2;
	_ =	sdelay $0x1  }
0x11a: {  	s5 =	smul.f32 s2, s5;
	_ =	sdelay $0x1  }
0x11b: {  	s5 =	smul.f32 s5, s2;
	_ =	sdelay $0x1  }
0x11c: {  	s5 =	ssub.f32 $1.500000000e+00, s5;
	_ =	sdelay $0x1  }
0x11d: {  	s2 =	smul.f32 s5, s2;
	_ =	sdelay $0x1  }
0x11e: {  	s0 =	smul.f32 s2, s0;
	_ =	sdelay $0x1  }
0x11f: {  	p1 =	sgt.f32 s0, $9.999999960e-13;
	_ =	sdelay $0x1  }
0x120: {  	s2 =	simm.s32 @!p1 $0x5368D4A5  }
.Ltmp2:
0x121: {  	v2 =	vmul.f32 s2, v2;
	v0 =	vmul.f32 s2, v0;
	(pc) =	sbr.rel @p0 .LBB2_6-.Ltmp2, $4  }
0x122: {  	v4 =	vmul.f32 s2, v1;
	v1 =	vmul.f32 s2, v3  }
0x123: {  	[tilespmem:s21+$0x400] =	vst v2  }
0x124: {  	s0 =	sshra.s32 s22, $0x2;
	[tilespmem:s21+$0x410] =	vst v0  }
0x125: {  	s22 =	sadd.s32 $0x200, s22;
	v0 =	vld [tilespmem:s0+$0x410];
	[tilespmem:s21+$0x420] =	vst v4  }
0x126: {  	v2 =	vld [tilespmem:s0+$0x400]  }
0x127: {  	[tilespmem:s21+$0x430] =	vst v1  }
0x128: {  	v1 =	vld [tilespmem:s0+$0x420];
	_ =	sdelay $0x1  }
0x129: {  	v3 =	vld [tilespmem:s0+$0x430]  }
0x12a: {  	v5 =	vmul.f32 v0, v0;
	v4 =	vmul.f32 v2, v2;
	_ =	sdelay $0x1  }
0x12b: {  	v58 =	vmul.f32 v1, v1;
	v4 =	vadd.f32 v5, v4;
	_ =	sdelay $0x1  }
0x12c: {  	v59 =	vmul.f32 v3, v3;
	v4 =	vadd.f32 v58, v4;
	_ =	sdelay $0x1  }
0x12d: {  	v4 =	vadd.f32 v59, v4;
	_ =	sdelay $0x1  }
0x12e: {  	(xrf2) =	vadd.scan.msk.f32 $0xffff, v4;
	_ =	sdelay $0x9  }
0x12f: {  	v4, _, _ =	vpop (xrf2)  }
0x130: {  	(v2sf) =	vpush v4, $0xF;
	_ =	sdelay $0xe  }
0x131: {  	s2 =	spop (v2sf)  }
0x132: {  	s5 =	sshrl.u32 s2, $0x1;
	s6 =	smul.f32 $5.000000000e-01, s2  }
0x133: {  	s5 =	ssub.s32 $0x5F3759DF, s5  }
0x134: {  	s7 =	smul.f32 s5, s6;
	_ =	sdelay $0x1  }
0x135: {  	s7 =	smul.f32 s5, s7;
	_ =	sdelay $0x1  }
0x136: {  	s7 =	ssub.f32 $1.500000000e+00, s7;
	_ =	sdelay $0x1  }
0x137: {  	s5 =	smul.f32 s5, s7;
	_ =	sdelay $0x1  }
0x138: {  	s7 =	smul.f32 s5, s6;
	_ =	sdelay $0x1  }
0x139: {  	s7 =	smul.f32 s7, s5;
	_ =	sdelay $0x1  }
0x13a: {  	s7 =	ssub.f32 $1.500000000e+00, s7;
	_ =	sdelay $0x1  }
0x13b: {  	s5 =	smul.f32 s7, s5;
	_ =	sdelay $0x1  }
0x13c: {  	s6 =	smul.f32 s5, s6;
	_ =	sdelay $0x1  }
0x13d: {  	s6 =	smul.f32 s6, s5;
	_ =	sdelay $0x1  }
0x13e: {  	s6 =	ssub.f32 $1.500000000e+00, s6;
	_ =	sdelay $0x1  }
0x13f: {  	s5 =	smul.f32 s6, s5;
	_ =	sdelay $0x1  }
0x140: {  	s2 =	smul.f32 s5, s2;
	_ =	sdelay $0x1  }
0x141: {  	p0 =	sgt.f32 s2, $9.999999960e-13;
	_ =	sdelay $0x1  }
0x142: {  	s5 =	simm.s32 @!p0 $0x5368D4A5  }
0x143: {  	v2 =	vmul.f32 s5, v2  }
0x144: {  	v0 =	vmul.f32 s5, v0  }
0x145: {  	v1 =	vmul.f32 s5, v1;
	[tilespmem:s0+$0x400] =	vst v2  }
0x146: {  	v2 =	vmul.f32 s5, v3;
	[tilespmem:s0+$0x410] =	vst v0  }
0x147: {  	[tilespmem:s0+$0x420] =	vst v1  }
0x148: {  	s25 =	simm.s32 $0x0;
	s26 =	rddreg [dreg:$0x6];
	[tilespmem:s0+$0x430] =	vst v2  }
0x149: {  	[hbm4b:s26+s25] =	stream.linear.scatter [tilespmem:s11], [sflag:$0x3], $0x8000, $0x38;
	[tilespmem:$0x10400] =	vst v63  }
0x14a: {  	_ =	swait.ge [sflag:s16], $0x8000  }
0x14b: {  	[sflag:s16] =	ssyncset.done $0x0  }
0x14c: {  	s21 =	simm.s32 $0x0;
	[sflag:s16] =	ssyncadd.s32 $0xFFFF8000  }
0x14d: {  	v0 =	vld [tilespmem:s21+$0x8410]  }
0x14e: {  	v1 =	vld [tilespmem:s21+$0x8400];
	_ =	sdelay $0x1  }
0x14f: {  	v2 =	vld [tilespmem:s21+$0x8420];
	_ =	sdelay $0x1  }
0x150: {  	v3 =	vld [tilespmem:s21+$0x8430]  }
0x151: {  	v60 =	vmul.f32 v1, v1;
	v61 =	vmul.f32 v0, v0;
	_ =	sdelay $0x1  }
0x152: {  	v62 =	vmul.f32 v2, v2;
	v4 =	vadd.f32 v61, v60;
	_ =	sdelay $0x1  }
0x153: {  	v63 =	vmul.f32 v3, v3;
	v4 =	vadd.f32 v62, v4;
	_ =	sdelay $0x1  }
0x154: {  	v4 =	vadd.f32 v63, v4;
	_ =	sdelay $0x1  }
0x155: {  	(xrf2) =	vadd.scan.msk.f32 $0xffff, v4;
	_ =	sdelay $0x9  }
0x156: {  	v4, _, _ =	vpop (xrf2)  }
0x157: {  	(v2sf) =	vpush v4, $0xF;
	_ =	sdelay $0xe  }
0x158: {  	s28 =	spop (v2sf)  }
0x159: {  	s29 =	sshrl.u32 s28, $0x1;
	s30 =	smul.f32 $5.000000000e-01, s28  }
0x15a: {  	s2 =	ssub.s32 $0x5F3759DF, s29  }
0x15b: {  	s31 =	smul.f32 s2, s30;
	_ =	sdelay $0x1  }
0x15c: {  	s6 =	smul.f32 s2, s31;
	_ =	sdelay $0x1  }
0x15d: {  	s6 =	ssub.f32 $1.500000000e+00, s6;
	_ =	sdelay $0x1  }
0x15e: {  	s2 =	smul.f32 s2, s6;
	_ =	sdelay $0x1  }
0x15f: {  	s6 =	smul.f32 s2, s30;
	_ =	sdelay $0x1  }
0x160: {  	s6 =	smul.f32 s6, s2;
	_ =	sdelay $0x1  }
0x161: {  	s6 =	ssub.f32 $1.500000000e+00, s6;
	_ =	sdelay $0x1  }
0x162: {  	s2 =	smul.f32 s6, s2;
	_ =	sdelay $0x1  }
0x163: {  	s5 =	smul.f32 s2, s30;
	_ =	sdelay $0x1  }
0x164: {  	s5 =	smul.f32 s5, s2;
	_ =	sdelay $0x1  }
0x165: {  	s5 =	ssub.f32 $1.500000000e+00, s5;
	_ =	sdelay $0x1  }
0x166: {  	s2 =	smul.f32 s5, s2;
	_ =	sdelay $0x1  }
0x167: {  	s0 =	smul.f32 s2, s28;
	_ =	sdelay $0x1  }
0x168: {  	p0 =	sgt.f32 s0, $9.999999960e-13;
	_ =	sdelay $0x1  }
0x169: {  	s2 =	simm.s32 @!p0 $0x5368D4A5  }
0x16a: {  	v1 =	vmul.f32 s2, v1  }
0x16b: {  	v0 =	vmul.f32 s2, v0  }
0x16c: {  	v2 =	vmul.f32 s2, v2;
	[tilespmem:s21+$0x8400] =	vst v1  }
0x16d: {  	s0 =	simm.s32 $0x80;
	[tilespmem:s21+$0x8410] =	vst v0;
	v1 =	vmul.f32 s2, v3  }
0x16e: {  	s22 =	simm.s32 $0x400;
	v0 =	vld [tilespmem:s0+$0x8410];
	[tilespmem:s21+$0x8420] =	vst v2  }
.LBB2_8:
0x16f: {  	p0 =	sne.s32 s22, $0x1FE00;
	v2 =	vld [tilespmem:s0+$0x8400];
	[tilespmem:s21+$0x8430] =	vst v1;
	s21 =	smov.u32 s0;
	_ =	sdelay $0x1  }
0x170: {  	v1 =	vld [tilespmem:s21+$0x8420];
	_ =	sdelay $0x1  }
0x171: {  	v3 =	vld [tilespmem:s21+$0x8430]  }
0x172: {  	v5 =	vmul.f32 v0, v0;
	v4 =	vmul.f32 v2, v2;
	_ =	sdelay $0x1  }
0x173: {  	v4 =	vadd.f32 v5, v4;
	v5 =	vmul.f32 v1, v1;
	_ =	sdelay $0x1  }
0x174: {  	v4 =	vadd.f32 v5, v4;
	v5 =	vmul.f32 v3, v3;
	_ =	sdelay $0x1  }
0x175: {  	v4 =	vadd.f32 v5, v4;
	_ =	sdelay $0x1  }
0x176: {  	(xrf2) =	vadd.scan.msk.f32 $0xffff, v4;
	_ =	sdelay $0x9  }
0x177: {  	v4, _, _ =	vpop (xrf2)  }
0x178: {  	(v2sf) =	vpush v4, $0xF;
	_ =	sdelay $0xe  }
0x179: {  	s0 =	spop (v2sf)  }
0x17a: {  	s2 =	sshrl.u32 s0, $0x1;
	s5 =	smul.f32 $5.000000000e-01, s0  }
0x17b: {  	s2 =	ssub.s32 $0x5F3759DF, s2  }
0x17c: {  	s6 =	smul.f32 s2, s5;
	_ =	sdelay $0x1  }
0x17d: {  	s6 =	smul.f32 s2, s6;
	_ =	sdelay $0x1  }
0x17e: {  	s6 =	ssub.f32 $1.500000000e+00, s6;
	_ =	sdelay $0x1  }
0x17f: {  	s2 =	smul.f32 s2, s6;
	_ =	sdelay $0x1  }
0x180: {  	s6 =	smul.f32 s2, s5;
	_ =	sdelay $0x1  }
0x181: {  	s6 =	smul.f32 s6, s2;
	_ =	sdelay $0x1  }
0x182: {  	s6 =	ssub.f32 $1.500000000e+00, s6;
	_ =	sdelay $0x1  }
0x183: {  	s2 =	smul.f32 s6, s2;
	_ =	sdelay $0x1  }
0x184: {  	s5 =	smul.f32 s2, s5;
	_ =	sdelay $0x1  }
0x185: {  	s5 =	smul.f32 s5, s2;
	_ =	sdelay $0x1  }
0x186: {  	s5 =	ssub.f32 $1.500000000e+00, s5;
	_ =	sdelay $0x1  }
0x187: {  	s2 =	smul.f32 s5, s2;
	_ =	sdelay $0x1  }
0x188: {  	s0 =	smul.f32 s2, s0;
	_ =	sdelay $0x1  }
0x189: {  	p1 =	sgt.f32 s0, $9.999999960e-13;
	_ =	sdelay $0x1  }
0x18a: {  	s2 =	simm.s32 @!p1 $0x5368D4A5  }
.Ltmp3:
0x18b: {  	v2 =	vmul.f32 s2, v2;
	v0 =	vmul.f32 s2, v0;
	(pc) =	sbr.rel @p0 .LBB2_8-.Ltmp3, $4  }
0x18c: {  	v4 =	vmul.f32 s2, v1;
	v1 =	vmul.f32 s2, v3  }
0x18d: {  	[tilespmem:s21+$0x8400] =	vst v2  }
0x18e: {  	s0 =	sshra.s32 s22, $0x2;
	[tilespmem:s21+$0x8410] =	vst v0  }
0x18f: {  	s22 =	sadd.s32 $0x200, s22;
	v0 =	vld [tilespmem:s0+$0x8410];
	[tilespmem:s21+$0x8420] =	vst v4  }
0x190: {  	v2 =	vld [tilespmem:s0+$0x8400]  }
0x191: {  	[tilespmem:s21+$0x8430] =	vst v1  }
0x192: {  	v1 =	vld [tilespmem:s0+$0x8420];
	_ =	sdelay $0x1  }
0x193: {  	v3 =	vld [tilespmem:s0+$0x8430]  }
0x194: {  	v5 =	vmul.f32 v0, v0;
	v4 =	vmul.f32 v2, v2;
	_ =	sdelay $0x1  }
0x195: {  	v62 =	vmul.f32 v1, v1;
	v4 =	vadd.f32 v5, v4;
	_ =	sdelay $0x1  }
0x196: {  	v63 =	vmul.f32 v3, v3;
	v4 =	vadd.f32 v62, v4;
	_ =	sdelay $0x1  }
0x197: {  	v4 =	vadd.f32 v63, v4;
	_ =	sdelay $0x1  }
0x198: {  	(xrf2) =	vadd.scan.msk.f32 $0xffff, v4;
	_ =	sdelay $0x9  }
0x199: {  	v4, _, _ =	vpop (xrf2)  }
0x19a: {  	(v2sf) =	vpush v4, $0xF;
	_ =	sdelay $0xe  }
0x19b: {  	s2 =	spop (v2sf)  }
0x19c: {  	s5 =	sshrl.u32 s2, $0x1;
	s6 =	smul.f32 $5.000000000e-01, s2  }
0x19d: {  	s5 =	ssub.s32 $0x5F3759DF, s5  }
0x19e: {  	s7 =	smul.f32 s5, s6;
	_ =	sdelay $0x1  }
0x19f: {  	s7 =	smul.f32 s5, s7;
	_ =	sdelay $0x1  }
0x1a0: {  	s7 =	ssub.f32 $1.500000000e+00, s7;
	_ =	sdelay $0x1  }
0x1a1: {  	s5 =	smul.f32 s5, s7;
	_ =	sdelay $0x1  }
0x1a2: {  	s7 =	smul.f32 s5, s6;
	_ =	sdelay $0x1  }
0x1a3: {  	s7 =	smul.f32 s7, s5;
	_ =	sdelay $0x1  }
0x1a4: {  	s7 =	ssub.f32 $1.500000000e+00, s7;
	_ =	sdelay $0x1  }
0x1a5: {  	s5 =	smul.f32 s7, s5;
	_ =	sdelay $0x1  }
0x1a6: {  	s6 =	smul.f32 s5, s6;
	_ =	sdelay $0x1  }
0x1a7: {  	s6 =	smul.f32 s6, s5;
	_ =	sdelay $0x1  }
0x1a8: {  	s6 =	ssub.f32 $1.500000000e+00, s6;
	_ =	sdelay $0x1  }
0x1a9: {  	s5 =	smul.f32 s6, s5;
	_ =	sdelay $0x1  }
0x1aa: {  	s2 =	smul.f32 s5, s2;
	_ =	sdelay $0x1  }
0x1ab: {  	p0 =	sgt.f32 s2, $9.999999960e-13;
	_ =	sdelay $0x1  }
0x1ac: {  	s5 =	simm.s32 @!p0 $0x5368D4A5  }
0x1ad: {  	v2 =	vmul.f32 s5, v2  }
0x1ae: {  	v0 =	vmul.f32 s5, v0  }
0x1af: {  	v1 =	vmul.f32 s5, v1;
	[tilespmem:s0+$0x8400] =	vst v2  }
0x1b0: {  	v2 =	vmul.f32 s5, v3;
	[tilespmem:s0+$0x8410] =	vst v0  }
0x1b1: {  	[tilespmem:s0+$0x8420] =	vst v1  }
0x1b2: {  	s21 =	simm.s32 $0x0;
	s30 =	rddreg [dreg:$0x7];
	s31 =	simm.s32 $0x8400;
	[tilespmem:s0+$0x8430] =	vst v2  }
0x1b3: {  	[hbm4b:s30+s21] =	stream.linear.scatter [tilespmem:s31], [sflag:$0x4], $0x8000, $0x38;
	[tilespmem:$0x10400] =	vst v63  }
0x1b4: {  	_ =	swait.ge [sflag:s18], $0x8000  }
0x1b5: {  	[sflag:s18] =	ssyncset.done $0x0  }
0x1b6: {  	[sflag:s18] =	ssyncadd.s32 $0xFFFF8000  }
0x1b7: {  	_ =	swait.ge [sflag:s19], $0x8000  }
0x1b8: {  	[sflag:s19] =	ssyncset.done $0x0  }
0x1b9: {  	s22 =	sand.u32 $0xF0, s21;
	[sflag:s19] =	ssyncadd.s32 $0xFFFF8000  }
0x1ba: {  	v0 =	vld [tilespmem:s22+$0x100];
	_ =	sdelay $0x4  }
0x1bb: {  	v0 =	vshll.u32 v0, $0x4  }
0x1bc: {  	(v2sf) =	vpush v0, $0x0  }
0x1bd: {  	(v2sf) =	vpush v0, $0x2  }
0x1be: {  	(v2sf) =	vpush v0, $0x1;
	_ =	sdelay $0x1  }
0x1bf: {  	(v2sf) =	vpush v0, $0x3  }
0x1c0: {  	(v2sf) =	vpush v0, $0x4;
	_ =	sdelay $0x2  }
0x1c1: {  	s23 =	simm.s32 $0x2000;
	s25 =	simm.s32 $0x10;
	s24 =	simm.s32 $0x0  }
.LBB2_10:
0x1c2: {  	p0 =	sne.s32 s23, $0x1E000;
	(v2sf) =	vpush v0, $0x5;
	s0 =	smov.u32 s23;
	s23 =	sadd.s32 $0x2000, s23  }
0x1c3: {  	s26 =	sshra.s32 s24, $0x2;
	s24 =	smov.u32 s0  }
0x1c4: {  	s5 =	sadd.s32 $0x480, s26;
	(v2sf) =	vpush v0, $0x6  }
0x1c5: {  	s6 =	sadd.s32 $0x400, s26  }
0x1c6: {  	s30 =	sadd.s32 $0x980, s26;
	s29 =	sadd.s32 $0xA00, s26;
	s28 =	sadd.s32 $0xA80, s26;
	(v2sf) =	vpush v0, $0x7  }
0x1c7: {  	s2 =	sadd.s32 $0x800, s26;
	s0 =	sadd.s32 $0x880, s26;
	s31 =	sadd.s32 $0x900, s26  }
0x1c8: {  	s7 =	sadd.s32 $0x700, s26;
	s13 =	sadd.s32 $0x780, s26;
	s8 =	spop (v2sf);
	(v2sf) =	vpush v0, $0x8  }
0x1c9: {  	s9 =	sadd.s32 $0x500, s26;
	s8 =	sand.u32 $0x1FFFFFF0, s8;
	s10 =	spop (v2sf)  }
0x1ca: {  	s15 =	sadd.s32 $0x680, s26;
	s8 =	sadd.s32 s3, s8;
	s17 =	spop (v2sf);
	(v2sf) =	vpush v0, $0x9  }
0x1cb: {  	[tilespmem:s6], [sflag:$0x1] =	stream.linear.gather [hbm4b:s8+s21], $0x80, $0x38;
	[tilespmem:$0x10400] =	vst v63  }
0x1cc: {  	s6 =	sand.u32 $0x1FFFFFF0, s17;
	s8 =	sand.u32 $0x1FFFFFF0, s10;
	s10 =	spop (v2sf);
	(v2sf) =	vpush v0, $0xA  }
0x1cd: {  	s17 =	sadd.s32 $0x600, s26;
	s6 =	sadd.s32 s3, s6;
	s11 =	spop (v2sf)  }
0x1ce: {  	[tilespmem:s5], [sflag:$0x1] =	stream.linear.gather [hbm4b:s6+s21], $0x80, $0x38;
	(v2sf) =	vpush v0, $0xB;
	[tilespmem:$0x10400] =	vst v63  }
0x1cf: {  	s5 =	sadd.s32 s3, s8;
	s6 =	sand.u32 $0x1FFFFFF0, s10;
	s8 =	sand.u32 $0x1FFFFFF0, s11  }
0x1d0: {  	[tilespmem:s9], [sflag:$0x1] =	stream.linear.gather [hbm4b:s5+s21], $0x80, $0x38;
	(v2sf) =	vpush v0, $0xC;
	[tilespmem:$0x10400] =	vst v63  }
0x1d1: {  	s6 =	sadd.s32 s3, s6;
	s5 =	sadd.s32 $0x580, s26;
	s9 =	spop (v2sf)  }
0x1d2: {  	[tilespmem:s5], [sflag:$0x1] =	stream.linear.gather [hbm4b:s6+s21], $0x80, $0x38;
	(v2sf) =	vpush v0, $0xD;
	[tilespmem:$0x10400] =	vst v63  }
0x1d3: {  	s5 =	sadd.s32 s3, s8;
	s6 =	sand.u32 $0x1FFFFFF0, s9;
	s8 =	spop (v2sf)  }
0x1d4: {  	[tilespmem:s17], [sflag:$0x1] =	stream.linear.gather [hbm4b:s5+s21], $0x80, $0x38;
	(v2sf) =	vpush v0, $0xE;
	[tilespmem:$0x10400] =	vst v63  }
0x1d5: {  	s5 =	sadd.s32 s3, s6;
	s6 =	sand.u32 $0x1FFFFFF0, s8;
	s8 =	spop (v2sf)  }
0x1d6: {  	[tilespmem:s15], [sflag:$0x1] =	stream.linear.gather [hbm4b:s5+s21], $0x80, $0x38;
	(v2sf) =	vpush v0, $0xF;
	[tilespmem:$0x10400] =	vst v63  }
0x1d7: {  	s5 =	sadd.s32 s3, s6;
	s6 =	sand.u32 $0x1FFFFFF0, s8;
	s8 =	spop (v2sf)  }
0x1d8: {  	[tilespmem:s7], [sflag:$0x1] =	stream.linear.gather [hbm4b:s5+s21], $0x80, $0x38;
	[tilespmem:$0x10400] =	vst v63  }
0x1d9: {  	s5 =	sadd.s32 s3, s6;
	s6 =	sand.u32 $0x1FFFFFF0, s8;
	s7 =	spop (v2sf)  }
0x1da: {  	[tilespmem:s13], [sflag:$0x1] =	stream.linear.gather [hbm4b:s5+s21], $0x80, $0x38;
	[tilespmem:$0x10400] =	vst v63  }
0x1db: {  	s5 =	sadd.s32 s3, s6;
	s6 =	sand.u32 $0x1FFFFFF0, s7;
	s7 =	spop (v2sf)  }
0x1dc: {  	[tilespmem:s2], [sflag:$0x1] =	stream.linear.gather [hbm4b:s5+s21], $0x80, $0x38;
	[tilespmem:$0x10400] =	vst v63  }
0x1dd: {  	s2 =	sadd.s32 s3, s6;
	s5 =	sand.u32 $0x1FFFFFF0, s7;
	s6 =	spop (v2sf)  }
0x1de: {  	[tilespmem:s0], [sflag:$0x1] =	stream.linear.gather [hbm4b:s2+s21], $0x80, $0x38;
	[tilespmem:$0x10400] =	vst v63  }
0x1df: {  	s0 =	sadd.s32 s3, s5;
	s2 =	sand.u32 $0x1FFFFFF0, s6;
	s5 =	spop (v2sf)  }
0x1e0: {  	[tilespmem:s31], [sflag:$0x1] =	stream.linear.gather [hbm4b:s0+s21], $0x80, $0x38;
	[tilespmem:$0x10400] =	vst v63  }
0x1e1: {  	s0 =	sadd.s32 s3, s2;
	s2 =	sand.u32 $0x1FFFFFF0, s5;
	s5 =	spop (v2sf)  }
0x1e2: {  	[tilespmem:s30], [sflag:$0x1] =	stream.linear.gather [hbm4b:s0+s21], $0x80, $0x38;
	[tilespmem:$0x10400] =	vst v63  }
0x1e3: {  	s0 =	sadd.s32 s3, s2;
	s2 =	sand.u32 $0x1FFFFFF0, s5;
	s5 =	spop (v2sf)  }
0x1e4: {  	[tilespmem:s29], [sflag:$0x1] =	stream.linear.gather [hbm4b:s0+s21], $0x80, $0x38;
	[tilespmem:$0x10400] =	vst v63  }
0x1e5: {  	s0 =	sadd.s32 s3, s2;
	s2 =	sand.u32 $0x1FFFFFF0, s5;
	s5 =	spop (v2sf)  }
0x1e6: {  	[tilespmem:s28], [sflag:$0x1] =	stream.linear.gather [hbm4b:s0+s21], $0x80, $0x38;
	[tilespmem:$0x10400] =	vst v63  }
0x1e7: {  	s2 =	sadd.s32 s3, s2;
	s0 =	sadd.s32 $0xB00, s26;
	s5 =	sand.u32 $0x1FFFFFF0, s5  }
0x1e8: {  	[tilespmem:s0], [sflag:$0x1] =	stream.linear.gather [hbm4b:s2+s21], $0x80, $0x38;
	[tilespmem:$0x10400] =	vst v63  }
0x1e9: {  	s5 =	sadd.s32 s3, s5;
	s0 =	sand.u32 $0xF0, s25;
	s2 =	sadd.s32 $0xB80, s26  }
0x1ea: {  	[tilespmem:s2], [sflag:$0x1] =	stream.linear.gather [hbm4b:s5+s21], $0x80, $0x38;
	[tilespmem:$0x10400] =	vst v63  }
0x1eb: {  	v0 =	vld [tilespmem:s0+$0x100];
	_ =	sdelay $0x4  }
0x1ec: {  	v0 =	vshll.u32 v0, $0x4  }
0x1ed: {  	(v2sf) =	vpush v0, $0x0  }
0x1ee: {  	(v2sf) =	vpush v0, $0x2  }
0x1ef: {  	(v2sf) =	vpush v0, $0x1;
	_ =	sdelay $0x1  }
.Ltmp4:
0x1f0: {  	(v2sf) =	vpush v0, $0x3;
	(pc) =	sbr.rel @p0 .LBB2_10-.Ltmp4, $2  }
0x1f1: {  	(v2sf) =	vpush v0, $0x4;
	_ =	sdelay $0x2  }
0x1f2: {  	s25 =	sadd.s32 $0x10, s25  }
0x1f3: {  	(v2sf) =	vpush v0, $0x5;
	_ =	sdelay $0x1  }
0x1f4: {  	s23 =	sshra.s32 s24, $0x2;
	(v2sf) =	vpush v0, $0x6  }
0x1f5: {  	s5 =	sadd.s32 $0x480, s23;
	s6 =	sadd.s32 $0x400, s23  }
0x1f6: {  	s24 =	sadd.s32 $0x980, s23;
	s2 =	sadd.s32 $0xA00, s23;
	s0 =	sadd.s32 $0xA80, s23;
	(v2sf) =	vpush v0, $0x7  }
0x1f7: {  	s7 =	sadd.s32 $0x800, s23;
	s8 =	sadd.s32 $0x880, s23;
	s9 =	sadd.s32 $0x900, s23  }
0x1f8: {  	s10 =	sadd.s32 $0x700, s23;
	s11 =	sadd.s32 $0x780, s23;
	s13 =	spop (v2sf);
	(v2sf) =	vpush v0, $0x8  }
0x1f9: {  	s15 =	sadd.s32 $0x500, s23;
	s13 =	sand.u32 $0x1FFFFFF0, s13;
	s17 =	spop (v2sf)  }
0x1fa: {  	s25 =	sadd.s32 $0x680, s23;
	s13 =	sadd.s32 s3, s13;
	s26 =	spop (v2sf);
	(v2sf) =	vpush v0, $0x9  }
0x1fb: {  	[tilespmem:s6], [sflag:$0x1] =	stream.linear.gather [hbm4b:s13+s21], $0x80, $0x38;
	[tilespmem:$0x10400] =	vst v63  }
0x1fc: {  	s30 =	sand.u32 $0x1FFFFFF0, s17;
	s29 =	sand.u32 $0x1FFFFFF0, s26;
	s31 =	spop (v2sf);
	(v2sf) =	vpush v0, $0xA  }
0x1fd: {  	s17 =	sadd.s32 $0x580, s23;
	s6 =	sadd.s32 s3, s29;
	s28 =	spop (v2sf)  }
0x1fe: {  	[tilespmem:s5], [sflag:$0x1] =	stream.linear.gather [hbm4b:s6+s21], $0x80, $0x38;
	(v2sf) =	vpush v0, $0xB;
	[tilespmem:$0x10400] =	vst v63  }
0x1ff: {  	s26 =	sadd.s32 $0x600, s23;
	s29 =	sadd.s32 s3, s30;
	s30 =	sand.u32 $0x1FFFFFF0, s31  }
0x200: {  	(v2sf) =	vpush v0, $0xC;
	[tilespmem:s15], [sflag:$0x1] =	stream.linear.gather [hbm4b:s29+s21], $0x80, $0x38;
	[tilespmem:$0x10400] =	vst v63  }
0x201: {  	s31 =	sand.u32 $0x1FFFFFF0, s28;
	s6 =	sadd.s32 s3, s30;
	s28 =	spop (v2sf)  }
0x202: {  	[tilespmem:s17], [sflag:$0x1] =	stream.linear.gather [hbm4b:s6+s21], $0x80, $0x38;
	(v2sf) =	vpush v0, $0xD;
	[tilespmem:$0x10400] =	vst v63  }
0x203: {  	s29 =	sadd.s32 s3, s31;
	s30 =	sand.u32 $0x1FFFFFF0, s28;
	s31 =	spop (v2sf)  }
0x204: {  	(v2sf) =	vpush v0, $0xE;
	[tilespmem:s26], [sflag:$0x1] =	stream.linear.gather [hbm4b:s29+s21], $0x80, $0x38;
	[tilespmem:$0x10400] =	vst v63  }
0x205: {  	s6 =	sadd.s32 s3, s30;
	s15 =	sand.u32 $0x1FFFFFF0, s31;
	s17 =	spop (v2sf)  }
0x206: {  	(v2sf) =	vpush v0, $0xF;
	[tilespmem:s25], [sflag:$0x1] =	stream.linear.gather [hbm4b:s6+s21], $0x80, $0x38;
	[tilespmem:$0x10400] =	vst v63  }
0x207: {  	s26 =	sand.u32 $0x1FFFFFF0, s17;
	s25 =	sadd.s32 s3, s15;
	s28 =	spop (v2sf)  }
0x208: {  	[tilespmem:s10], [sflag:$0x1] =	stream.linear.gather [hbm4b:s25+s21], $0x80, $0x38;
	[tilespmem:$0x10400] =	vst v63  }
0x209: {  	s29 =	sadd.s32 s3, s26;
	s30 =	sand.u32 $0x1FFFFFF0, s28;
	s31 =	spop (v2sf)  }
0x20a: {  	[tilespmem:s11], [sflag:$0x1] =	stream.linear.gather [hbm4b:s29+s21], $0x80, $0x38;
	[tilespmem:$0x10400] =	vst v63  }
0x20b: {  	s13 =	sadd.s32 s3, s30;
	s15 =	sand.u32 $0x1FFFFFF0, s31;
	s17 =	spop (v2sf)  }
0x20c: {  	[tilespmem:s7], [sflag:$0x1] =	stream.linear.gather [hbm4b:s13+s21], $0x80, $0x38;
	[tilespmem:$0x10400] =	vst v63  }
0x20d: {  	s25 =	sadd.s32 s3, s15;
	s26 =	sand.u32 $0x1FFFFFF0, s17;
	s28 =	spop (v2sf)  }
0x20e: {  	[tilespmem:s8], [sflag:$0x1] =	stream.linear.gather [hbm4b:s25+s21], $0x80, $0x38;
	[tilespmem:$0x10400] =	vst v63  }
0x20f: {  	s29 =	sadd.s32 s3, s26;
	s30 =	sand.u32 $0x1FFFFFF0, s28;
	s31 =	spop (v2sf)  }
0x210: {  	[tilespmem:s9], [sflag:$0x1] =	stream.linear.gather [hbm4b:s29+s21], $0x80, $0x38;
	[tilespmem:$0x10400] =	vst v63  }
0x211: {  	s8 =	sadd.s32 s3, s30;
	s9 =	sand.u32 $0x1FFFFFF0, s31;
	s10 =	spop (v2sf)  }
0x212: {  	[tilespmem:s24], [sflag:$0x1] =	stream.linear.gather [hbm4b:s8+s21], $0x80, $0x38;
	[tilespmem:$0x10400] =	vst v63  }
0x213: {  	s11 =	sadd.s32 s3, s9;
	s13 =	sand.u32 $0x1FFFFFF0, s10;
	s15 =	spop (v2sf)  }
0x214: {  	[tilespmem:s2], [sflag:$0x1] =	stream.linear.gather [hbm4b:s11+s21], $0x80, $0x38;
	[tilespmem:$0x10400] =	vst v63  }
0x215: {  	s17 =	sadd.s32 s3, s13;
	s24 =	sand.u32 $0x1FFFFFF0, s15;
	s25 =	spop (v2sf)  }
0x216: {  	[tilespmem:s0], [sflag:$0x1] =	stream.linear.gather [hbm4b:s17+s21], $0x80, $0x38;
	[tilespmem:$0x10400] =	vst v63  }
0x217: {  	s26 =	sadd.s32 $0xB00, s23;
	s28 =	sadd.s32 s3, s24;
	s29 =	sand.u32 $0x1FFFFFF0, s25  }
0x218: {  	[tilespmem:s26], [sflag:$0x1] =	stream.linear.gather [hbm4b:s28+s21], $0x80, $0x38;
	[tilespmem:$0x10400] =	vst v63  }
0x219: {  	s30 =	sadd.s32 $0xB80, s23;
	s31 =	sadd.s32 s3, s29  }
0x21a: {  	[tilespmem:s30], [sflag:$0x1] =	stream.linear.gather [hbm4b:s31+s21], $0x80, $0x38;
	[tilespmem:$0x10400] =	vst v63  }
0x21b: {  	v0 =	vld [tilespmem:s22+$0x300];
	_ =	sdelay $0x4  }
0x21c: {  	v0 =	vshll.u32 v0, $0x4  }
0x21d: {  	(v2sf) =	vpush v0, $0x0  }
0x21e: {  	(v2sf) =	vpush v0, $0x2  }
0x21f: {  	(v2sf) =	vpush v0, $0x1;
	_ =	sdelay $0x1  }
0x220: {  	(v2sf) =	vpush v0, $0x3  }
0x221: {  	(v2sf) =	vpush v0, $0x4;
	_ =	sdelay $0x2  }
0x222: {  	s23 =	simm.s32 $0x10;
	s22 =	simm.s32 $0x2000  }
.LBB2_12:
0x223: {  	p0 =	sne.s32 s22, $0x1E000;
	(v2sf) =	vpush v0, $0x5;
	s0 =	smov.u32 s22;
	s22 =	sadd.s32 $0x2000, s22  }
0x224: {  	s24 =	sshra.s32 s21, $0x2;
	s21 =	smov.u32 s0  }
0x225: {  	s5 =	sadd.s32 $0x8480, s24;
	(v2sf) =	vpush v0, $0x6  }
0x226: {  	s6 =	sadd.s32 $0x8400, s24  }
0x227: {  	s28 =	sadd.s32 $0x8980, s24;
	s26 =	sadd.s32 $0x8A00, s24;
	s25 =	sadd.s32 $0x8A80, s24;
	(v2sf) =	vpush v0, $0x7  }
0x228: {  	s2 =	sadd.s32 $0x8800, s24;
	s0 =	sadd.s32 $0x8880, s24;
	s29 =	sadd.s32 $0x8900, s24  }
0x229: {  	s7 =	sadd.s32 $0x8700, s24;
	s13 =	sadd.s32 $0x8780, s24;
	s8 =	spop (v2sf);
	(v2sf) =	vpush v0, $0x8  }
0x22a: {  	s9 =	sadd.s32 $0x8500, s24;
	s8 =	sand.u32 $0x1FFFFFF0, s8;
	s10 =	spop (v2sf)  }
0x22b: {  	s11 =	sadd.s32 $0x8680, s24;
	s8 =	sadd.s32 s4, s8;
	s15 =	spop (v2sf);
	(v2sf) =	vpush v0, $0x9  }
0x22c: {  	[tilespmem:s6], [sflag:$0x2] =	stream.linear.gather [hbm4b:s8+s1], $0x80, $0x38;
	[tilespmem:$0x10400] =	vst v63  }
0x22d: {  	s6 =	sand.u32 $0x1FFFFFF0, s15;
	s8 =	sand.u32 $0x1FFFFFF0, s10;
	s10 =	spop (v2sf);
	(v2sf) =	vpush v0, $0xA  }
0x22e: {  	s15 =	sadd.s32 $0x8600, s24;
	s6 =	sadd.s32 s4, s6;
	s17 =	spop (v2sf)  }
0x22f: {  	[tilespmem:s5], [sflag:$0x2] =	stream.linear.gather [hbm4b:s6+s1], $0x80, $0x38;
	(v2sf) =	vpush v0, $0xB;
	[tilespmem:$0x10400] =	vst v63  }
0x230: {  	s5 =	sadd.s32 s4, s8;
	s6 =	sand.u32 $0x1FFFFFF0, s10;
	s8 =	sand.u32 $0x1FFFFFF0, s17  }
0x231: {  	[tilespmem:s9], [sflag:$0x2] =	stream.linear.gather [hbm4b:s5+s1], $0x80, $0x38;
	(v2sf) =	vpush v0, $0xC;
	[tilespmem:$0x10400] =	vst v63  }
0x232: {  	s6 =	sadd.s32 s4, s6;
	s5 =	sadd.s32 $0x8580, s24;
	s9 =	spop (v2sf)  }
0x233: {  	[tilespmem:s5], [sflag:$0x2] =	stream.linear.gather [hbm4b:s6+s1], $0x80, $0x38;
	(v2sf) =	vpush v0, $0xD;
	[tilespmem:$0x10400] =	vst v63  }
0x234: {  	s5 =	sadd.s32 s4, s8;
	s6 =	sand.u32 $0x1FFFFFF0, s9;
	s8 =	spop (v2sf)  }
0x235: {  	[tilespmem:s15], [sflag:$0x2] =	stream.linear.gather [hbm4b:s5+s1], $0x80, $0x38;
	(v2sf) =	vpush v0, $0xE;
	[tilespmem:$0x10400] =	vst v63  }
0x236: {  	s5 =	sadd.s32 s4, s6;
	s6 =	sand.u32 $0x1FFFFFF0, s8;
	s8 =	spop (v2sf)  }
0x237: {  	[tilespmem:s11], [sflag:$0x2] =	stream.linear.gather [hbm4b:s5+s1], $0x80, $0x38;
	(v2sf) =	vpush v0, $0xF;
	[tilespmem:$0x10400] =	vst v63  }
0x238: {  	s5 =	sadd.s32 s4, s6;
	s6 =	sand.u32 $0x1FFFFFF0, s8;
	s8 =	spop (v2sf)  }
0x239: {  	[tilespmem:s7], [sflag:$0x2] =	stream.linear.gather [hbm4b:s5+s1], $0x80, $0x38;
	[tilespmem:$0x10400] =	vst v63  }
0x23a: {  	s5 =	sadd.s32 s4, s6;
	s6 =	sand.u32 $0x1FFFFFF0, s8;
	s7 =	spop (v2sf)  }
0x23b: {  	[tilespmem:s13], [sflag:$0x2] =	stream.linear.gather [hbm4b:s5+s1], $0x80, $0x38;
	[tilespmem:$0x10400] =	vst v63  }
0x23c: {  	s5 =	sadd.s32 s4, s6;
	s6 =	sand.u32 $0x1FFFFFF0, s7;
	s7 =	spop (v2sf)  }
0x23d: {  	[tilespmem:s2], [sflag:$0x2] =	stream.linear.gather [hbm4b:s5+s1], $0x80, $0x38;
	[tilespmem:$0x10400] =	vst v63  }
0x23e: {  	s2 =	sadd.s32 s4, s6;
	s5 =	sand.u32 $0x1FFFFFF0, s7;
	s6 =	spop (v2sf)  }
0x23f: {  	[tilespmem:s0], [sflag:$0x2] =	stream.linear.gather [hbm4b:s2+s1], $0x80, $0x38;
	[tilespmem:$0x10400] =	vst v63  }
0x240: {  	s0 =	sadd.s32 s4, s5;
	s2 =	sand.u32 $0x1FFFFFF0, s6;
	s5 =	spop (v2sf)  }
0x241: {  	[tilespmem:s29], [sflag:$0x2] =	stream.linear.gather [hbm4b:s0+s1], $0x80, $0x38;
	[tilespmem:$0x10400] =	vst v63  }
0x242: {  	s0 =	sadd.s32 s4, s2;
	s2 =	sand.u32 $0x1FFFFFF0, s5;
	s5 =	spop (v2sf)  }
0x243: {  	[tilespmem:s28], [sflag:$0x2] =	stream.linear.gather [hbm4b:s0+s1], $0x80, $0x38;
	[tilespmem:$0x10400] =	vst v63  }
0x244: {  	s0 =	sadd.s32 s4, s2;
	s2 =	sand.u32 $0x1FFFFFF0, s5;
	s5 =	spop (v2sf)  }
0x245: {  	[tilespmem:s26], [sflag:$0x2] =	stream.linear.gather [hbm4b:s0+s1], $0x80, $0x38;
	[tilespmem:$0x10400] =	vst v63  }
0x246: {  	s0 =	sadd.s32 s4, s2;
	s2 =	sand.u32 $0x1FFFFFF0, s5;
	s5 =	spop (v2sf)  }
0x247: {  	[tilespmem:s25], [sflag:$0x2] =	stream.linear.gather [hbm4b:s0+s1], $0x80, $0x38;
	[tilespmem:$0x10400] =	vst v63  }
0x248: {  	s2 =	sadd.s32 s4, s2;
	s0 =	sadd.s32 $0x8B00, s24;
	s5 =	sand.u32 $0x1FFFFFF0, s5  }
0x249: {  	[tilespmem:s0], [sflag:$0x2] =	stream.linear.gather [hbm4b:s2+s1], $0x80, $0x38;
	[tilespmem:$0x10400] =	vst v63  }
0x24a: {  	s5 =	sadd.s32 s4, s5;
	s0 =	sand.u32 $0xF0, s23;
	s2 =	sadd.s32 $0x8B80, s24  }
0x24b: {  	[tilespmem:s2], [sflag:$0x2] =	stream.linear.gather [hbm4b:s5+s1], $0x80, $0x38;
	[tilespmem:$0x10400] =	vst v63  }
0x24c: {  	v0 =	vld [tilespmem:s0+$0x300];
	_ =	sdelay $0x4  }
0x24d: {  	v0 =	vshll.u32 v0, $0x4  }
0x24e: {  	(v2sf) =	vpush v0, $0x0  }
0x24f: {  	(v2sf) =	vpush v0, $0x2  }
0x250: {  	(v2sf) =	vpush v0, $0x1;
	_ =	sdelay $0x1  }
.Ltmp5:
0x251: {  	(v2sf) =	vpush v0, $0x3;
	(pc) =	sbr.rel @p0 .LBB2_12-.Ltmp5, $2  }
0x252: {  	(v2sf) =	vpush v0, $0x4;
	_ =	sdelay $0x2  }
0x253: {  	s23 =	sadd.s32 $0x10, s23  }
0x254: {  	(v2sf) =	vpush v0, $0x5;
	_ =	sdelay $0x1  }
0x255: {  	s21 =	sshra.s32 s21, $0x2;
	(v2sf) =	vpush v0, $0x6  }
0x256: {  	s5 =	sadd.s32 $0x8480, s21;
	s6 =	sadd.s32 $0x8400, s21  }
0x257: {  	s22 =	sadd.s32 $0x8980, s21;
	s2 =	sadd.s32 $0x8A00, s21;
	s0 =	sadd.s32 $0x8A80, s21;
	(v2sf) =	vpush v0, $0x7  }
0x258: {  	s7 =	sadd.s32 $0x8800, s21;
	s8 =	sadd.s32 $0x8880, s21;
	s9 =	sadd.s32 $0x8900, s21  }
0x259: {  	s10 =	sadd.s32 $0x8700, s21;
	s11 =	sadd.s32 $0x8780, s21;
	s13 =	spop (v2sf);
	(v2sf) =	vpush v0, $0x8  }
0x25a: {  	s15 =	sadd.s32 $0x8500, s21;
	s13 =	sand.u32 $0x1FFFFFF0, s13;
	s17 =	spop (v2sf)  }
0x25b: {  	s23 =	sadd.s32 $0x8680, s21;
	s13 =	sadd.s32 s4, s13;
	s24 =	spop (v2sf);
	(v2sf) =	vpush v0, $0x9  }
0x25c: {  	[tilespmem:s6], [sflag:$0x2] =	stream.linear.gather [hbm4b:s13+s1], $0x80, $0x38;
	[tilespmem:$0x10400] =	vst v63  }
0x25d: {  	s30 =	sand.u32 $0x1FFFFFF0, s17;
	s29 =	sand.u32 $0x1FFFFFF0, s24;
	s31 =	spop (v2sf);
	(v2sf) =	vpush v0, $0xA  }
0x25e: {  	s24 =	sadd.s32 $0x8600, s21;
	s6 =	sadd.s32 s4, s29;
	s25 =	spop (v2sf)  }
0x25f: {  	[tilespmem:s5], [sflag:$0x2] =	stream.linear.gather [hbm4b:s6+s1], $0x80, $0x38;
	(v2sf) =	vpush v0, $0xB;
	[tilespmem:$0x10400] =	vst v63  }
0x260: {  	s26 =	sadd.s32 s4, s30;
	s30 =	sadd.s32 $0x8580, s21;
	s28 =	sand.u32 $0x1FFFFFF0, s31  }
0x261: {  	(v2sf) =	vpush v0, $0xC;
	[tilespmem:s15], [sflag:$0x2] =	stream.linear.gather [hbm4b:s26+s1], $0x80, $0x38;
	[tilespmem:$0x10400] =	vst v63  }
0x262: {  	s29 =	sand.u32 $0x1FFFFFF0, s25;
	s6 =	sadd.s32 s4, s28;
	s31 =	spop (v2sf)  }
0x263: {  	[tilespmem:s30], [sflag:$0x2] =	stream.linear.gather [hbm4b:s6+s1], $0x80, $0x38;
	(v2sf) =	vpush v0, $0xD;
	[tilespmem:$0x10400] =	vst v63  }
0x264: {  	s13 =	sadd.s32 s4, s29;
	s15 =	sand.u32 $0x1FFFFFF0, s31;
	s17 =	spop (v2sf)  }
0x265: {  	(v2sf) =	vpush v0, $0xE;
	[tilespmem:s24], [sflag:$0x2] =	stream.linear.gather [hbm4b:s13+s1], $0x80, $0x38;
	[tilespmem:$0x10400] =	vst v63  }
0x266: {  	s25 =	sadd.s32 s4, s15;
	s26 =	sand.u32 $0x1FFFFFF0, s17;
	s28 =	spop (v2sf)  }
0x267: {  	(v2sf) =	vpush v0, $0xF;
	[tilespmem:s23], [sflag:$0x2] =	stream.linear.gather [hbm4b:s25+s1], $0x80, $0x38;
	[tilespmem:$0x10400] =	vst v63  }
0x268: {  	s29 =	sadd.s32 s4, s26;
	s30 =	sand.u32 $0x1FFFFFF0, s28;
	s31 =	spop (v2sf)  }
0x269: {  	[tilespmem:s10], [sflag:$0x2] =	stream.linear.gather [hbm4b:s29+s1], $0x80, $0x38;
	[tilespmem:$0x10400] =	vst v63  }
0x26a: {  	s10 =	sadd.s32 s4, s30;
	s13 =	sand.u32 $0x1FFFFFF0, s31;
	s15 =	spop (v2sf)  }
0x26b: {  	[tilespmem:s11], [sflag:$0x2] =	stream.linear.gather [hbm4b:s10+s1], $0x80, $0x38;
	[tilespmem:$0x10400] =	vst v63  }
0x26c: {  	s17 =	sadd.s32 s4, s13;
	s23 =	sand.u32 $0x1FFFFFF0, s15;
	s24 =	spop (v2sf)  }
0x26d: {  	[tilespmem:s7], [sflag:$0x2] =	stream.linear.gather [hbm4b:s17+s1], $0x80, $0x38;
	[tilespmem:$0x10400] =	vst v63  }
0x26e: {  	s25 =	sadd.s32 s4, s23;
	s26 =	sand.u32 $0x1FFFFFF0, s24;
	s28 =	spop (v2sf)  }
0x26f: {  	[tilespmem:s8], [sflag:$0x2] =	stream.linear.gather [hbm4b:s25+s1], $0x80, $0x38;
	[tilespmem:$0x10400] =	vst v63  }
0x270: {  	s29 =	sadd.s32 s4, s26;
	s30 =	sand.u32 $0x1FFFFFF0, s28;
	s31 =	spop (v2sf)  }
0x271: {  	[tilespmem:s9], [sflag:$0x2] =	stream.linear.gather [hbm4b:s29+s1], $0x80, $0x38;
	[tilespmem:$0x10400] =	vst v63  }
0x272: {  	s6 =	sadd.s32 s4, s30;
	s7 =	sand.u32 $0x1FFFFFF0, s31;
	s8 =	spop (v2sf)  }
0x273: {  	[tilespmem:s22], [sflag:$0x2] =	stream.linear.gather [hbm4b:s6+s1], $0x80, $0x38;
	[tilespmem:$0x10400] =	vst v63  }
0x274: {  	s9 =	sadd.s32 s4, s7;
	s10 =	sand.u32 $0x1FFFFFF0, s8;
	s11 =	spop (v2sf)  }
0x275: {  	[tilespmem:s2], [sflag:$0x2] =	stream.linear.gather [hbm4b:s9+s1], $0x80, $0x38;
	[tilespmem:$0x10400] =	vst v63  }
0x276: {  	s13 =	sadd.s32 s4, s10;
	s15 =	sand.u32 $0x1FFFFFF0, s11;
	s17 =	spop (v2sf)  }
0x277: {  	[tilespmem:s0], [sflag:$0x2] =	stream.linear.gather [hbm4b:s13+s1], $0x80, $0x38;
	[tilespmem:$0x10400] =	vst v63  }
0x278: {  	s22 =	sadd.s32 $0x8B00, s21;
	s23 =	sadd.s32 s4, s15;
	s24 =	sand.u32 $0x1FFFFFF0, s17  }
0x279: {  	[tilespmem:s22], [sflag:$0x2] =	stream.linear.gather [hbm4b:s23+s1], $0x80, $0x38;
	[tilespmem:$0x10400] =	vst v63  }
0x27a: {  	s25 =	sadd.s32 $0x8B80, s21;
	s26 =	sadd.s32 s4, s24  }
0x27b: {  	[tilespmem:s25], [sflag:$0x2] =	stream.linear.gather [hbm4b:s26+s1], $0x80, $0x38;
	[tilespmem:$0x10400] =	vst v63  }
0x27c: {  	_ =	swait.ge [sflag:s14], $0x8000  }
0x27d: {  	[sflag:s14] =	ssyncset.done $0x0  }
0x27e: {  	s21 =	simm.s32 $0x0;
	[sflag:s14] =	ssyncadd.s32 $0xFFFF8000  }
0x27f: {  	v0 =	vld [tilespmem:s21+$0x410]  }
0x280: {  	v1 =	vld [tilespmem:s21+$0x400];
	_ =	sdelay $0x1  }
0x281: {  	v2 =	vld [tilespmem:s21+$0x420];
	_ =	sdelay $0x1  }
0x282: {  	v3 =	vld [tilespmem:s21+$0x430]  }
0x283: {  	v4 =	vmul.f32 v1, v1;
	v5 =	vmul.f32 v0, v0;
	_ =	sdelay $0x1  }
0x284: {  	v62 =	vmul.f32 v2, v2;
	v4 =	vadd.f32 v5, v4;
	_ =	sdelay $0x1  }
0x285: {  	v63 =	vmul.f32 v3, v3;
	v4 =	vadd.f32 v62, v4;
	_ =	sdelay $0x1  }
0x286: {  	v4 =	vadd.f32 v63, v4;
	_ =	sdelay $0x1  }
0x287: {  	(xrf2) =	vadd.scan.msk.f32 $0xffff, v4;
	_ =	sdelay $0x9  }
0x288: {  	v4, _, _ =	vpop (xrf2)  }
0x289: {  	(v2sf) =	vpush v4, $0xF;
	_ =	sdelay $0xe  }
0x28a: {  	s28 =	spop (v2sf)  }
0x28b: {  	s29 =	sshrl.u32 s28, $0x1;
	s30 =	smul.f32 $5.000000000e-01, s28  }
0x28c: {  	s2 =	ssub.s32 $0x5F3759DF, s29  }
0x28d: {  	s31 =	smul.f32 s2, s30;
	_ =	sdelay $0x1  }
0x28e: {  	s6 =	smul.f32 s2, s31;
	_ =	sdelay $0x1  }
0x28f: {  	s6 =	ssub.f32 $1.500000000e+00, s6;
	_ =	sdelay $0x1  }
0x290: {  	s2 =	smul.f32 s2, s6;
	_ =	sdelay $0x1  }
0x291: {  	s6 =	smul.f32 s2, s30;
	_ =	sdelay $0x1  }
0x292: {  	s6 =	smul.f32 s6, s2;
	_ =	sdelay $0x1  }
0x293: {  	s6 =	ssub.f32 $1.500000000e+00, s6;
	_ =	sdelay $0x1  }
0x294: {  	s2 =	smul.f32 s6, s2;
	_ =	sdelay $0x1  }
0x295: {  	s5 =	smul.f32 s2, s30;
	_ =	sdelay $0x1  }
0x296: {  	s5 =	smul.f32 s5, s2;
	_ =	sdelay $0x1  }
0x297: {  	s5 =	ssub.f32 $1.500000000e+00, s5;
	_ =	sdelay $0x1  }
0x298: {  	s2 =	smul.f32 s5, s2;
	_ =	sdelay $0x1  }
0x299: {  	s0 =	smul.f32 s2, s28;
	_ =	sdelay $0x1  }
0x29a: {  	p0 =	sgt.f32 s0, $9.999999960e-13;
	_ =	sdelay $0x1  }
0x29b: {  	s2 =	simm.s32 @!p0 $0x5368D4A5  }
0x29c: {  	v1 =	vmul.f32 s2, v1  }
0x29d: {  	v0 =	vmul.f32 s2, v0  }
0x29e: {  	v2 =	vmul.f32 s2, v2;
	[tilespmem:s21+$0x400] =	vst v1  }
0x29f: {  	s0 =	simm.s32 $0x80;
	[tilespmem:s21+$0x410] =	vst v0;
	v1 =	vmul.f32 s2, v3  }
0x2a0: {  	s22 =	simm.s32 $0x400;
	v0 =	vld [tilespmem:s0+$0x410];
	[tilespmem:s21+$0x420] =	vst v2  }
.LBB2_14:
0x2a1: {  	p0 =	sne.s32 s22, $0x1FE00;
	v2 =	vld [tilespmem:s0+$0x400];
	[tilespmem:s21+$0x430] =	vst v1;
	s21 =	smov.u32 s0;
	_ =	sdelay $0x1  }
0x2a2: {  	v1 =	vld [tilespmem:s21+$0x420];
	_ =	sdelay $0x1  }
0x2a3: {  	v3 =	vld [tilespmem:s21+$0x430]  }
0x2a4: {  	v5 =	vmul.f32 v0, v0;
	v4 =	vmul.f32 v2, v2;
	_ =	sdelay $0x1  }
0x2a5: {  	v4 =	vadd.f32 v5, v4;
	v5 =	vmul.f32 v1, v1;
	_ =	sdelay $0x1  }
0x2a6: {  	v4 =	vadd.f32 v5, v4;
	v5 =	vmul.f32 v3, v3;
	_ =	sdelay $0x1  }
0x2a7: {  	v4 =	vadd.f32 v5, v4;
	_ =	sdelay $0x1  }
0x2a8: {  	(xrf2) =	vadd.scan.msk.f32 $0xffff, v4;
	_ =	sdelay $0x9  }
0x2a9: {  	v4, _, _ =	vpop (xrf2)  }
0x2aa: {  	(v2sf) =	vpush v4, $0xF;
	_ =	sdelay $0xe  }
0x2ab: {  	s0 =	spop (v2sf)  }
0x2ac: {  	s2 =	sshrl.u32 s0, $0x1;
	s5 =	smul.f32 $5.000000000e-01, s0  }
0x2ad: {  	s2 =	ssub.s32 $0x5F3759DF, s2  }
0x2ae: {  	s6 =	smul.f32 s2, s5;
	_ =	sdelay $0x1  }
0x2af: {  	s6 =	smul.f32 s2, s6;
	_ =	sdelay $0x1  }
0x2b0: {  	s6 =	ssub.f32 $1.500000000e+00, s6;
	_ =	sdelay $0x1  }
0x2b1: {  	s2 =	smul.f32 s2, s6;
	_ =	sdelay $0x1  }
0x2b2: {  	s6 =	smul.f32 s2, s5;
	_ =	sdelay $0x1  }
0x2b3: {  	s6 =	smul.f32 s6, s2;
	_ =	sdelay $0x1  }
0x2b4: {  	s6 =	ssub.f32 $1.500000000e+00, s6;
	_ =	sdelay $0x1  }
0x2b5: {  	s2 =	smul.f32 s6, s2;
	_ =	sdelay $0x1  }
0x2b6: {  	s5 =	smul.f32 s2, s5;
	_ =	sdelay $0x1  }
0x2b7: {  	s5 =	smul.f32 s5, s2;
	_ =	sdelay $0x1  }
0x2b8: {  	s5 =	ssub.f32 $1.500000000e+00, s5;
	_ =	sdelay $0x1  }
0x2b9: {  	s2 =	smul.f32 s5, s2;
	_ =	sdelay $0x1  }
0x2ba: {  	s0 =	smul.f32 s2, s0;
	_ =	sdelay $0x1  }
0x2bb: {  	p1 =	sgt.f32 s0, $9.999999960e-13;
	_ =	sdelay $0x1  }
0x2bc: {  	s2 =	simm.s32 @!p1 $0x5368D4A5  }
.Ltmp6:
0x2bd: {  	v2 =	vmul.f32 s2, v2;
	v0 =	vmul.f32 s2, v0;
	(pc) =	sbr.rel @p0 .LBB2_14-.Ltmp6, $4  }
0x2be: {  	v4 =	vmul.f32 s2, v1;
	v1 =	vmul.f32 s2, v3  }
0x2bf: {  	[tilespmem:s21+$0x400] =	vst v2  }
0x2c0: {  	s0 =	sshra.s32 s22, $0x2;
	[tilespmem:s21+$0x410] =	vst v0  }
0x2c1: {  	s22 =	sadd.s32 $0x200, s22;
	v0 =	vld [tilespmem:s0+$0x410];
	[tilespmem:s21+$0x420] =	vst v4  }
0x2c2: {  	v2 =	vld [tilespmem:s0+$0x400]  }
0x2c3: {  	[tilespmem:s21+$0x430] =	vst v1  }
0x2c4: {  	v1 =	vld [tilespmem:s0+$0x420];
	_ =	sdelay $0x1  }
0x2c5: {  	v3 =	vld [tilespmem:s0+$0x430]  }
0x2c6: {  	v5 =	vmul.f32 v0, v0;
	v4 =	vmul.f32 v2, v2;
	_ =	sdelay $0x1  }
0x2c7: {  	v58 =	vmul.f32 v1, v1;
	v4 =	vadd.f32 v5, v4;
	_ =	sdelay $0x1  }
0x2c8: {  	v59 =	vmul.f32 v3, v3;
	v4 =	vadd.f32 v58, v4;
	_ =	sdelay $0x1  }
0x2c9: {  	v4 =	vadd.f32 v59, v4;
	_ =	sdelay $0x1  }
0x2ca: {  	(xrf2) =	vadd.scan.msk.f32 $0xffff, v4;
	_ =	sdelay $0x9  }
0x2cb: {  	v4, _, _ =	vpop (xrf2)  }
0x2cc: {  	(v2sf) =	vpush v4, $0xF;
	_ =	sdelay $0xe  }
0x2cd: {  	s2 =	spop (v2sf)  }
0x2ce: {  	s5 =	sshrl.u32 s2, $0x1;
	s6 =	smul.f32 $5.000000000e-01, s2  }
0x2cf: {  	s5 =	ssub.s32 $0x5F3759DF, s5  }
0x2d0: {  	s7 =	smul.f32 s5, s6;
	_ =	sdelay $0x1  }
0x2d1: {  	s7 =	smul.f32 s5, s7;
	_ =	sdelay $0x1  }
0x2d2: {  	s7 =	ssub.f32 $1.500000000e+00, s7;
	_ =	sdelay $0x1  }
0x2d3: {  	s5 =	smul.f32 s5, s7;
	_ =	sdelay $0x1  }
0x2d4: {  	s7 =	smul.f32 s5, s6;
	_ =	sdelay $0x1  }
0x2d5: {  	s7 =	smul.f32 s7, s5;
	_ =	sdelay $0x1  }
0x2d6: {  	s7 =	ssub.f32 $1.500000000e+00, s7;
	_ =	sdelay $0x1  }
0x2d7: {  	s5 =	smul.f32 s7, s5;
	_ =	sdelay $0x1  }
0x2d8: {  	s6 =	smul.f32 s5, s6;
	_ =	sdelay $0x1  }
0x2d9: {  	s6 =	smul.f32 s6, s5;
	_ =	sdelay $0x1  }
0x2da: {  	s6 =	ssub.f32 $1.500000000e+00, s6;
	_ =	sdelay $0x1  }
0x2db: {  	s5 =	smul.f32 s6, s5;
	_ =	sdelay $0x1  }
0x2dc: {  	s2 =	smul.f32 s5, s2;
	_ =	sdelay $0x1  }
0x2dd: {  	p0 =	sgt.f32 s2, $9.999999960e-13;
	_ =	sdelay $0x1  }
0x2de: {  	s5 =	simm.s32 @!p0 $0x5368D4A5  }
0x2df: {  	v2 =	vmul.f32 s5, v2  }
0x2e0: {  	v0 =	vmul.f32 s5, v0  }
0x2e1: {  	v1 =	vmul.f32 s5, v1;
	[tilespmem:s0+$0x400] =	vst v2  }
0x2e2: {  	v2 =	vmul.f32 s5, v3;
	[tilespmem:s0+$0x410] =	vst v0  }
0x2e3: {  	[tilespmem:s0+$0x420] =	vst v1  }
0x2e4: {  	s25 =	simm.s32 $0x0;
	s26 =	rddreg [dreg:$0x8];
	s11 =	simm.s32 $0x400;
	[tilespmem:s0+$0x430] =	vst v2  }
0x2e5: {  	[hbm4b:s26+s25] =	stream.linear.scatter [tilespmem:s11], [sflag:$0x3], $0x8000, $0x38;
	[tilespmem:$0x10400] =	vst v63  }
0x2e6: {  	_ =	swait.ge [sflag:s16], $0x8000  }
0x2e7: {  	[sflag:s16] =	ssyncset.done $0x0  }
0x2e8: {  	s21 =	simm.s32 $0x0;
	[sflag:s16] =	ssyncadd.s32 $0xFFFF8000  }
0x2e9: {  	v0 =	vld [tilespmem:s21+$0x8410]  }
0x2ea: {  	v1 =	vld [tilespmem:s21+$0x8400];
	_ =	sdelay $0x1  }
0x2eb: {  	v2 =	vld [tilespmem:s21+$0x8420];
	_ =	sdelay $0x1  }
0x2ec: {  	v3 =	vld [tilespmem:s21+$0x8430]  }
0x2ed: {  	v60 =	vmul.f32 v1, v1;
	v61 =	vmul.f32 v0, v0;
	_ =	sdelay $0x1  }
0x2ee: {  	v62 =	vmul.f32 v2, v2;
	v4 =	vadd.f32 v61, v60;
	_ =	sdelay $0x1  }
0x2ef: {  	v63 =	vmul.f32 v3, v3;
	v4 =	vadd.f32 v62, v4;
	_ =	sdelay $0x1  }
0x2f0: {  	v4 =	vadd.f32 v63, v4;
	_ =	sdelay $0x1  }
0x2f1: {  	(xrf2) =	vadd.scan.msk.f32 $0xffff, v4;
	_ =	sdelay $0x9  }
0x2f2: {  	v4, _, _ =	vpop (xrf2)  }
0x2f3: {  	(v2sf) =	vpush v4, $0xF;
	_ =	sdelay $0xe  }
0x2f4: {  	s28 =	spop (v2sf)  }
0x2f5: {  	s29 =	sshrl.u32 s28, $0x1;
	s30 =	smul.f32 $5.000000000e-01, s28  }
0x2f6: {  	s2 =	ssub.s32 $0x5F3759DF, s29  }
0x2f7: {  	s31 =	smul.f32 s2, s30;
	_ =	sdelay $0x1  }
0x2f8: {  	s6 =	smul.f32 s2, s31;
	_ =	sdelay $0x1  }
0x2f9: {  	s6 =	ssub.f32 $1.500000000e+00, s6;
	_ =	sdelay $0x1  }
0x2fa: {  	s2 =	smul.f32 s2, s6;
	_ =	sdelay $0x1  }
0x2fb: {  	s6 =	smul.f32 s2, s30;
	_ =	sdelay $0x1  }
0x2fc: {  	s6 =	smul.f32 s6, s2;
	_ =	sdelay $0x1  }
0x2fd: {  	s6 =	ssub.f32 $1.500000000e+00, s6;
	_ =	sdelay $0x1  }
0x2fe: {  	s2 =	smul.f32 s6, s2;
	_ =	sdelay $0x1  }
0x2ff: {  	s5 =	smul.f32 s2, s30;
	_ =	sdelay $0x1  }
0x300: {  	s5 =	smul.f32 s5, s2;
	_ =	sdelay $0x1  }
0x301: {  	s5 =	ssub.f32 $1.500000000e+00, s5;
	_ =	sdelay $0x1  }
0x302: {  	s2 =	smul.f32 s5, s2;
	_ =	sdelay $0x1  }
0x303: {  	s0 =	smul.f32 s2, s28;
	_ =	sdelay $0x1  }
0x304: {  	p0 =	sgt.f32 s0, $9.999999960e-13;
	_ =	sdelay $0x1  }
0x305: {  	s2 =	simm.s32 @!p0 $0x5368D4A5  }
0x306: {  	v1 =	vmul.f32 s2, v1  }
0x307: {  	v0 =	vmul.f32 s2, v0  }
0x308: {  	v2 =	vmul.f32 s2, v2;
	[tilespmem:s21+$0x8400] =	vst v1  }
0x309: {  	s0 =	simm.s32 $0x80;
	[tilespmem:s21+$0x8410] =	vst v0;
	v1 =	vmul.f32 s2, v3  }
0x30a: {  	s22 =	simm.s32 $0x400;
	v0 =	vld [tilespmem:s0+$0x8410];
	[tilespmem:s21+$0x8420] =	vst v2  }
.LBB2_16:
0x30b: {  	p0 =	sne.s32 s22, $0x1FE00;
	v2 =	vld [tilespmem:s0+$0x8400];
	[tilespmem:s21+$0x8430] =	vst v1;
	s21 =	smov.u32 s0;
	_ =	sdelay $0x1  }
0x30c: {  	v1 =	vld [tilespmem:s21+$0x8420];
	_ =	sdelay $0x1  }
0x30d: {  	v3 =	vld [tilespmem:s21+$0x8430]  }
0x30e: {  	v5 =	vmul.f32 v0, v0;
	v4 =	vmul.f32 v2, v2;
	_ =	sdelay $0x1  }
0x30f: {  	v4 =	vadd.f32 v5, v4;
	v5 =	vmul.f32 v1, v1;
	_ =	sdelay $0x1  }
0x310: {  	v4 =	vadd.f32 v5, v4;
	v5 =	vmul.f32 v3, v3;
	_ =	sdelay $0x1  }
0x311: {  	v4 =	vadd.f32 v5, v4;
	_ =	sdelay $0x1  }
0x312: {  	(xrf2) =	vadd.scan.msk.f32 $0xffff, v4;
	_ =	sdelay $0x9  }
0x313: {  	v4, _, _ =	vpop (xrf2)  }
0x314: {  	(v2sf) =	vpush v4, $0xF;
	_ =	sdelay $0xe  }
0x315: {  	s0 =	spop (v2sf)  }
0x316: {  	s2 =	sshrl.u32 s0, $0x1;
	s5 =	smul.f32 $5.000000000e-01, s0  }
0x317: {  	s2 =	ssub.s32 $0x5F3759DF, s2  }
0x318: {  	s6 =	smul.f32 s2, s5;
	_ =	sdelay $0x1  }
0x319: {  	s6 =	smul.f32 s2, s6;
	_ =	sdelay $0x1  }
0x31a: {  	s6 =	ssub.f32 $1.500000000e+00, s6;
	_ =	sdelay $0x1  }
0x31b: {  	s2 =	smul.f32 s2, s6;
	_ =	sdelay $0x1  }
0x31c: {  	s6 =	smul.f32 s2, s5;
	_ =	sdelay $0x1  }
0x31d: {  	s6 =	smul.f32 s6, s2;
	_ =	sdelay $0x1  }
0x31e: {  	s6 =	ssub.f32 $1.500000000e+00, s6;
	_ =	sdelay $0x1  }
0x31f: {  	s2 =	smul.f32 s6, s2;
	_ =	sdelay $0x1  }
0x320: {  	s5 =	smul.f32 s2, s5;
	_ =	sdelay $0x1  }
0x321: {  	s5 =	smul.f32 s5, s2;
	_ =	sdelay $0x1  }
0x322: {  	s5 =	ssub.f32 $1.500000000e+00, s5;
	_ =	sdelay $0x1  }
0x323: {  	s2 =	smul.f32 s5, s2;
	_ =	sdelay $0x1  }
0x324: {  	s0 =	smul.f32 s2, s0;
	_ =	sdelay $0x1  }
0x325: {  	p1 =	sgt.f32 s0, $9.999999960e-13;
	_ =	sdelay $0x1  }
0x326: {  	s2 =	simm.s32 @!p1 $0x5368D4A5  }
.Ltmp7:
0x327: {  	v2 =	vmul.f32 s2, v2;
	v0 =	vmul.f32 s2, v0;
	(pc) =	sbr.rel @p0 .LBB2_16-.Ltmp7, $4  }
0x328: {  	v4 =	vmul.f32 s2, v1;
	v1 =	vmul.f32 s2, v3  }
0x329: {  	[tilespmem:s21+$0x8400] =	vst v2  }
0x32a: {  	s0 =	sshra.s32 s22, $0x2;
	[tilespmem:s21+$0x8410] =	vst v0  }
0x32b: {  	s22 =	sadd.s32 $0x200, s22;
	v0 =	vld [tilespmem:s0+$0x8410];
	[tilespmem:s21+$0x8420] =	vst v4  }
0x32c: {  	v2 =	vld [tilespmem:s0+$0x8400]  }
0x32d: {  	[tilespmem:s21+$0x8430] =	vst v1  }
0x32e: {  	v1 =	vld [tilespmem:s0+$0x8420];
	_ =	sdelay $0x1  }
0x32f: {  	v3 =	vld [tilespmem:s0+$0x8430]  }
0x330: {  	v5 =	vmul.f32 v0, v0;
	v4 =	vmul.f32 v2, v2;
	_ =	sdelay $0x1  }
0x331: {  	v60 =	vmul.f32 v1, v1;
	v4 =	vadd.f32 v5, v4;
	_ =	sdelay $0x1  }
0x332: {  	v61 =	vmul.f32 v3, v3;
	v4 =	vadd.f32 v60, v4;
	_ =	sdelay $0x1  }
0x333: {  	v4 =	vadd.f32 v61, v4;
	_ =	sdelay $0x1  }
0x334: {  	(xrf2) =	vadd.scan.msk.f32 $0xffff, v4;
	_ =	sdelay $0x9  }
0x335: {  	v4, _, _ =	vpop (xrf2)  }
0x336: {  	(v2sf) =	vpush v4, $0xF;
	_ =	sdelay $0xe  }
0x337: {  	s2 =	spop (v2sf)  }
0x338: {  	s5 =	sshrl.u32 s2, $0x1;
	s6 =	smul.f32 $5.000000000e-01, s2  }
0x339: {  	s5 =	ssub.s32 $0x5F3759DF, s5  }
0x33a: {  	s7 =	smul.f32 s5, s6;
	_ =	sdelay $0x1  }
0x33b: {  	s7 =	smul.f32 s5, s7;
	_ =	sdelay $0x1  }
0x33c: {  	s7 =	ssub.f32 $1.500000000e+00, s7;
	_ =	sdelay $0x1  }
0x33d: {  	s5 =	smul.f32 s5, s7;
	_ =	sdelay $0x1  }
0x33e: {  	s7 =	smul.f32 s5, s6;
	_ =	sdelay $0x1  }
0x33f: {  	s7 =	smul.f32 s7, s5;
	_ =	sdelay $0x1  }
0x340: {  	s7 =	ssub.f32 $1.500000000e+00, s7;
	_ =	sdelay $0x1  }
0x341: {  	s5 =	smul.f32 s7, s5;
	_ =	sdelay $0x1  }
0x342: {  	s6 =	smul.f32 s5, s6;
	_ =	sdelay $0x1  }
0x343: {  	s6 =	smul.f32 s6, s5;
	_ =	sdelay $0x1  }
0x344: {  	s6 =	ssub.f32 $1.500000000e+00, s6;
	_ =	sdelay $0x1  }
0x345: {  	s5 =	smul.f32 s6, s5;
	_ =	sdelay $0x1  }
0x346: {  	s2 =	smul.f32 s5, s2;
	_ =	sdelay $0x1  }
0x347: {  	p0 =	sgt.f32 s2, $9.999999960e-13;
	_ =	sdelay $0x1  }
0x348: {  	s5 =	simm.s32 @!p0 $0x5368D4A5  }
0x349: {  	v2 =	vmul.f32 s5, v2  }
0x34a: {  	v62 =	vmul.f32 s5, v0  }
0x34b: {  	v1 =	vmul.f32 s5, v1;
	[tilespmem:s0+$0x8400] =	vst v2  }
0x34c: {  	v63 =	vmul.f32 s5, v3;
	[tilespmem:s0+$0x8410] =	vst v62  }
0x34d: {  	[tilespmem:s0+$0x8420] =	vst v1  }
0x34e: {  	s29 =	rddreg [dreg:$0x9];
	s30 =	simm.s32 $0x8400;
	[tilespmem:s0+$0x8430] =	vst v63  }
0x34f: {  	[hbm4b:s29+s1] =	stream.linear.scatter [tilespmem:s30], [sflag:$0x4], $0x8000, $0x38;
	[tilespmem:$0x10400] =	vst v63  }
0x350: {  	_ =	swait.ge [sflag:s18], $0x8000  }
0x351: {  	[sflag:s18] =	ssyncset.done $0x0  }
0x352: {  	[sflag:s18] =	ssyncadd.s32 $0xFFFF8000  }
0x353: {  	_ =	swait.ge [sflag:s19], $0x8000  }
0x354: {  	s20 =	sadd.s32 $0x1, s20;
	s31 =	rddreg [dreg:$0xa]  }
0x355: {  	p0 =	sne.s32 s20, s31  }
.Ltmp8:
0x356: {  	_ = 	snop;
	(pc) =	sbr.rel @p0 .LBB2_1-.Ltmp8, $3  }
0x357: {  	_ =	sdelay $0x1  }
0x358: {  	[sflag:s19] =	ssyncset.done $0x0  }
0x359: {  	[sflag:s19] =	ssyncadd.s32 $0xFFFF8000  }
0x35a: {  	_ =	sfence.sel $0x180000  }
0x35b: {  	[bflag:$0x0] =	sbarrier.arrive $0xFFFF  }
0x35c: {  	_ =	strace $0x90000047  }
0x35d: {  	s0 =	stileid.u32;
	[bflag:$0x2] =	sbarrier.arrive $0xFFFF  }
0x35e: {  	p0 =	sne.s32 s0, $0x0;
	s0 =	rddreg [dreg:$0x3]  }
0x35f: {  	s0 =	sadd.s32 @!p0 $0x100000, s0  }
0x360: {  	[sflag:s0] =	ssyncadd.tile.s32 @!p0 $0x1;
	_ =	shalt  }
.Lfunc_end2:
_tile_overlayer_lowered:
.L_overlay_start_2:
0x361: {  	(tag) =	ssettag $0x2  }
0x362: {  	s0 =	rddreg [dreg:$0x0];
	s2 =	stileid.u32  }
0x363: {  	s1 =	rddreg [dreg:$0x1];
	p0 =	sne.s32 s2, $0x0  }
0x364: {  	s3 =	rddreg [dreg:$0x2];
	[bflag:$0x3] =	sbarrier.arrive $0xFFFF;
	s2 =	simm.s32 @!p0 $0x1C05  }
0x365: {  	[timem:s3], [sflag:s2] =	dma.local @!p0 [hbm:s0], s1  }
0x366: {  	s0 =	simm.s32 @!p0 $0x5  }
0x367: {  	_ =	swait.ge @!p0 [sflag:s0], s1  }
0x368: {  	s1 =	ssub.s32 @!p0 $0x0, s1;
	[sflag:s0] =	ssyncset.done @!p0 $0x0  }
0x369: {  	[sflag:s0] =	ssyncadd.s32 @!p0 s1  }
0x36a: {  	[bflag:$0x3] =	sbarrier.arrive $0xFFFF  }
0x36b: {  	_ =	shalt  }

</sc_bundles>
